<compile_context>
chip_gen: v7x
topology: tpu7x:2x2x1
jax: 0.10.2.dev20260603
libtpu: 0.0.44.dev20260713+nightly
codegen_flags: <defaults>
</compile_context>

<pallas_src>
import jax
import jax.numpy as jnp
from jax import lax
from jax.experimental import pallas as pl
from jax.experimental.pallas import tpu as pltpu
from jax.experimental.pallas import tpu_sc as plsc

_N = 10000
_E = 320000
_D = 128
_H = 64
_G = 256

_NC = 2
_NS = 16
_NW = _NC * _NS
_EPW = _E // _NW
_RPT = _N // _NS

_BLK = 1000
_NBLK = _N // _BLK



def _make_seg_sum(width, chunk, k):
    nchunk = _EPW // chunk
    ngrp = nchunk // k

    def body(feat, src2, dst2, zinit, out, src_v, dst_v, rows, acc,
             gsem, ssem):
        c = lax.axis_index("c")
        s = lax.axis_index("s")
        wid = c * _NS + s

        pltpu.sync_copy(zinit, acc.at[pl.ds(s * _RPT, _RPT)])
        pltpu.sync_copy(src2.at[wid], src_v)
        pltpu.sync_copy(dst2.at[wid], dst_v)
        plsc.subcore_barrier()

        def gather_wait(slot):
            pltpu.make_async_copy(feat.at[src_v.at[0]], rows.at[slot],
                                  gsem.at[slot]).wait()

        def scatter_wait(slot):
            pltpu.make_async_copy(rows.at[slot], acc.at[dst_v.at[0]],
                                  ssem.at[slot]).wait()

        for b in range(k):
            pltpu.async_copy(feat.at[src_v.at[b]], rows.at[b], gsem.at[b])

        def outer(j, carry):
            for h in (0, 1):
                g = 2 * j + h

                @pl.when(g < ngrp)
                def _():
                    for b in range(k):
                        slot = h * k + b
                        gather_wait(slot)
                        pltpu.async_copy(rows.at[slot],
                                         acc.at[dst_v.at[g * k + b]],
                                         ssem.at[slot], add=True)

                    @pl.when(g + 1 < ngrp)
                    def _():
                        for b in range(k):
                            slot = (1 - h) * k + b

                            @pl.when(g >= 1)
                            def _():
                                scatter_wait(slot)

                            pltpu.async_copy(
                                feat.at[src_v.at[(g + 1) * k + b]],
                                rows.at[slot], gsem.at[slot])
            return carry

        lax.fori_loop(0, (ngrp + 2) // 2, outer, 0)
        for b in range(2 * k):
            scatter_wait(b)
        plsc.subcore_barrier()
        pltpu.sync_copy(acc.at[pl.ds(s * _RPT, _RPT)],
                        out.at[c].at[pl.ds(s * _RPT, _RPT)])

    return pl.kernel(
        body,
        out_type=jax.ShapeDtypeStruct((_NC, _N, width), jnp.float32),
        mesh=plsc.VectorSubcoreMesh(core_axis_name="c",
                                    subcore_axis_name="s"),
        scratch_types=[
            pltpu.VMEM((nchunk, chunk), jnp.int32),
            pltpu.VMEM((nchunk, chunk), jnp.int32),
            pltpu.VMEM((2 * k, chunk, width), jnp.float32),
            pltpu.VMEM_SHARED((_N, width), jnp.float32),
            pltpu.SemaphoreType.DMA((2 * k,)),
            pltpu.SemaphoreType.DMA((2 * k,)),
        ],
        compiler_params=pltpu.CompilerParams(use_tc_tiling_on_sc=False),
    )


_seg_sum_128 = _make_seg_sum(_D, 40, 2)
_seg_sum_64 = _make_seg_sum(_H, 80, 5)



def _mid_body(x_ref, p_ref, w1a_ref, b1a_ref, w1b_ref, b1b_ref, o_ref):
    z = jax.lax.dot_general(x_ref[...] + (p_ref[0] + p_ref[1]), w1a_ref[...],
                            (((1,), (0,)), ((), ())),
                            preferred_element_type=jnp.float32)
    z = jnp.maximum(z + b1a_ref[...], 0.0)
    h = jax.lax.dot_general(z, w1b_ref[...], (((1,), (0,)), ((), ())),
                            preferred_element_type=jnp.float32)
    o_ref[...] = jnp.maximum(h + b1b_ref[...], 0.0)


def _mid(x, parts, w1a, b1a, w1b, b1b):
    return pl.pallas_call(
        _mid_body,
        grid=(_NBLK,),
        in_specs=[
            pl.BlockSpec((_BLK, _D), lambda i: (i, 0)),
            pl.BlockSpec((_NC, _BLK, _D), lambda i: (0, i, 0)),
            pl.BlockSpec((_D, _H), lambda i: (0, 0)),
            pl.BlockSpec((1, _H), lambda i: (0, 0)),
            pl.BlockSpec((_H, _H), lambda i: (0, 0)),
            pl.BlockSpec((1, _H), lambda i: (0, 0)),
        ],
        out_specs=pl.BlockSpec((_BLK, _H), lambda i: (i, 0)),
        out_shape=jax.ShapeDtypeStruct((_N, _H), jnp.float32),
    )(x, parts, w1a, b1a, w1b, b1b)


def _pool_body(h1_ref, q_ref, w2a_ref, b2a_ref, w2b_ref, b2b_ref, batch_ref,
               we_ref, be_ref, wp_ref, bp_ref,
               hg_ref, e_ref, p_ref, acc_ref, cnt_ref):
    i = pl.program_id(0)

    z = jax.lax.dot_general(h1_ref[...] + (q_ref[0] + q_ref[1]), w2a_ref[...],
                            (((1,), (0,)), ((), ())),
                            preferred_element_type=jnp.float32)
    z = jnp.maximum(z + b2a_ref[...], 0.0)
    h2 = jax.lax.dot_general(z, w2b_ref[...], (((1,), (0,)), ((), ())),
                             preferred_element_type=jnp.float32)
    h2 = jnp.maximum(h2 + b2b_ref[...], 0.0)

    gids = jax.lax.broadcasted_iota(jnp.int32, (1, _G), 1)
    m = (batch_ref[...] == gids).astype(jnp.float32)

    @pl.when(i == 0)
    def _():
        acc_ref[...] = jnp.zeros_like(acc_ref)
        cnt_ref[...] = jnp.zeros_like(cnt_ref)

    acc_ref[...] += jax.lax.dot_general(
        m, h2, (((0,), (0,)), ((), ())), preferred_element_type=jnp.float32,
        precision=jax.lax.Precision.HIGHEST)
    cnt_ref[...] += jax.lax.dot_general(
        m, jnp.ones((_BLK, 1), jnp.float32), (((0,), (0,)), ((), ())),
        preferred_element_type=jnp.float32,
        precision=jax.lax.Precision.HIGHEST)

    @pl.when(i == _NBLK - 1)
    def _():
        hg = acc_ref[...] / jnp.maximum(cnt_ref[...], 1.0)
        hg_ref[...] = hg
        e_ref[...] = jax.lax.dot_general(
            hg, we_ref[...], (((1,), (0,)), ((), ())),
            preferred_element_type=jnp.float32) + be_ref[...]
        p_ref[...] = jax.lax.dot_general(
            hg, wp_ref[...], (((1,), (0,)), ((), ())),
            preferred_element_type=jnp.float32) + bp_ref[...]


def _pool(h1, parts, w2a, b2a, w2b, b2b, batch2, we, be, wp, bp):
    return pl.pallas_call(
        _pool_body,
        grid=(_NBLK,),
        in_specs=[
            pl.BlockSpec((_BLK, _H), lambda i: (i, 0)),
            pl.BlockSpec((_NC, _BLK, _H), lambda i: (0, i, 0)),
            pl.BlockSpec((_H, _H), lambda i: (0, 0)),
            pl.BlockSpec((1, _H), lambda i: (0, 0)),
            pl.BlockSpec((_H, _H), lambda i: (0, 0)),
            pl.BlockSpec((1, _H), lambda i: (0, 0)),
            pl.BlockSpec((_BLK, 1), lambda i: (i, 0)),
            pl.BlockSpec((_H, 1), lambda i: (0, 0)),
            pl.BlockSpec((1, 1), lambda i: (0, 0)),
            pl.BlockSpec((_H, 6), lambda i: (0, 0)),
            pl.BlockSpec((1, 6), lambda i: (0, 0)),
        ],
        out_specs=[
            pl.BlockSpec((_G, _H), lambda i: (0, 0)),
            pl.BlockSpec((_G, 1), lambda i: (0, 0)),
            pl.BlockSpec((_G, 6), lambda i: (0, 0)),
        ],
        out_shape=[
            jax.ShapeDtypeStruct((_G, _H), jnp.float32),
            jax.ShapeDtypeStruct((_G, 1), jnp.float32),
            jax.ShapeDtypeStruct((_G, 6), jnp.float32),
        ],
        scratch_shapes=[
            pltpu.VMEM((_G, _H), jnp.float32),
            pltpu.VMEM((_G, 1), jnp.float32),
        ],
    )(h1, parts, w2a, b2a, w2b, b2b, batch2, we, be, wp, bp)



@jax.jit
def kernel(x, edge_index, batch, W1a, b1a, W1b, b1b, W2a, b2a, W2b, b2b,
           We, be, Wp, bp):
    src40 = edge_index[0].reshape(_NW, _EPW // 40, 40)
    dst40 = edge_index[1].reshape(_NW, _EPW // 40, 40)
    src80 = edge_index[0].reshape(_NW, _EPW // 80, 80)
    dst80 = edge_index[1].reshape(_NW, _EPW // 80, 80)
    z128 = jnp.zeros((_RPT, _D), jnp.float32)
    z64 = jnp.zeros((_RPT, _H), jnp.float32)
    batch2 = batch.reshape(_N, 1)

    p1 = _seg_sum_128(x, src40, dst40, z128)
    h1 = _mid(x, p1, W1a, b1a.reshape(1, _H), W1b, b1b.reshape(1, _H))
    p2 = _seg_sum_64(h1, src80, dst80, z64)
    hg, e, p = _pool(h1, p2, W2a, b2a.reshape(1, _H), W2b,
                     b2b.reshape(1, _H), batch2, We, be.reshape(1, 1), Wp,
                     bp.reshape(1, 6))
    return hg, e, p

# --- scband reference (transcript-rebuilt; emitter-appended) ---
"""Pipeline reference for scband-baseline2-pbmodel-1039382085814 (READ-ONLY COPY).

The authoritative reference and input builder live on the scoring server;
editing this copy changes nothing except your own understanding.
"""

import jax, jax.numpy as jnp
import numpy as np

N = 10000
E = 320000
D = 128
H = 64
G = 256


def setup_inputs(seed: int = 0) -> dict:
    key = jax.random.key(seed)
    ks = jax.random.split(key, 16)
    x = jax.random.normal(ks[0], (N, D), dtype=jnp.float32)
    edge_index = jax.random.randint(ks[1], (2, E), 0, N, dtype=jnp.int32)
    batch = jnp.sort(jax.random.randint(ks[2], (N,), 0, G, dtype=jnp.int32))
    s = 0.05
    W1a = jax.random.normal(ks[3], (D, H), dtype=jnp.float32) * s
    b1a = jnp.zeros((H,), dtype=jnp.float32)
    W1b = jax.random.normal(ks[4], (H, H), dtype=jnp.float32) * s
    b1b = jnp.zeros((H,), dtype=jnp.float32)
    W2a = jax.random.normal(ks[5], (H, H), dtype=jnp.float32) * s
    b2a = jnp.zeros((H,), dtype=jnp.float32)
    W2b = jax.random.normal(ks[6], (H, H), dtype=jnp.float32) * s
    b2b = jnp.zeros((H,), dtype=jnp.float32)
    We = jax.random.normal(ks[7], (H, 1), dtype=jnp.float32) * s
    be = jnp.zeros((1,), dtype=jnp.float32)
    Wp = jax.random.normal(ks[8], (H, 6), dtype=jnp.float32) * s
    bp = jnp.zeros((6,), dtype=jnp.float32)
    return {"x": x, "edge_index": edge_index, "batch": batch,
            "W1a": W1a, "b1a": b1a, "W1b": W1b, "b1b": b1b,
            "W2a": W2a, "b2a": b2a, "W2b": W2b, "b2b": b2b,
            "We": We, "be": be, "Wp": Wp, "bp": bp}


def _gin_layer(h, src, dst, Wa, ba, Wb, bb):
    # GIN message passing: sum-aggregate neighbor features, eps=0
    agg = jax.ops.segment_sum(h[src], dst, num_segments=N)
    z = h + agg  # (1 + eps) * h + sum_{j in N(i)} h_j, eps=0
    z = jnp.maximum(z @ Wa + ba, 0.0)
    z = z @ Wb + bb
    return jnp.maximum(z, 0.0)


def reference(x, edge_index, batch, W1a, b1a, W1b, b1b, W2a, b2a, W2b, b2b, We, be, Wp, bp):
    src = edge_index[0]
    dst = edge_index[1]
    h = _gin_layer(x, src, dst, W1a, b1a, W1b, b1b)
    h = _gin_layer(h, src, dst, W2a, b2a, W2b, b2b)
    # global mean pool over graphs in the batch
    counts = jax.ops.segment_sum(jnp.ones((N,), dtype=jnp.float32), batch, num_segments=G)
    hg = jax.ops.segment_sum(h, batch, num_segments=G) / jnp.clip(counts, 1.0)[:, None]
    pred_exp_norm = hg @ We + be
    pred_avg_pb_norm = hg @ Wp + bp
    return hg, pred_exp_norm, pred_avg_pb_norm

if __name__ == "__main__":
    import jax
    _d = setup_inputs()
    print(jax.jit(kernel)(*tuple(_d.values())))

</pallas_src>

<mosaic_0001>
#map = affine_map<(d0, d1) -> (0, 0)>
#map1 = affine_map<(d0, d1) -> (0, 0, 0)>
module attributes {stable_mosaic.version = 14 : i64} {
  func.func @body(%arg0: i32, %arg1: i32, %arg2: memref<10000x128xf32, #tpu.memory_space<hbm>>, %arg3: memref<32x250x40xi32, #tpu.memory_space<hbm>>, %arg4: memref<32x250x40xi32, #tpu.memory_space<hbm>>, %arg5: memref<625x128xf32, #tpu.memory_space<hbm>>, %arg6: memref<2x10000x128xf32, #tpu.memory_space<hbm>>, %arg7: memref<250x40xi32, #tpu.memory_space<vmem>>, %arg8: memref<250x40xi32, #tpu.memory_space<vmem>>, %arg9: memref<4x40x128xf32, #tpu.memory_space<vmem>>, %arg10: memref<10000x128xf32, #tpu.memory_space<vmem_shared>>, %arg11: memref<4x!tpu.dma_semaphore, #tpu.memory_space<semaphore_mem>>, %arg12: memref<4x!tpu.dma_semaphore, #tpu.memory_space<semaphore_mem>>) attributes {dimension_semantics = [#tpu.dimension_semantics<core_parallel>, #tpu.dimension_semantics<subcore_parallel>], iteration_bounds = array<i64: 2, 16>, scalar_prefetch = 0 : i64, scratch_operands = 6 : i64, tpu.core_type = #tpu.core_type<sc_vector_subcore>, window_params = [{transform_indices = #map}, {transform_indices = #map1}, {transform_indices = #map1}, {transform_indices = #map}, {transform_indices = #map1}]} {
    %mul3A = arith.constant 16 : i32
    %mul3A_0 = arith.muli %arg0, %mul3A : i32
    %add3A = arith.addi %mul3A_0, %arg1 : i32
    %mul3A_1 = arith.constant 625 : i32
    %mul3A_2 = arith.muli %arg1, %mul3A_1 : i32
    "tpu.region"() ({
      %run_scoped3A = tpu.sem_alloc : memref<!tpu.dma_semaphore, #tpu.memory_space<semaphore_mem>>
      %dma_start3A_101 = arith.constant 0 : i32
      %dma_start3A_102 = tpu.memref_slice %arg10[%mul3A_2, %dma_start3A_101] : memref<10000x128xf32, #tpu.memory_space<vmem_shared>> -> memref<625x128xf32, #tpu.memory_space<vmem_shared>>
      tpu.enqueue_dma source(%arg5 : memref<625x128xf32, #tpu.memory_space<hbm>>) target(%dma_start3A_102 : memref<625x128xf32, #tpu.memory_space<vmem_shared>>) target_semaphore(%run_scoped3A : memref<!tpu.dma_semaphore, #tpu.memory_space<semaphore_mem>>)
      %dma_wait3A_103 = arith.constant 0 : i32
      %dma_wait3A_104 = tpu.memref_slice %arg10[%mul3A_2, %dma_wait3A_103] : memref<10000x128xf32, #tpu.memory_space<vmem_shared>> -> memref<625x128xf32, #tpu.memory_space<vmem_shared>>
      tpu.wait_dma2 semaphore(%run_scoped3A : memref<!tpu.dma_semaphore, #tpu.memory_space<semaphore_mem>>) src(%arg5 : memref<625x128xf32, #tpu.memory_space<hbm>>) dst(%dma_wait3A_104 : memref<625x128xf32, #tpu.memory_space<vmem_shared>>)
      tpu.yield
    }) : () -> ()
    "tpu.region"() ({
      %run_scoped3A = tpu.sem_alloc : memref<!tpu.dma_semaphore, #tpu.memory_space<semaphore_mem>>
      %dma_start3A_101 = arith.constant 0 : i32
      %dma_start3A_102 = arith.constant 0 : i32
      %dma_start3A_103 = tpu.memref_slice %arg3[%add3A, %dma_start3A_101, %dma_start3A_102] : memref<32x250x40xi32, #tpu.memory_space<hbm>> -> memref<1x250x40xi32, #tpu.memory_space<hbm>>
      %dma_start3A_104 = tpu.memref_squeeze %dma_start3A_103 : memref<1x250x40xi32, #tpu.memory_space<hbm>> -> memref<250x40xi32, #tpu.memory_space<hbm>>
      %dma_start3A_105 = arith.constant 0 : i32
      %dma_start3A_106 = arith.constant 0 : i32
      %dma_start3A_107 = tpu.memref_slice %arg3[%add3A, %dma_start3A_105, %dma_start3A_106] : memref<32x250x40xi32, #tpu.memory_space<hbm>> -> memref<1x250x40xi32, #tpu.memory_space<hbm>>
      %dma_start3A_108 = tpu.memref_squeeze %dma_start3A_107 : memref<1x250x40xi32, #tpu.memory_space<hbm>> -> memref<250x40xi32, #tpu.memory_space<hbm>>
      tpu.enqueue_dma source(%dma_start3A_108 : memref<250x40xi32, #tpu.memory_space<hbm>>) target(%arg7 : memref<250x40xi32, #tpu.memory_space<vmem>>) target_semaphore(%run_scoped3A : memref<!tpu.dma_semaphore, #tpu.memory_space<semaphore_mem>>)
      %dma_wait3A_109 = arith.constant 0 : i32
      %dma_wait3A_110 = arith.constant 0 : i32
      %dma_wait3A_111 = tpu.memref_slice %arg3[%add3A, %dma_wait3A_109, %dma_wait3A_110] : memref<32x250x40xi32, #tpu.memory_space<hbm>> -> memref<1x250x40xi32, #tpu.memory_space<hbm>>
      %dma_wait3A_112 = tpu.memref_squeeze %dma_wait3A_111 : memref<1x250x40xi32, #tpu.memory_space<hbm>> -> memref<250x40xi32, #tpu.memory_space<hbm>>
      %dma_wait3A_113 = arith.constant 0 : i32
      %dma_wait3A_114 = arith.constant 0 : i32
      %dma_wait3A_115 = tpu.memref_slice %arg3[%add3A, %dma_wait3A_113, %dma_wait3A_114] : memref<32x250x40xi32, #tpu.memory_space<hbm>> -> memref<1x250x40xi32, #tpu.memory_space<hbm>>
      %dma_wait3A_116 = tpu.memref_squeeze %dma_wait3A_115 : memref<1x250x40xi32, #tpu.memory_space<hbm>> -> memref<250x40xi32, #tpu.memory_space<hbm>>
      tpu.wait_dma2 semaphore(%run_scoped3A : memref<!tpu.dma_semaphore, #tpu.memory_space<semaphore_mem>>) src(%dma_wait3A_116 : memref<250x40xi32, #tpu.memory_space<hbm>>) dst(%arg7 : memref<250x40xi32, #tpu.memory_space<vmem>>)
      tpu.yield
    }) : () -> ()
    "tpu.region"() ({
      %run_scoped3A = tpu.sem_alloc : memref<!tpu.dma_semaphore, #tpu.memory_space<semaphore_mem>>
      %dma_start3A_101 = arith.constant 0 : i32
      %dma_start3A_102 = arith.constant 0 : i32
      %dma_start3A_103 = tpu.memref_slice %arg4[%add3A, %dma_start3A_101, %dma_start3A_102] : memref<32x250x40xi32, #tpu.memory_space<hbm>> -> memref<1x250x40xi32, #tpu.memory_space<hbm>>
      %dma_start3A_104 = tpu.memref_squeeze %dma_start3A_103 : memref<1x250x40xi32, #tpu.memory_space<hbm>> -> memref<250x40xi32, #tpu.memory_space<hbm>>
      %dma_start3A_105 = arith.constant 0 : i32
      %dma_start3A_106 = arith.constant 0 : i32
      %dma_start3A_107 = tpu.memref_slice %arg4[%add3A, %dma_start3A_105, %dma_start3A_106] : memref<32x250x40xi32, #tpu.memory_space<hbm>> -> memref<1x250x40xi32, #tpu.memory_space<hbm>>
      %dma_start3A_108 = tpu.memref_squeeze %dma_start3A_107 : memref<1x250x40xi32, #tpu.memory_space<hbm>> -> memref<250x40xi32, #tpu.memory_space<hbm>>
      tpu.enqueue_dma source(%dma_start3A_108 : memref<250x40xi32, #tpu.memory_space<hbm>>) target(%arg8 : memref<250x40xi32, #tpu.memory_space<vmem>>) target_semaphore(%run_scoped3A : memref<!tpu.dma_semaphore, #tpu.memory_space<semaphore_mem>>)
      %dma_wait3A_109 = arith.constant 0 : i32
      %dma_wait3A_110 = arith.constant 0 : i32
      %dma_wait3A_111 = tpu.memref_slice %arg4[%add3A, %dma_wait3A_109, %dma_wait3A_110] : memref<32x250x40xi32, #tpu.memory_space<hbm>> -> memref<1x250x40xi32, #tpu.memory_space<hbm>>
      %dma_wait3A_112 = tpu.memref_squeeze %dma_wait3A_111 : memref<1x250x40xi32, #tpu.memory_space<hbm>> -> memref<250x40xi32, #tpu.memory_space<hbm>>
      %dma_wait3A_113 = arith.constant 0 : i32
      %dma_wait3A_114 = arith.constant 0 : i32
      %dma_wait3A_115 = tpu.memref_slice %arg4[%add3A, %dma_wait3A_113, %dma_wait3A_114] : memref<32x250x40xi32, #tpu.memory_space<hbm>> -> memref<1x250x40xi32, #tpu.memory_space<hbm>>
      %dma_wait3A_116 = tpu.memref_squeeze %dma_wait3A_115 : memref<1x250x40xi32, #tpu.memory_space<hbm>> -> memref<250x40xi32, #tpu.memory_space<hbm>>
      tpu.wait_dma2 semaphore(%run_scoped3A : memref<!tpu.dma_semaphore, #tpu.memory_space<semaphore_mem>>) src(%dma_wait3A_116 : memref<250x40xi32, #tpu.memory_space<hbm>>) dst(%arg8 : memref<250x40xi32, #tpu.memory_space<vmem>>)
      tpu.yield
    }) : () -> ()
    %barrier3A = arith.constant 0 : index
    tpu.barrier barrier_id(%barrier3A)
    %dma_start3A = arith.constant 0 : i32
    %dma_start3A_3 = arith.constant 0 : i32
    %dma_start3A_4 = arith.constant 0 : i32
    %dma_start3A_5 = arith.constant 0 : i32
    %dma_start3A_6 = arith.constant 0 : i32
    %dma_start3A_7 = tpu.memref_slice %arg9[%dma_start3A_3, %dma_start3A_5, %dma_start3A_6] : memref<4x40x128xf32, #tpu.memory_space<vmem>> -> memref<1x40x128xf32, #tpu.memory_space<vmem>>
    %dma_start3A_8 = tpu.memref_squeeze %dma_start3A_7 : memref<1x40x128xf32, #tpu.memory_space<vmem>> -> memref<40x128xf32, #tpu.memory_space<vmem>>
    %dma_start3A_9 = arith.constant 0 : i32
    %dma_start3A_10 = tpu.memref_slice %arg7[%dma_start3A, %dma_start3A_9] : memref<250x40xi32, #tpu.memory_space<vmem>> -> memref<1x40xi32, #tpu.memory_space<vmem>>
    %dma_start3A_11 = tpu.memref_squeeze %dma_start3A_10 : memref<1x40xi32, #tpu.memory_space<vmem>> -> memref<40xi32, #tpu.memory_space<vmem>>
    %dma_start3A_12 = arith.constant 0 : i32
    %dma_start3A_13 = arith.constant 0 : i32
    %dma_start3A_14 = tpu.memref_slice %arg2[%dma_start3A_12, %dma_start3A_13] : memref<10000x128xf32, #tpu.memory_space<hbm>> -> memref<10000x128xf32, #tpu.memory_space<hbm>>
    %dma_start3A_15 = tpu.memref_slice %arg11[%dma_start3A_4] : memref<4x!tpu.dma_semaphore, #tpu.memory_space<semaphore_mem>> -> memref<1x!tpu.dma_semaphore, #tpu.memory_space<semaphore_mem>>
    %dma_start3A_16 = tpu.memref_squeeze %dma_start3A_15 : memref<1x!tpu.dma_semaphore, #tpu.memory_space<semaphore_mem>> -> memref<!tpu.dma_semaphore, #tpu.memory_space<semaphore_mem>>
    tpu.enqueue_indirect_dma source(%dma_start3A_14 : memref<10000x128xf32, #tpu.memory_space<hbm>>) target(%dma_start3A_8 : memref<40x128xf32, #tpu.memory_space<vmem>>) offsets(%dma_start3A_11 : memref<40xi32, #tpu.memory_space<vmem>>) semaphore(%dma_start3A_16 : memref<!tpu.dma_semaphore, #tpu.memory_space<semaphore_mem>>)
    %dma_start3A_17 = arith.constant 1 : i32
    %dma_start3A_18 = arith.constant 1 : i32
    %dma_start3A_19 = arith.constant 1 : i32
    %dma_start3A_20 = arith.constant 0 : i32
    %dma_start3A_21 = arith.constant 0 : i32
    %dma_start3A_22 = tpu.memref_slice %arg9[%dma_start3A_18, %dma_start3A_20, %dma_start3A_21] : memref<4x40x128xf32, #tpu.memory_space<vmem>> -> memref<1x40x128xf32, #tpu.memory_space<vmem>>
    %dma_start3A_23 = tpu.memref_squeeze %dma_start3A_22 : memref<1x40x128xf32, #tpu.memory_space<vmem>> -> memref<40x128xf32, #tpu.memory_space<vmem>>
    %dma_start3A_24 = arith.constant 0 : i32
    %dma_start3A_25 = tpu.memref_slice %arg7[%dma_start3A_17, %dma_start3A_24] : memref<250x40xi32, #tpu.memory_space<vmem>> -> memref<1x40xi32, #tpu.memory_space<vmem>>
    %dma_start3A_26 = tpu.memref_squeeze %dma_start3A_25 : memref<1x40xi32, #tpu.memory_space<vmem>> -> memref<40xi32, #tpu.memory_space<vmem>>
    %dma_start3A_27 = arith.constant 0 : i32
    %dma_start3A_28 = arith.constant 0 : i32
    %dma_start3A_29 = tpu.memref_slice %arg2[%dma_start3A_27, %dma_start3A_28] : memref<10000x128xf32, #tpu.memory_space<hbm>> -> memref<10000x128xf32, #tpu.memory_space<hbm>>
    %dma_start3A_30 = tpu.memref_slice %arg11[%dma_start3A_19] : memref<4x!tpu.dma_semaphore, #tpu.memory_space<semaphore_mem>> -> memref<1x!tpu.dma_semaphore, #tpu.memory_space<semaphore_mem>>
    %dma_start3A_31 = tpu.memref_squeeze %dma_start3A_30 : memref<1x!tpu.dma_semaphore, #tpu.memory_space<semaphore_mem>> -> memref<!tpu.dma_semaphore, #tpu.memory_space<semaphore_mem>>
    tpu.enqueue_indirect_dma source(%dma_start3A_29 : memref<10000x128xf32, #tpu.memory_space<hbm>>) target(%dma_start3A_23 : memref<40x128xf32, #tpu.memory_space<vmem>>) offsets(%dma_start3A_26 : memref<40xi32, #tpu.memory_space<vmem>>) semaphore(%dma_start3A_31 : memref<!tpu.dma_semaphore, #tpu.memory_space<semaphore_mem>>)
    %scan3A = arith.constant 0 : i32
    %scan3A_32 = arith.constant 0 : i32
    %scan3A_33 = arith.constant 63 : i32
    %scan3A_34 = arith.addi %scan3A_32, %scan3A_33 : i32
    %scan3A_35 = arith.constant 1 : i32
    scf.for %scan3A_101 = %scan3A_32 to %scan3A_34 step %scan3A_35  : i32 {
      %mul3A_102 = arith.constant 2 : i32
      %mul3A_103 = arith.muli %mul3A_102, %scan3A_101 : i32
      %add3A_104 = arith.constant 0 : i32
      %add3A_105 = arith.addi %mul3A_103, %add3A_104 : i32
      %lt3A = arith.constant 125 : i32
      %lt3A_106 = arith.cmpi slt, %add3A_105, %lt3A : i32
      %convert_element_type3A = arith.extui %lt3A_106 : i1 to i32
      %cond3A = arith.constant 0 : i32
      %cond3A_107 = arith.cmpi ne, %convert_element_type3A, %cond3A : i32
      scf.if %cond3A_107 {
        %dma_wait3A_117 = arith.constant 0 : i32
        %dma_wait3A_118 = arith.constant 0 : i32
        %dma_wait3A_119 = arith.constant 0 : i32
        %dma_wait3A_120 = arith.constant 0 : i32
        %dma_wait3A_121 = arith.constant 0 : i32
        %dma_wait3A_122 = tpu.memref_slice %arg9[%dma_wait3A_118, %dma_wait3A_120, %dma_wait3A_121] : memref<4x40x128xf32, #tpu.memory_space<vmem>> -> memref<1x40x128xf32, #tpu.memory_space<vmem>>
        %dma_wait3A_123 = tpu.memref_squeeze %dma_wait3A_122 : memref<1x40x128xf32, #tpu.memory_space<vmem>> -> memref<40x128xf32, #tpu.memory_space<vmem>>
        %dma_wait3A_124 = arith.constant 0 : i32
        %dma_wait3A_125 = tpu.memref_slice %arg7[%dma_wait3A_117, %dma_wait3A_124] : memref<250x40xi32, #tpu.memory_space<vmem>> -> memref<1x40xi32, #tpu.memory_space<vmem>>
        %dma_wait3A_126 = tpu.memref_squeeze %dma_wait3A_125 : memref<1x40xi32, #tpu.memory_space<vmem>> -> memref<40xi32, #tpu.memory_space<vmem>>
        %dma_wait3A_127 = arith.constant 0 : i32
        %dma_wait3A_128 = arith.constant 0 : i32
        %dma_wait3A_129 = tpu.memref_slice %arg2[%dma_wait3A_127, %dma_wait3A_128] : memref<10000x128xf32, #tpu.memory_space<hbm>> -> memref<10000x128xf32, #tpu.memory_space<hbm>>
        %dma_wait3A_130 = tpu.memref_slice %arg11[%dma_wait3A_119] : memref<4x!tpu.dma_semaphore, #tpu.memory_space<semaphore_mem>> -> memref<1x!tpu.dma_semaphore, #tpu.memory_space<semaphore_mem>>
        %dma_wait3A_131 = tpu.memref_squeeze %dma_wait3A_130 : memref<1x!tpu.dma_semaphore, #tpu.memory_space<semaphore_mem>> -> memref<!tpu.dma_semaphore, #tpu.memory_space<semaphore_mem>>
        tpu.wait_indirect_dma semaphore(%dma_wait3A_131 : memref<!tpu.dma_semaphore, #tpu.memory_space<semaphore_mem>>) src(%dma_wait3A_129 : memref<10000x128xf32, #tpu.memory_space<hbm>>) dst(%dma_wait3A_123 : memref<40x128xf32, #tpu.memory_space<vmem>>)
        %mul3A_132 = arith.constant 2 : i32
        %mul3A_133 = arith.muli %add3A_105, %mul3A_132 : i32
        %add3A_134 = arith.constant 0 : i32
        %add3A_135 = arith.addi %mul3A_133, %add3A_134 : i32
        %dma_start3A_136 = arith.constant 0 : i32
        %dma_start3A_137 = arith.constant 0 : i32
        %dma_start3A_138 = arith.constant 0 : i32
        %dma_start3A_139 = arith.constant 0 : i32
        %dma_start3A_140 = tpu.memref_slice %arg9[%dma_start3A_136, %dma_start3A_138, %dma_start3A_139] : memref<4x40x128xf32, #tpu.memory_space<vmem>> -> memref<1x40x128xf32, #tpu.memory_space<vmem>>
        %dma_start3A_141 = tpu.memref_squeeze %dma_start3A_140 : memref<1x40x128xf32, #tpu.memory_space<vmem>> -> memref<40x128xf32, #tpu.memory_space<vmem>>
        %dma_start3A_142 = arith.constant 0 : i32
        %dma_start3A_143 = tpu.memref_slice %arg8[%add3A_135, %dma_start3A_142] : memref<250x40xi32, #tpu.memory_space<vmem>> -> memref<1x40xi32, #tpu.memory_space<vmem>>
        %dma_start3A_144 = tpu.memref_squeeze %dma_start3A_143 : memref<1x40xi32, #tpu.memory_space<vmem>> -> memref<40xi32, #tpu.memory_space<vmem>>
        %dma_start3A_145 = arith.constant 0 : i32
        %dma_start3A_146 = arith.constant 0 : i32
        %dma_start3A_147 = tpu.memref_slice %arg10[%dma_start3A_145, %dma_start3A_146] : memref<10000x128xf32, #tpu.memory_space<vmem_shared>> -> memref<10000x128xf32, #tpu.memory_space<vmem_shared>>
        %dma_start3A_148 = tpu.memref_slice %arg12[%dma_start3A_137] : memref<4x!tpu.dma_semaphore, #tpu.memory_space<semaphore_mem>> -> memref<1x!tpu.dma_semaphore, #tpu.memory_space<semaphore_mem>>
        %dma_start3A_149 = tpu.memref_squeeze %dma_start3A_148 : memref<1x!tpu.dma_semaphore, #tpu.memory_space<semaphore_mem>> -> memref<!tpu.dma_semaphore, #tpu.memory_space<semaphore_mem>>
        tpu.enqueue_indirect_dma source(%dma_start3A_141 : memref<40x128xf32, #tpu.memory_space<vmem>>) target(%dma_start3A_147 : memref<10000x128xf32, #tpu.memory_space<vmem_shared>>) offsets(%dma_start3A_144 : memref<40xi32, #tpu.memory_space<vmem>>) semaphore(%dma_start3A_149 : memref<!tpu.dma_semaphore, #tpu.memory_space<semaphore_mem>>) {add = true}
        %dma_wait3A_150 = arith.constant 0 : i32
        %dma_wait3A_151 = arith.constant 1 : i32
        %dma_wait3A_152 = arith.constant 1 : i32
        %dma_wait3A_153 = arith.constant 0 : i32
        %dma_wait3A_154 = arith.constant 0 : i32
        %dma_wait3A_155 = tpu.memref_slice %arg9[%dma_wait3A_151, %dma_wait3A_153, %dma_wait3A_154] : memref<4x40x128xf32, #tpu.memory_space<vmem>> -> memref<1x40x128xf32, #tpu.memory_space<vmem>>
        %dma_wait3A_156 = tpu.memref_squeeze %dma_wait3A_155 : memref<1x40x128xf32, #tpu.memory_space<vmem>> -> memref<40x128xf32, #tpu.memory_space<vmem>>
        %dma_wait3A_157 = arith.constant 0 : i32
        %dma_wait3A_158 = tpu.memref_slice %arg7[%dma_wait3A_150, %dma_wait3A_157] : memref<250x40xi32, #tpu.memory_space<vmem>> -> memref<1x40xi32, #tpu.memory_space<vmem>>
        %dma_wait3A_159 = tpu.memref_squeeze %dma_wait3A_158 : memref<1x40xi32, #tpu.memory_space<vmem>> -> memref<40xi32, #tpu.memory_space<vmem>>
        %dma_wait3A_160 = arith.constant 0 : i32
        %dma_wait3A_161 = arith.constant 0 : i32
        %dma_wait3A_162 = tpu.memref_slice %arg2[%dma_wait3A_160, %dma_wait3A_161] : memref<10000x128xf32, #tpu.memory_space<hbm>> -> memref<10000x128xf32, #tpu.memory_space<hbm>>
        %dma_wait3A_163 = tpu.memref_slice %arg11[%dma_wait3A_152] : memref<4x!tpu.dma_semaphore, #tpu.memory_space<semaphore_mem>> -> memref<1x!tpu.dma_semaphore, #tpu.memory_space<semaphore_mem>>
        %dma_wait3A_164 = tpu.memref_squeeze %dma_wait3A_163 : memref<1x!tpu.dma_semaphore, #tpu.memory_space<semaphore_mem>> -> memref<!tpu.dma_semaphore, #tpu.memory_space<semaphore_mem>>
        tpu.wait_indirect_dma semaphore(%dma_wait3A_164 : memref<!tpu.dma_semaphore, #tpu.memory_space<semaphore_mem>>) src(%dma_wait3A_162 : memref<10000x128xf32, #tpu.memory_space<hbm>>) dst(%dma_wait3A_156 : memref<40x128xf32, #tpu.memory_space<vmem>>)
        %mul3A_165 = arith.constant 2 : i32
        %mul3A_166 = arith.muli %add3A_105, %mul3A_165 : i32
        %add3A_167 = arith.constant 1 : i32
        %add3A_168 = arith.addi %mul3A_166, %add3A_167 : i32
        %dma_start3A_169 = arith.constant 1 : i32
        %dma_start3A_170 = arith.constant 1 : i32
        %dma_start3A_171 = arith.constant 0 : i32
        %dma_start3A_172 = arith.constant 0 : i32
        %dma_start3A_173 = tpu.memref_slice %arg9[%dma_start3A_169, %dma_start3A_171, %dma_start3A_172] : memref<4x40x128xf32, #tpu.memory_space<vmem>> -> memref<1x40x128xf32, #tpu.memory_space<vmem>>
        %dma_start3A_174 = tpu.memref_squeeze %dma_start3A_173 : memref<1x40x128xf32, #tpu.memory_space<vmem>> -> memref<40x128xf32, #tpu.memory_space<vmem>>
        %dma_start3A_175 = arith.constant 0 : i32
        %dma_start3A_176 = tpu.memref_slice %arg8[%add3A_168, %dma_start3A_175] : memref<250x40xi32, #tpu.memory_space<vmem>> -> memref<1x40xi32, #tpu.memory_space<vmem>>
        %dma_start3A_177 = tpu.memref_squeeze %dma_start3A_176 : memref<1x40xi32, #tpu.memory_space<vmem>> -> memref<40xi32, #tpu.memory_space<vmem>>
        %dma_start3A_178 = arith.constant 0 : i32
        %dma_start3A_179 = arith.constant 0 : i32
        %dma_start3A_180 = tpu.memref_slice %arg10[%dma_start3A_178, %dma_start3A_179] : memref<10000x128xf32, #tpu.memory_space<vmem_shared>> -> memref<10000x128xf32, #tpu.memory_space<vmem_shared>>
        %dma_start3A_181 = tpu.memref_slice %arg12[%dma_start3A_170] : memref<4x!tpu.dma_semaphore, #tpu.memory_space<semaphore_mem>> -> memref<1x!tpu.dma_semaphore, #tpu.memory_space<semaphore_mem>>
        %dma_start3A_182 = tpu.memref_squeeze %dma_start3A_181 : memref<1x!tpu.dma_semaphore, #tpu.memory_space<semaphore_mem>> -> memref<!tpu.dma_semaphore, #tpu.memory_space<semaphore_mem>>
        tpu.enqueue_indirect_dma source(%dma_start3A_174 : memref<40x128xf32, #tpu.memory_space<vmem>>) target(%dma_start3A_180 : memref<10000x128xf32, #tpu.memory_space<vmem_shared>>) offsets(%dma_start3A_177 : memref<40xi32, #tpu.memory_space<vmem>>) semaphore(%dma_start3A_182 : memref<!tpu.dma_semaphore, #tpu.memory_space<semaphore_mem>>) {add = true}
        %add3A_183 = arith.constant 1 : i32
        %add3A_184 = arith.addi %add3A_105, %add3A_183 : i32
        %lt3A_185 = arith.constant 125 : i32
        %lt3A_186 = arith.cmpi slt, %add3A_184, %lt3A_185 : i32
        %convert_element_type3A_187 = arith.extui %lt3A_186 : i1 to i32
        %cond3A_188 = arith.constant 0 : i32
        %cond3A_189 = arith.cmpi ne, %convert_element_type3A_187, %cond3A_188 : i32
        scf.if %cond3A_189 {
          %ge3A = arith.constant 1 : i32
          %ge3A_190 = arith.cmpi sge, %add3A_105, %ge3A : i32
          %convert_element_type3A_191 = arith.extui %ge3A_190 : i1 to i32
          %cond3A_192 = arith.constant 0 : i32
          %cond3A_193 = arith.cmpi ne, %convert_element_type3A_191, %cond3A_192 : i32
          scf.if %cond3A_193 {
            %dma_wait3A_239 = arith.constant 2 : i32
            %dma_wait3A_240 = arith.constant 0 : i32
            %dma_wait3A_241 = arith.constant 2 : i32
            %dma_wait3A_242 = arith.constant 0 : i32
            %dma_wait3A_243 = arith.constant 0 : i32
            %dma_wait3A_244 = tpu.memref_slice %arg9[%dma_wait3A_239, %dma_wait3A_242, %dma_wait3A_243] : memref<4x40x128xf32, #tpu.memory_space<vmem>> -> memref<1x40x128xf32, #tpu.memory_space<vmem>>
            %dma_wait3A_245 = tpu.memref_squeeze %dma_wait3A_244 : memref<1x40x128xf32, #tpu.memory_space<vmem>> -> memref<40x128xf32, #tpu.memory_space<vmem>>
            %dma_wait3A_246 = arith.constant 0 : i32
            %dma_wait3A_247 = tpu.memref_slice %arg8[%dma_wait3A_240, %dma_wait3A_246] : memref<250x40xi32, #tpu.memory_space<vmem>> -> memref<1x40xi32, #tpu.memory_space<vmem>>
            %dma_wait3A_248 = tpu.memref_squeeze %dma_wait3A_247 : memref<1x40xi32, #tpu.memory_space<vmem>> -> memref<40xi32, #tpu.memory_space<vmem>>
            %dma_wait3A_249 = arith.constant 0 : i32
            %dma_wait3A_250 = arith.constant 0 : i32
            %dma_wait3A_251 = tpu.memref_slice %arg10[%dma_wait3A_249, %dma_wait3A_250] : memref<10000x128xf32, #tpu.memory_space<vmem_shared>> -> memref<10000x128xf32, #tpu.memory_space<vmem_shared>>
            %dma_wait3A_252 = tpu.memref_slice %arg12[%dma_wait3A_241] : memref<4x!tpu.dma_semaphore, #tpu.memory_space<semaphore_mem>> -> memref<1x!tpu.dma_semaphore, #tpu.memory_space<semaphore_mem>>
            %dma_wait3A_253 = tpu.memref_squeeze %dma_wait3A_252 : memref<1x!tpu.dma_semaphore, #tpu.memory_space<semaphore_mem>> -> memref<!tpu.dma_semaphore, #tpu.memory_space<semaphore_mem>>
            tpu.wait_indirect_dma semaphore(%dma_wait3A_253 : memref<!tpu.dma_semaphore, #tpu.memory_space<semaphore_mem>>) src(%dma_wait3A_245 : memref<40x128xf32, #tpu.memory_space<vmem>>) dst(%dma_wait3A_251 : memref<10000x128xf32, #tpu.memory_space<vmem_shared>>)
          } else {
          }
          %add3A_194 = arith.constant 1 : i32
          %add3A_195 = arith.addi %add3A_105, %add3A_194 : i32
          %mul3A_196 = arith.constant 2 : i32
          %mul3A_197 = arith.muli %add3A_195, %mul3A_196 : i32
          %add3A_198 = arith.constant 0 : i32
          %add3A_199 = arith.addi %mul3A_197, %add3A_198 : i32
          %dma_start3A_200 = arith.constant 2 : i32
          %dma_start3A_201 = arith.constant 2 : i32
          %dma_start3A_202 = arith.constant 0 : i32
          %dma_start3A_203 = arith.constant 0 : i32
          %dma_start3A_204 = tpu.memref_slice %arg9[%dma_start3A_200, %dma_start3A_202, %dma_start3A_203] : memref<4x40x128xf32, #tpu.memory_space<vmem>> -> memref<1x40x128xf32, #tpu.memory_space<vmem>>
          %dma_start3A_205 = tpu.memref_squeeze %dma_start3A_204 : memref<1x40x128xf32, #tpu.memory_space<vmem>> -> memref<40x128xf32, #tpu.memory_space<vmem>>
          %dma_start3A_206 = arith.constant 0 : i32
          %dma_start3A_207 = tpu.memref_slice %arg7[%add3A_199, %dma_start3A_206] : memref<250x40xi32, #tpu.memory_space<vmem>> -> memref<1x40xi32, #tpu.memory_space<vmem>>
          %dma_start3A_208 = tpu.memref_squeeze %dma_start3A_207 : memref<1x40xi32, #tpu.memory_space<vmem>> -> memref<40xi32, #tpu.memory_space<vmem>>
          %dma_start3A_209 = arith.constant 0 : i32
          %dma_start3A_210 = arith.constant 0 : i32
          %dma_start3A_211 = tpu.memref_slice %arg2[%dma_start3A_209, %dma_start3A_210] : memref<10000x128xf32, #tpu.memory_space<hbm>> -> memref<10000x128xf32, #tpu.memory_space<hbm>>
          %dma_start3A_212 = tpu.memref_slice %arg11[%dma_start3A_201] : memref<4x!tpu.dma_semaphore, #tpu.memory_space<semaphore_mem>> -> memref<1x!tpu.dma_semaphore, #tpu.memory_space<semaphore_mem>>
          %dma_start3A_213 = tpu.memref_squeeze %dma_start3A_212 : memref<1x!tpu.dma_semaphore, #tpu.memory_space<semaphore_mem>> -> memref<!tpu.dma_semaphore, #tpu.memory_space<semaphore_mem>>
          tpu.enqueue_indirect_dma source(%dma_start3A_211 : memref<10000x128xf32, #tpu.memory_space<hbm>>) target(%dma_start3A_205 : memref<40x128xf32, #tpu.memory_space<vmem>>) offsets(%dma_start3A_208 : memref<40xi32, #tpu.memory_space<vmem>>) semaphore(%dma_start3A_213 : memref<!tpu.dma_semaphore, #tpu.memory_space<semaphore_mem>>)
          %ge3A_214 = arith.constant 1 : i32
          %ge3A_215 = arith.cmpi sge, %add3A_105, %ge3A_214 : i32
          %convert_element_type3A_216 = arith.extui %ge3A_215 : i1 to i32
          %cond3A_217 = arith.constant 0 : i32
          %cond3A_218 = arith.cmpi ne, %convert_element_type3A_216, %cond3A_217 : i32
          scf.if %cond3A_218 {
            %dma_wait3A_239 = arith.constant 3 : i32
            %dma_wait3A_240 = arith.constant 0 : i32
            %dma_wait3A_241 = arith.constant 3 : i32
            %dma_wait3A_242 = arith.constant 0 : i32
            %dma_wait3A_243 = arith.constant 0 : i32
            %dma_wait3A_244 = tpu.memref_slice %arg9[%dma_wait3A_239, %dma_wait3A_242, %dma_wait3A_243] : memref<4x40x128xf32, #tpu.memory_space<vmem>> -> memref<1x40x128xf32, #tpu.memory_space<vmem>>
            %dma_wait3A_245 = tpu.memref_squeeze %dma_wait3A_244 : memref<1x40x128xf32, #tpu.memory_space<vmem>> -> memref<40x128xf32, #tpu.memory_space<vmem>>
            %dma_wait3A_246 = arith.constant 0 : i32
            %dma_wait3A_247 = tpu.memref_slice %arg8[%dma_wait3A_240, %dma_wait3A_246] : memref<250x40xi32, #tpu.memory_space<vmem>> -> memref<1x40xi32, #tpu.memory_space<vmem>>
            %dma_wait3A_248 = tpu.memref_squeeze %dma_wait3A_247 : memref<1x40xi32, #tpu.memory_space<vmem>> -> memref<40xi32, #tpu.memory_space<vmem>>
            %dma_wait3A_249 = arith.constant 0 : i32
            %dma_wait3A_250 = arith.constant 0 : i32
            %dma_wait3A_251 = tpu.memref_slice %arg10[%dma_wait3A_249, %dma_wait3A_250] : memref<10000x128xf32, #tpu.memory_space<vmem_shared>> -> memref<10000x128xf32, #tpu.memory_space<vmem_shared>>
            %dma_wait3A_252 = tpu.memref_slice %arg12[%dma_wait3A_241] : memref<4x!tpu.dma_semaphore, #tpu.memory_space<semaphore_mem>> -> memref<1x!tpu.dma_semaphore, #tpu.memory_space<semaphore_mem>>
            %dma_wait3A_253 = tpu.memref_squeeze %dma_wait3A_252 : memref<1x!tpu.dma_semaphore, #tpu.memory_space<semaphore_mem>> -> memref<!tpu.dma_semaphore, #tpu.memory_space<semaphore_mem>>
            tpu.wait_indirect_dma semaphore(%dma_wait3A_253 : memref<!tpu.dma_semaphore, #tpu.memory_space<semaphore_mem>>) src(%dma_wait3A_245 : memref<40x128xf32, #tpu.memory_space<vmem>>) dst(%dma_wait3A_251 : memref<10000x128xf32, #tpu.memory_space<vmem_shared>>)
          } else {
          }
          %add3A_219 = arith.constant 1 : i32
          %add3A_220 = arith.addi %add3A_105, %add3A_219 : i32
          %mul3A_221 = arith.constant 2 : i32
          %mul3A_222 = arith.muli %add3A_220, %mul3A_221 : i32
          %add3A_223 = arith.constant 1 : i32
          %add3A_224 = arith.addi %mul3A_222, %add3A_223 : i32
          %dma_start3A_225 = arith.constant 3 : i32
          %dma_start3A_226 = arith.constant 3 : i32
          %dma_start3A_227 = arith.constant 0 : i32
          %dma_start3A_228 = arith.constant 0 : i32
          %dma_start3A_229 = tpu.memref_slice %arg9[%dma_start3A_225, %dma_start3A_227, %dma_start3A_228] : memref<4x40x128xf32, #tpu.memory_space<vmem>> -> memref<1x40x128xf32, #tpu.memory_space<vmem>>
          %dma_start3A_230 = tpu.memref_squeeze %dma_start3A_229 : memref<1x40x128xf32, #tpu.memory_space<vmem>> -> memref<40x128xf32, #tpu.memory_space<vmem>>
          %dma_start3A_231 = arith.constant 0 : i32
          %dma_start3A_232 = tpu.memref_slice %arg7[%add3A_224, %dma_start3A_231] : memref<250x40xi32, #tpu.memory_space<vmem>> -> memref<1x40xi32, #tpu.memory_space<vmem>>
          %dma_start3A_233 = tpu.memref_squeeze %dma_start3A_232 : memref<1x40xi32, #tpu.memory_space<vmem>> -> memref<40xi32, #tpu.memory_space<vmem>>
          %dma_start3A_234 = arith.constant 0 : i32
          %dma_start3A_235 = arith.constant 0 : i32
          %dma_start3A_236 = tpu.memref_slice %arg2[%dma_start3A_234, %dma_start3A_235] : memref<10000x128xf32, #tpu.memory_space<hbm>> -> memref<10000x128xf32, #tpu.memory_space<hbm>>
          %dma_start3A_237 = tpu.memref_slice %arg11[%dma_start3A_226] : memref<4x!tpu.dma_semaphore, #tpu.memory_space<semaphore_mem>> -> memref<1x!tpu.dma_semaphore, #tpu.memory_space<semaphore_mem>>
          %dma_start3A_238 = tpu.memref_squeeze %dma_start3A_237 : memref<1x!tpu.dma_semaphore, #tpu.memory_space<semaphore_mem>> -> memref<!tpu.dma_semaphore, #tpu.memory_space<semaphore_mem>>
          tpu.enqueue_indirect_dma source(%dma_start3A_236 : memref<10000x128xf32, #tpu.memory_space<hbm>>) target(%dma_start3A_230 : memref<40x128xf32, #tpu.memory_space<vmem>>) offsets(%dma_start3A_233 : memref<40xi32, #tpu.memory_space<vmem>>) semaphore(%dma_start3A_238 : memref<!tpu.dma_semaphore, #tpu.memory_space<semaphore_mem>>)
        } else {
        }
      } else {
      }
      %mul3A_108 = arith.constant 2 : i32
      %mul3A_109 = arith.muli %mul3A_108, %scan3A_101 : i32
      %add3A_110 = arith.constant 1 : i32
      %add3A_111 = arith.addi %mul3A_109, %add3A_110 : i32
      %lt3A_112 = arith.constant 125 : i32
      %lt3A_113 = arith.cmpi slt, %add3A_111, %lt3A_112 : i32
      %convert_element_type3A_114 = arith.extui %lt3A_113 : i1 to i32
      %cond3A_115 = arith.constant 0 : i32
      %cond3A_116 = arith.cmpi ne, %convert_element_type3A_114, %cond3A_115 : i32
      scf.if %cond3A_116 {
        %dma_wait3A_117 = arith.constant 0 : i32
        %dma_wait3A_118 = arith.constant 2 : i32
        %dma_wait3A_119 = arith.constant 2 : i32
        %dma_wait3A_120 = arith.constant 0 : i32
        %dma_wait3A_121 = arith.constant 0 : i32
        %dma_wait3A_122 = tpu.memref_slice %arg9[%dma_wait3A_118, %dma_wait3A_120, %dma_wait3A_121] : memref<4x40x128xf32, #tpu.memory_space<vmem>> -> memref<1x40x128xf32, #tpu.memory_space<vmem>>
        %dma_wait3A_123 = tpu.memref_squeeze %dma_wait3A_122 : memref<1x40x128xf32, #tpu.memory_space<vmem>> -> memref<40x128xf32, #tpu.memory_space<vmem>>
        %dma_wait3A_124 = arith.constant 0 : i32
        %dma_wait3A_125 = tpu.memref_slice %arg7[%dma_wait3A_117, %dma_wait3A_124] : memref<250x40xi32, #tpu.memory_space<vmem>> -> memref<1x40xi32, #tpu.memory_space<vmem>>
        %dma_wait3A_126 = tpu.memref_squeeze %dma_wait3A_125 : memref<1x40xi32, #tpu.memory_space<vmem>> -> memref<40xi32, #tpu.memory_space<vmem>>
        %dma_wait3A_127 = arith.constant 0 : i32
        %dma_wait3A_128 = arith.constant 0 : i32
        %dma_wait3A_129 = tpu.memref_slice %arg2[%dma_wait3A_127, %dma_wait3A_128] : memref<10000x128xf32, #tpu.memory_space<hbm>> -> memref<10000x128xf32, #tpu.memory_space<hbm>>
        %dma_wait3A_130 = tpu.memref_slice %arg11[%dma_wait3A_119] : memref<4x!tpu.dma_semaphore, #tpu.memory_space<semaphore_mem>> -> memref<1x!tpu.dma_semaphore, #tpu.memory_space<semaphore_mem>>
        %dma_wait3A_131 = tpu.memref_squeeze %dma_wait3A_130 : memref<1x!tpu.dma_semaphore, #tpu.memory_space<semaphore_mem>> -> memref<!tpu.dma_semaphore, #tpu.memory_space<semaphore_mem>>
        tpu.wait_indirect_dma semaphore(%dma_wait3A_131 : memref<!tpu.dma_semaphore, #tpu.memory_space<semaphore_mem>>) src(%dma_wait3A_129 : memref<10000x128xf32, #tpu.memory_space<hbm>>) dst(%dma_wait3A_123 : memref<40x128xf32, #tpu.memory_space<vmem>>)
        %mul3A_132 = arith.constant 2 : i32
        %mul3A_133 = arith.muli %add3A_111, %mul3A_132 : i32
        %add3A_134 = arith.constant 0 : i32
        %add3A_135 = arith.addi %mul3A_133, %add3A_134 : i32
        %dma_start3A_136 = arith.constant 2 : i32
        %dma_start3A_137 = arith.constant 2 : i32
        %dma_start3A_138 = arith.constant 0 : i32
        %dma_start3A_139 = arith.constant 0 : i32
        %dma_start3A_140 = tpu.memref_slice %arg9[%dma_start3A_136, %dma_start3A_138, %dma_start3A_139] : memref<4x40x128xf32, #tpu.memory_space<vmem>> -> memref<1x40x128xf32, #tpu.memory_space<vmem>>
        %dma_start3A_141 = tpu.memref_squeeze %dma_start3A_140 : memref<1x40x128xf32, #tpu.memory_space<vmem>> -> memref<40x128xf32, #tpu.memory_space<vmem>>
        %dma_start3A_142 = arith.constant 0 : i32
        %dma_start3A_143 = tpu.memref_slice %arg8[%add3A_135, %dma_start3A_142] : memref<250x40xi32, #tpu.memory_space<vmem>> -> memref<1x40xi32, #tpu.memory_space<vmem>>
        %dma_start3A_144 = tpu.memref_squeeze %dma_start3A_143 : memref<1x40xi32, #tpu.memory_space<vmem>> -> memref<40xi32, #tpu.memory_space<vmem>>
        %dma_start3A_145 = arith.constant 0 : i32
        %dma_start3A_146 = arith.constant 0 : i32
        %dma_start3A_147 = tpu.memref_slice %arg10[%dma_start3A_145, %dma_start3A_146] : memref<10000x128xf32, #tpu.memory_space<vmem_shared>> -> memref<10000x128xf32, #tpu.memory_space<vmem_shared>>
        %dma_start3A_148 = tpu.memref_slice %arg12[%dma_start3A_137] : memref<4x!tpu.dma_semaphore, #tpu.memory_space<semaphore_mem>> -> memref<1x!tpu.dma_semaphore, #tpu.memory_space<semaphore_mem>>
        %dma_start3A_149 = tpu.memref_squeeze %dma_start3A_148 : memref<1x!tpu.dma_semaphore, #tpu.memory_space<semaphore_mem>> -> memref<!tpu.dma_semaphore, #tpu.memory_space<semaphore_mem>>
        tpu.enqueue_indirect_dma source(%dma_start3A_141 : memref<40x128xf32, #tpu.memory_space<vmem>>) target(%dma_start3A_147 : memref<10000x128xf32, #tpu.memory_space<vmem_shared>>) offsets(%dma_start3A_144 : memref<40xi32, #tpu.memory_space<vmem>>) semaphore(%dma_start3A_149 : memref<!tpu.dma_semaphore, #tpu.memory_space<semaphore_mem>>) {add = true}
        %dma_wait3A_150 = arith.constant 0 : i32
        %dma_wait3A_151 = arith.constant 3 : i32
        %dma_wait3A_152 = arith.constant 3 : i32
        %dma_wait3A_153 = arith.constant 0 : i32
        %dma_wait3A_154 = arith.constant 0 : i32
        %dma_wait3A_155 = tpu.memref_slice %arg9[%dma_wait3A_151, %dma_wait3A_153, %dma_wait3A_154] : memref<4x40x128xf32, #tpu.memory_space<vmem>> -> memref<1x40x128xf32, #tpu.memory_space<vmem>>
        %dma_wait3A_156 = tpu.memref_squeeze %dma_wait3A_155 : memref<1x40x128xf32, #tpu.memory_space<vmem>> -> memref<40x128xf32, #tpu.memory_space<vmem>>
        %dma_wait3A_157 = arith.constant 0 : i32
        %dma_wait3A_158 = tpu.memref_slice %arg7[%dma_wait3A_150, %dma_wait3A_157] : memref<250x40xi32, #tpu.memory_space<vmem>> -> memref<1x40xi32, #tpu.memory_space<vmem>>
        %dma_wait3A_159 = tpu.memref_squeeze %dma_wait3A_158 : memref<1x40xi32, #tpu.memory_space<vmem>> -> memref<40xi32, #tpu.memory_space<vmem>>
        %dma_wait3A_160 = arith.constant 0 : i32
        %dma_wait3A_161 = arith.constant 0 : i32
        %dma_wait3A_162 = tpu.memref_slice %arg2[%dma_wait3A_160, %dma_wait3A_161] : memref<10000x128xf32, #tpu.memory_space<hbm>> -> memref<10000x128xf32, #tpu.memory_space<hbm>>
        %dma_wait3A_163 = tpu.memref_slice %arg11[%dma_wait3A_152] : memref<4x!tpu.dma_semaphore, #tpu.memory_space<semaphore_mem>> -> memref<1x!tpu.dma_semaphore, #tpu.memory_space<semaphore_mem>>
        %dma_wait3A_164 = tpu.memref_squeeze %dma_wait3A_163 : memref<1x!tpu.dma_semaphore, #tpu.memory_space<semaphore_mem>> -> memref<!tpu.dma_semaphore, #tpu.memory_space<semaphore_mem>>
        tpu.wait_indirect_dma semaphore(%dma_wait3A_164 : memref<!tpu.dma_semaphore, #tpu.memory_space<semaphore_mem>>) src(%dma_wait3A_162 : memref<10000x128xf32, #tpu.memory_space<hbm>>) dst(%dma_wait3A_156 : memref<40x128xf32, #tpu.memory_space<vmem>>)
        %mul3A_165 = arith.constant 2 : i32
        %mul3A_166 = arith.muli %add3A_111, %mul3A_165 : i32
        %add3A_167 = arith.constant 1 : i32
        %add3A_168 = arith.addi %mul3A_166, %add3A_167 : i32
        %dma_start3A_169 = arith.constant 3 : i32
        %dma_start3A_170 = arith.constant 3 : i32
        %dma_start3A_171 = arith.constant 0 : i32
        %dma_start3A_172 = arith.constant 0 : i32
        %dma_start3A_173 = tpu.memref_slice %arg9[%dma_start3A_169, %dma_start3A_171, %dma_start3A_172] : memref<4x40x128xf32, #tpu.memory_space<vmem>> -> memref<1x40x128xf32, #tpu.memory_space<vmem>>
        %dma_start3A_174 = tpu.memref_squeeze %dma_start3A_173 : memref<1x40x128xf32, #tpu.memory_space<vmem>> -> memref<40x128xf32, #tpu.memory_space<vmem>>
        %dma_start3A_175 = arith.constant 0 : i32
        %dma_start3A_176 = tpu.memref_slice %arg8[%add3A_168, %dma_start3A_175] : memref<250x40xi32, #tpu.memory_space<vmem>> -> memref<1x40xi32, #tpu.memory_space<vmem>>
        %dma_start3A_177 = tpu.memref_squeeze %dma_start3A_176 : memref<1x40xi32, #tpu.memory_space<vmem>> -> memref<40xi32, #tpu.memory_space<vmem>>
        %dma_start3A_178 = arith.constant 0 : i32
        %dma_start3A_179 = arith.constant 0 : i32
        %dma_start3A_180 = tpu.memref_slice %arg10[%dma_start3A_178, %dma_start3A_179] : memref<10000x128xf32, #tpu.memory_space<vmem_shared>> -> memref<10000x128xf32, #tpu.memory_space<vmem_shared>>
        %dma_start3A_181 = tpu.memref_slice %arg12[%dma_start3A_170] : memref<4x!tpu.dma_semaphore, #tpu.memory_space<semaphore_mem>> -> memref<1x!tpu.dma_semaphore, #tpu.memory_space<semaphore_mem>>
        %dma_start3A_182 = tpu.memref_squeeze %dma_start3A_181 : memref<1x!tpu.dma_semaphore, #tpu.memory_space<semaphore_mem>> -> memref<!tpu.dma_semaphore, #tpu.memory_space<semaphore_mem>>
        tpu.enqueue_indirect_dma source(%dma_start3A_174 : memref<40x128xf32, #tpu.memory_space<vmem>>) target(%dma_start3A_180 : memref<10000x128xf32, #tpu.memory_space<vmem_shared>>) offsets(%dma_start3A_177 : memref<40xi32, #tpu.memory_space<vmem>>) semaphore(%dma_start3A_182 : memref<!tpu.dma_semaphore, #tpu.memory_space<semaphore_mem>>) {add = true}
        %add3A_183 = arith.constant 1 : i32
        %add3A_184 = arith.addi %add3A_111, %add3A_183 : i32
        %lt3A_185 = arith.constant 125 : i32
        %lt3A_186 = arith.cmpi slt, %add3A_184, %lt3A_185 : i32
        %convert_element_type3A_187 = arith.extui %lt3A_186 : i1 to i32
        %cond3A_188 = arith.constant 0 : i32
        %cond3A_189 = arith.cmpi ne, %convert_element_type3A_187, %cond3A_188 : i32
        scf.if %cond3A_189 {
          %ge3A = arith.constant 1 : i32
          %ge3A_190 = arith.cmpi sge, %add3A_111, %ge3A : i32
          %convert_element_type3A_191 = arith.extui %ge3A_190 : i1 to i32
          %cond3A_192 = arith.constant 0 : i32
          %cond3A_193 = arith.cmpi ne, %convert_element_type3A_191, %cond3A_192 : i32
          scf.if %cond3A_193 {
            %dma_wait3A_239 = arith.constant 0 : i32
            %dma_wait3A_240 = arith.constant 0 : i32
            %dma_wait3A_241 = arith.constant 0 : i32
            %dma_wait3A_242 = arith.constant 0 : i32
            %dma_wait3A_243 = arith.constant 0 : i32
            %dma_wait3A_244 = tpu.memref_slice %arg9[%dma_wait3A_239, %dma_wait3A_242, %dma_wait3A_243] : memref<4x40x128xf32, #tpu.memory_space<vmem>> -> memref<1x40x128xf32, #tpu.memory_space<vmem>>
            %dma_wait3A_245 = tpu.memref_squeeze %dma_wait3A_244 : memref<1x40x128xf32, #tpu.memory_space<vmem>> -> memref<40x128xf32, #tpu.memory_space<vmem>>
            %dma_wait3A_246 = arith.constant 0 : i32
            %dma_wait3A_247 = tpu.memref_slice %arg8[%dma_wait3A_240, %dma_wait3A_246] : memref<250x40xi32, #tpu.memory_space<vmem>> -> memref<1x40xi32, #tpu.memory_space<vmem>>
            %dma_wait3A_248 = tpu.memref_squeeze %dma_wait3A_247 : memref<1x40xi32, #tpu.memory_space<vmem>> -> memref<40xi32, #tpu.memory_space<vmem>>
            %dma_wait3A_249 = arith.constant 0 : i32
            %dma_wait3A_250 = arith.constant 0 : i32
            %dma_wait3A_251 = tpu.memref_slice %arg10[%dma_wait3A_249, %dma_wait3A_250] : memref<10000x128xf32, #tpu.memory_space<vmem_shared>> -> memref<10000x128xf32, #tpu.memory_space<vmem_shared>>
            %dma_wait3A_252 = tpu.memref_slice %arg12[%dma_wait3A_241] : memref<4x!tpu.dma_semaphore, #tpu.memory_space<semaphore_mem>> -> memref<1x!tpu.dma_semaphore, #tpu.memory_space<semaphore_mem>>
            %dma_wait3A_253 = tpu.memref_squeeze %dma_wait3A_252 : memref<1x!tpu.dma_semaphore, #tpu.memory_space<semaphore_mem>> -> memref<!tpu.dma_semaphore, #tpu.memory_space<semaphore_mem>>
            tpu.wait_indirect_dma semaphore(%dma_wait3A_253 : memref<!tpu.dma_semaphore, #tpu.memory_space<semaphore_mem>>) src(%dma_wait3A_245 : memref<40x128xf32, #tpu.memory_space<vmem>>) dst(%dma_wait3A_251 : memref<10000x128xf32, #tpu.memory_space<vmem_shared>>)
          } else {
          }
          %add3A_194 = arith.constant 1 : i32
          %add3A_195 = arith.addi %add3A_111, %add3A_194 : i32
          %mul3A_196 = arith.constant 2 : i32
          %mul3A_197 = arith.muli %add3A_195, %mul3A_196 : i32
          %add3A_198 = arith.constant 0 : i32
          %add3A_199 = arith.addi %mul3A_197, %add3A_198 : i32
          %dma_start3A_200 = arith.constant 0 : i32
          %dma_start3A_201 = arith.constant 0 : i32
          %dma_start3A_202 = arith.constant 0 : i32
          %dma_start3A_203 = arith.constant 0 : i32
          %dma_start3A_204 = tpu.memref_slice %arg9[%dma_start3A_200, %dma_start3A_202, %dma_start3A_203] : memref<4x40x128xf32, #tpu.memory_space<vmem>> -> memref<1x40x128xf32, #tpu.memory_space<vmem>>
          %dma_start3A_205 = tpu.memref_squeeze %dma_start3A_204 : memref<1x40x128xf32, #tpu.memory_space<vmem>> -> memref<40x128xf32, #tpu.memory_space<vmem>>
          %dma_start3A_206 = arith.constant 0 : i32
          %dma_start3A_207 = tpu.memref_slice %arg7[%add3A_199, %dma_start3A_206] : memref<250x40xi32, #tpu.memory_space<vmem>> -> memref<1x40xi32, #tpu.memory_space<vmem>>
          %dma_start3A_208 = tpu.memref_squeeze %dma_start3A_207 : memref<1x40xi32, #tpu.memory_space<vmem>> -> memref<40xi32, #tpu.memory_space<vmem>>
          %dma_start3A_209 = arith.constant 0 : i32
          %dma_start3A_210 = arith.constant 0 : i32
          %dma_start3A_211 = tpu.memref_slice %arg2[%dma_start3A_209, %dma_start3A_210] : memref<10000x128xf32, #tpu.memory_space<hbm>> -> memref<10000x128xf32, #tpu.memory_space<hbm>>
          %dma_start3A_212 = tpu.memref_slice %arg11[%dma_start3A_201] : memref<4x!tpu.dma_semaphore, #tpu.memory_space<semaphore_mem>> -> memref<1x!tpu.dma_semaphore, #tpu.memory_space<semaphore_mem>>
          %dma_start3A_213 = tpu.memref_squeeze %dma_start3A_212 : memref<1x!tpu.dma_semaphore, #tpu.memory_space<semaphore_mem>> -> memref<!tpu.dma_semaphore, #tpu.memory_space<semaphore_mem>>
          tpu.enqueue_indirect_dma source(%dma_start3A_211 : memref<10000x128xf32, #tpu.memory_space<hbm>>) target(%dma_start3A_205 : memref<40x128xf32, #tpu.memory_space<vmem>>) offsets(%dma_start3A_208 : memref<40xi32, #tpu.memory_space<vmem>>) semaphore(%dma_start3A_213 : memref<!tpu.dma_semaphore, #tpu.memory_space<semaphore_mem>>)
          %ge3A_214 = arith.constant 1 : i32
          %ge3A_215 = arith.cmpi sge, %add3A_111, %ge3A_214 : i32
          %convert_element_type3A_216 = arith.extui %ge3A_215 : i1 to i32
          %cond3A_217 = arith.constant 0 : i32
          %cond3A_218 = arith.cmpi ne, %convert_element_type3A_216, %cond3A_217 : i32
          scf.if %cond3A_218 {
            %dma_wait3A_239 = arith.constant 1 : i32
            %dma_wait3A_240 = arith.constant 0 : i32
            %dma_wait3A_241 = arith.constant 1 : i32
            %dma_wait3A_242 = arith.constant 0 : i32
            %dma_wait3A_243 = arith.constant 0 : i32
            %dma_wait3A_244 = tpu.memref_slice %arg9[%dma_wait3A_239, %dma_wait3A_242, %dma_wait3A_243] : memref<4x40x128xf32, #tpu.memory_space<vmem>> -> memref<1x40x128xf32, #tpu.memory_space<vmem>>
            %dma_wait3A_245 = tpu.memref_squeeze %dma_wait3A_244 : memref<1x40x128xf32, #tpu.memory_space<vmem>> -> memref<40x128xf32, #tpu.memory_space<vmem>>
            %dma_wait3A_246 = arith.constant 0 : i32
            %dma_wait3A_247 = tpu.memref_slice %arg8[%dma_wait3A_240, %dma_wait3A_246] : memref<250x40xi32, #tpu.memory_space<vmem>> -> memref<1x40xi32, #tpu.memory_space<vmem>>
            %dma_wait3A_248 = tpu.memref_squeeze %dma_wait3A_247 : memref<1x40xi32, #tpu.memory_space<vmem>> -> memref<40xi32, #tpu.memory_space<vmem>>
            %dma_wait3A_249 = arith.constant 0 : i32
            %dma_wait3A_250 = arith.constant 0 : i32
            %dma_wait3A_251 = tpu.memref_slice %arg10[%dma_wait3A_249, %dma_wait3A_250] : memref<10000x128xf32, #tpu.memory_space<vmem_shared>> -> memref<10000x128xf32, #tpu.memory_space<vmem_shared>>
            %dma_wait3A_252 = tpu.memref_slice %arg12[%dma_wait3A_241] : memref<4x!tpu.dma_semaphore, #tpu.memory_space<semaphore_mem>> -> memref<1x!tpu.dma_semaphore, #tpu.memory_space<semaphore_mem>>
            %dma_wait3A_253 = tpu.memref_squeeze %dma_wait3A_252 : memref<1x!tpu.dma_semaphore, #tpu.memory_space<semaphore_mem>> -> memref<!tpu.dma_semaphore, #tpu.memory_space<semaphore_mem>>
            tpu.wait_indirect_dma semaphore(%dma_wait3A_253 : memref<!tpu.dma_semaphore, #tpu.memory_space<semaphore_mem>>) src(%dma_wait3A_245 : memref<40x128xf32, #tpu.memory_space<vmem>>) dst(%dma_wait3A_251 : memref<10000x128xf32, #tpu.memory_space<vmem_shared>>)
          } else {
          }
          %add3A_219 = arith.constant 1 : i32
          %add3A_220 = arith.addi %add3A_111, %add3A_219 : i32
          %mul3A_221 = arith.constant 2 : i32
          %mul3A_222 = arith.muli %add3A_220, %mul3A_221 : i32
          %add3A_223 = arith.constant 1 : i32
          %add3A_224 = arith.addi %mul3A_222, %add3A_223 : i32
          %dma_start3A_225 = arith.constant 1 : i32
          %dma_start3A_226 = arith.constant 1 : i32
          %dma_start3A_227 = arith.constant 0 : i32
          %dma_start3A_228 = arith.constant 0 : i32
          %dma_start3A_229 = tpu.memref_slice %arg9[%dma_start3A_225, %dma_start3A_227, %dma_start3A_228] : memref<4x40x128xf32, #tpu.memory_space<vmem>> -> memref<1x40x128xf32, #tpu.memory_space<vmem>>
          %dma_start3A_230 = tpu.memref_squeeze %dma_start3A_229 : memref<1x40x128xf32, #tpu.memory_space<vmem>> -> memref<40x128xf32, #tpu.memory_space<vmem>>
          %dma_start3A_231 = arith.constant 0 : i32
          %dma_start3A_232 = tpu.memref_slice %arg7[%add3A_224, %dma_start3A_231] : memref<250x40xi32, #tpu.memory_space<vmem>> -> memref<1x40xi32, #tpu.memory_space<vmem>>
          %dma_start3A_233 = tpu.memref_squeeze %dma_start3A_232 : memref<1x40xi32, #tpu.memory_space<vmem>> -> memref<40xi32, #tpu.memory_space<vmem>>
          %dma_start3A_234 = arith.constant 0 : i32
          %dma_start3A_235 = arith.constant 0 : i32
          %dma_start3A_236 = tpu.memref_slice %arg2[%dma_start3A_234, %dma_start3A_235] : memref<10000x128xf32, #tpu.memory_space<hbm>> -> memref<10000x128xf32, #tpu.memory_space<hbm>>
          %dma_start3A_237 = tpu.memref_slice %arg11[%dma_start3A_226] : memref<4x!tpu.dma_semaphore, #tpu.memory_space<semaphore_mem>> -> memref<1x!tpu.dma_semaphore, #tpu.memory_space<semaphore_mem>>
          %dma_start3A_238 = tpu.memref_squeeze %dma_start3A_237 : memref<1x!tpu.dma_semaphore, #tpu.memory_space<semaphore_mem>> -> memref<!tpu.dma_semaphore, #tpu.memory_space<semaphore_mem>>
          tpu.enqueue_indirect_dma source(%dma_start3A_236 : memref<10000x128xf32, #tpu.memory_space<hbm>>) target(%dma_start3A_230 : memref<40x128xf32, #tpu.memory_space<vmem>>) offsets(%dma_start3A_233 : memref<40xi32, #tpu.memory_space<vmem>>) semaphore(%dma_start3A_238 : memref<!tpu.dma_semaphore, #tpu.memory_space<semaphore_mem>>)
        } else {
        }
      } else {
      }
    }
    %scan3A_36 = arith.constant 63 : i32
    %dma_wait3A = arith.constant 0 : i32
    %dma_wait3A_37 = arith.constant 0 : i32
    %dma_wait3A_38 = arith.constant 0 : i32
    %dma_wait3A_39 = arith.constant 0 : i32
    %dma_wait3A_40 = arith.constant 0 : i32
    %dma_wait3A_41 = tpu.memref_slice %arg9[%dma_wait3A, %dma_wait3A_39, %dma_wait3A_40] : memref<4x40x128xf32, #tpu.memory_space<vmem>> -> memref<1x40x128xf32, #tpu.memory_space<vmem>>
    %dma_wait3A_42 = tpu.memref_squeeze %dma_wait3A_41 : memref<1x40x128xf32, #tpu.memory_space<vmem>> -> memref<40x128xf32, #tpu.memory_space<vmem>>
    %dma_wait3A_43 = arith.constant 0 : i32
    %dma_wait3A_44 = tpu.memref_slice %arg8[%dma_wait3A_37, %dma_wait3A_43] : memref<250x40xi32, #tpu.memory_space<vmem>> -> memref<1x40xi32, #tpu.memory_space<vmem>>
    %dma_wait3A_45 = tpu.memref_squeeze %dma_wait3A_44 : memref<1x40xi32, #tpu.memory_space<vmem>> -> memref<40xi32, #tpu.memory_space<vmem>>
    %dma_wait3A_46 = arith.constant 0 : i32
    %dma_wait3A_47 = arith.constant 0 : i32
    %dma_wait3A_48 = tpu.memref_slice %arg10[%dma_wait3A_46, %dma_wait3A_47] : memref<10000x128xf32, #tpu.memory_space<vmem_shared>> -> memref<10000x128xf32, #tpu.memory_space<vmem_shared>>
    %dma_wait3A_49 = tpu.memref_slice %arg12[%dma_wait3A_38] : memref<4x!tpu.dma_semaphore, #tpu.memory_space<semaphore_mem>> -> memref<1x!tpu.dma_semaphore, #tpu.memory_space<semaphore_mem>>
    %dma_wait3A_50 = tpu.memref_squeeze %dma_wait3A_49 : memref<1x!tpu.dma_semaphore, #tpu.memory_space<semaphore_mem>> -> memref<!tpu.dma_semaphore, #tpu.memory_space<semaphore_mem>>
    tpu.wait_indirect_dma semaphore(%dma_wait3A_50 : memref<!tpu.dma_semaphore, #tpu.memory_space<semaphore_mem>>) src(%dma_wait3A_42 : memref<40x128xf32, #tpu.memory_space<vmem>>) dst(%dma_wait3A_48 : memref<10000x128xf32, #tpu.memory_space<vmem_shared>>)
    %dma_wait3A_51 = arith.constant 1 : i32
    %dma_wait3A_52 = arith.constant 0 : i32
    %dma_wait3A_53 = arith.constant 1 : i32
    %dma_wait3A_54 = arith.constant 0 : i32
    %dma_wait3A_55 = arith.constant 0 : i32
    %dma_wait3A_56 = tpu.memref_slice %arg9[%dma_wait3A_51, %dma_wait3A_54, %dma_wait3A_55] : memref<4x40x128xf32, #tpu.memory_space<vmem>> -> memref<1x40x128xf32, #tpu.memory_space<vmem>>
    %dma_wait3A_57 = tpu.memref_squeeze %dma_wait3A_56 : memref<1x40x128xf32, #tpu.memory_space<vmem>> -> memref<40x128xf32, #tpu.memory_space<vmem>>
    %dma_wait3A_58 = arith.constant 0 : i32
    %dma_wait3A_59 = tpu.memref_slice %arg8[%dma_wait3A_52, %dma_wait3A_58] : memref<250x40xi32, #tpu.memory_space<vmem>> -> memref<1x40xi32, #tpu.memory_space<vmem>>
    %dma_wait3A_60 = tpu.memref_squeeze %dma_wait3A_59 : memref<1x40xi32, #tpu.memory_space<vmem>> -> memref<40xi32, #tpu.memory_space<vmem>>
    %dma_wait3A_61 = arith.constant 0 : i32
    %dma_wait3A_62 = arith.constant 0 : i32
    %dma_wait3A_63 = tpu.memref_slice %arg10[%dma_wait3A_61, %dma_wait3A_62] : memref<10000x128xf32, #tpu.memory_space<vmem_shared>> -> memref<10000x128xf32, #tpu.memory_space<vmem_shared>>
    %dma_wait3A_64 = tpu.memref_slice %arg12[%dma_wait3A_53] : memref<4x!tpu.dma_semaphore, #tpu.memory_space<semaphore_mem>> -> memref<1x!tpu.dma_semaphore, #tpu.memory_space<semaphore_mem>>
    %dma_wait3A_65 = tpu.memref_squeeze %dma_wait3A_64 : memref<1x!tpu.dma_semaphore, #tpu.memory_space<semaphore_mem>> -> memref<!tpu.dma_semaphore, #tpu.memory_space<semaphore_mem>>
    tpu.wait_indirect_dma semaphore(%dma_wait3A_65 : memref<!tpu.dma_semaphore, #tpu.memory_space<semaphore_mem>>) src(%dma_wait3A_57 : memref<40x128xf32, #tpu.memory_space<vmem>>) dst(%dma_wait3A_63 : memref<10000x128xf32, #tpu.memory_space<vmem_shared>>)
    %dma_wait3A_66 = arith.constant 2 : i32
    %dma_wait3A_67 = arith.constant 0 : i32
    %dma_wait3A_68 = arith.constant 2 : i32
    %dma_wait3A_69 = arith.constant 0 : i32
    %dma_wait3A_70 = arith.constant 0 : i32
    %dma_wait3A_71 = tpu.memref_slice %arg9[%dma_wait3A_66, %dma_wait3A_69, %dma_wait3A_70] : memref<4x40x128xf32, #tpu.memory_space<vmem>> -> memref<1x40x128xf32, #tpu.memory_space<vmem>>
    %dma_wait3A_72 = tpu.memref_squeeze %dma_wait3A_71 : memref<1x40x128xf32, #tpu.memory_space<vmem>> -> memref<40x128xf32, #tpu.memory_space<vmem>>
    %dma_wait3A_73 = arith.constant 0 : i32
    %dma_wait3A_74 = tpu.memref_slice %arg8[%dma_wait3A_67, %dma_wait3A_73] : memref<250x40xi32, #tpu.memory_space<vmem>> -> memref<1x40xi32, #tpu.memory_space<vmem>>
    %dma_wait3A_75 = tpu.memref_squeeze %dma_wait3A_74 : memref<1x40xi32, #tpu.memory_space<vmem>> -> memref<40xi32, #tpu.memory_space<vmem>>
    %dma_wait3A_76 = arith.constant 0 : i32
    %dma_wait3A_77 = arith.constant 0 : i32
    %dma_wait3A_78 = tpu.memref_slice %arg10[%dma_wait3A_76, %dma_wait3A_77] : memref<10000x128xf32, #tpu.memory_space<vmem_shared>> -> memref<10000x128xf32, #tpu.memory_space<vmem_shared>>
    %dma_wait3A_79 = tpu.memref_slice %arg12[%dma_wait3A_68] : memref<4x!tpu.dma_semaphore, #tpu.memory_space<semaphore_mem>> -> memref<1x!tpu.dma_semaphore, #tpu.memory_space<semaphore_mem>>
    %dma_wait3A_80 = tpu.memref_squeeze %dma_wait3A_79 : memref<1x!tpu.dma_semaphore, #tpu.memory_space<semaphore_mem>> -> memref<!tpu.dma_semaphore, #tpu.memory_space<semaphore_mem>>
    tpu.wait_indirect_dma semaphore(%dma_wait3A_80 : memref<!tpu.dma_semaphore, #tpu.memory_space<semaphore_mem>>) src(%dma_wait3A_72 : memref<40x128xf32, #tpu.memory_space<vmem>>) dst(%dma_wait3A_78 : memref<10000x128xf32, #tpu.memory_space<vmem_shared>>)
    %dma_wait3A_81 = arith.constant 3 : i32
    %dma_wait3A_82 = arith.constant 0 : i32
    %dma_wait3A_83 = arith.constant 3 : i32
    %dma_wait3A_84 = arith.constant 0 : i32
    %dma_wait3A_85 = arith.constant 0 : i32
    %dma_wait3A_86 = tpu.memref_slice %arg9[%dma_wait3A_81, %dma_wait3A_84, %dma_wait3A_85] : memref<4x40x128xf32, #tpu.memory_space<vmem>> -> memref<1x40x128xf32, #tpu.memory_space<vmem>>
    %dma_wait3A_87 = tpu.memref_squeeze %dma_wait3A_86 : memref<1x40x128xf32, #tpu.memory_space<vmem>> -> memref<40x128xf32, #tpu.memory_space<vmem>>
    %dma_wait3A_88 = arith.constant 0 : i32
    %dma_wait3A_89 = tpu.memref_slice %arg8[%dma_wait3A_82, %dma_wait3A_88] : memref<250x40xi32, #tpu.memory_space<vmem>> -> memref<1x40xi32, #tpu.memory_space<vmem>>
    %dma_wait3A_90 = tpu.memref_squeeze %dma_wait3A_89 : memref<1x40xi32, #tpu.memory_space<vmem>> -> memref<40xi32, #tpu.memory_space<vmem>>
    %dma_wait3A_91 = arith.constant 0 : i32
    %dma_wait3A_92 = arith.constant 0 : i32
    %dma_wait3A_93 = tpu.memref_slice %arg10[%dma_wait3A_91, %dma_wait3A_92] : memref<10000x128xf32, #tpu.memory_space<vmem_shared>> -> memref<10000x128xf32, #tpu.memory_space<vmem_shared>>
    %dma_wait3A_94 = tpu.memref_slice %arg12[%dma_wait3A_83] : memref<4x!tpu.dma_semaphore, #tpu.memory_space<semaphore_mem>> -> memref<1x!tpu.dma_semaphore, #tpu.memory_space<semaphore_mem>>
    %dma_wait3A_95 = tpu.memref_squeeze %dma_wait3A_94 : memref<1x!tpu.dma_semaphore, #tpu.memory_space<semaphore_mem>> -> memref<!tpu.dma_semaphore, #tpu.memory_space<semaphore_mem>>
    tpu.wait_indirect_dma semaphore(%dma_wait3A_95 : memref<!tpu.dma_semaphore, #tpu.memory_space<semaphore_mem>>) src(%dma_wait3A_87 : memref<40x128xf32, #tpu.memory_space<vmem>>) dst(%dma_wait3A_93 : memref<10000x128xf32, #tpu.memory_space<vmem_shared>>)
    %barrier3A_96 = arith.constant 0 : index
    tpu.barrier barrier_id(%barrier3A_96)
    %mul3A_97 = arith.constant 625 : i32
    %mul3A_98 = arith.muli %arg1, %mul3A_97 : i32
    %mul3A_99 = arith.constant 625 : i32
    %mul3A_100 = arith.muli %arg1, %mul3A_99 : i32
    "tpu.region"() ({
      %run_scoped3A = tpu.sem_alloc : memref<!tpu.dma_semaphore, #tpu.memory_space<semaphore_mem>>
      %dma_start3A_101 = arith.constant 0 : i32
      %dma_start3A_102 = arith.constant 0 : i32
      %dma_start3A_103 = tpu.memref_slice %arg6[%arg0, %dma_start3A_101, %dma_start3A_102] : memref<2x10000x128xf32, #tpu.memory_space<hbm>> -> memref<1x10000x128xf32, #tpu.memory_space<hbm>>
      %dma_start3A_104 = tpu.memref_squeeze %dma_start3A_103 : memref<1x10000x128xf32, #tpu.memory_space<hbm>> -> memref<10000x128xf32, #tpu.memory_space<hbm>>
      %dma_start3A_105 = arith.constant 0 : i32
      %dma_start3A_106 = tpu.memref_slice %dma_start3A_104[%mul3A_100, %dma_start3A_105] : memref<10000x128xf32, #tpu.memory_space<hbm>> -> memref<625x128xf32, #tpu.memory_space<hbm>>
      %dma_start3A_107 = arith.constant 0 : i32
      %dma_start3A_108 = tpu.memref_slice %arg10[%mul3A_98, %dma_start3A_107] : memref<10000x128xf32, #tpu.memory_space<vmem_shared>> -> memref<625x128xf32, #tpu.memory_space<vmem_shared>>
      tpu.enqueue_dma source(%dma_start3A_108 : memref<625x128xf32, #tpu.memory_space<vmem_shared>>) target(%dma_start3A_106 : memref<625x128xf32, #tpu.memory_space<hbm>>) target_semaphore(%run_scoped3A : memref<!tpu.dma_semaphore, #tpu.memory_space<semaphore_mem>>)
      %dma_wait3A_109 = arith.constant 0 : i32
      %dma_wait3A_110 = arith.constant 0 : i32
      %dma_wait3A_111 = tpu.memref_slice %arg6[%arg0, %dma_wait3A_109, %dma_wait3A_110] : memref<2x10000x128xf32, #tpu.memory_space<hbm>> -> memref<1x10000x128xf32, #tpu.memory_space<hbm>>
      %dma_wait3A_112 = tpu.memref_squeeze %dma_wait3A_111 : memref<1x10000x128xf32, #tpu.memory_space<hbm>> -> memref<10000x128xf32, #tpu.memory_space<hbm>>
      %dma_wait3A_113 = arith.constant 0 : i32
      %dma_wait3A_114 = tpu.memref_slice %dma_wait3A_112[%mul3A_100, %dma_wait3A_113] : memref<10000x128xf32, #tpu.memory_space<hbm>> -> memref<625x128xf32, #tpu.memory_space<hbm>>
      %dma_wait3A_115 = arith.constant 0 : i32
      %dma_wait3A_116 = tpu.memref_slice %arg10[%mul3A_98, %dma_wait3A_115] : memref<10000x128xf32, #tpu.memory_space<vmem_shared>> -> memref<625x128xf32, #tpu.memory_space<vmem_shared>>
      tpu.wait_dma2 semaphore(%run_scoped3A : memref<!tpu.dma_semaphore, #tpu.memory_space<semaphore_mem>>) src(%dma_wait3A_116 : memref<625x128xf32, #tpu.memory_space<vmem_shared>>) dst(%dma_wait3A_114 : memref<625x128xf32, #tpu.memory_space<hbm>>)
      tpu.yield
    }) : () -> ()
    return
  }
}

#map = affine_map<(d0, d1) -> (0, 0)>
#map1 = affine_map<(d0, d1) -> (0, 0, 0)>
module attributes {stable_mosaic.version = 14 : i64} {
  func.func @body(%arg0: i32, %arg1: i32, %arg2: memref<10000x64xf32, #tpu.memory_space<hbm>>, %arg3: memref<32x125x80xi32, #tpu.memory_space<hbm>>, %arg4: memref<32x125x80xi32, #tpu.memory_space<hbm>>, %arg5: memref<625x64xf32, #tpu.memory_space<hbm>>, %arg6: memref<2x10000x64xf32, #tpu.memory_space<hbm>>, %arg7: memref<125x80xi32, #tpu.memory_space<vmem>>, %arg8: memref<125x80xi32, #tpu.memory_space<vmem>>, %arg9: memref<10x80x64xf32, #tpu.memory_space<vmem>>, %arg10: memref<10000x64xf32, #tpu.memory_space<vmem_shared>>, %arg11: memref<10x!tpu.dma_semaphore, #tpu.memory_space<semaphore_mem>>, %arg12: memref<10x!tpu.dma_semaphore, #tpu.memory_space<semaphore_mem>>) attributes {dimension_semantics = [#tpu.dimension_semantics<core_parallel>, #tpu.dimension_semantics<subcore_parallel>], iteration_bounds = array<i64: 2, 16>, scalar_prefetch = 0 : i64, scratch_operands = 6 : i64, tpu.core_type = #tpu.core_type<sc_vector_subcore>, window_params = [{transform_indices = #map}, {transform_indices = #map1}, {transform_indices = #map1}, {transform_indices = #map}, {transform_indices = #map1}]} {
    %mul3A = arith.constant 16 : i32
    %mul3A_0 = arith.muli %arg0, %mul3A : i32
    %add3A = arith.addi %mul3A_0, %arg1 : i32
    %mul3A_1 = arith.constant 625 : i32
    %mul3A_2 = arith.muli %arg1, %mul3A_1 : i32
    "tpu.region"() ({
      %run_scoped3A = tpu.sem_alloc : memref<!tpu.dma_semaphore, #tpu.memory_space<semaphore_mem>>
      %dma_start3A_236 = arith.constant 0 : i32
      %dma_start3A_237 = tpu.memref_slice %arg10[%mul3A_2, %dma_start3A_236] : memref<10000x64xf32, #tpu.memory_space<vmem_shared>> -> memref<625x64xf32, #tpu.memory_space<vmem_shared>>
      tpu.enqueue_dma source(%arg5 : memref<625x64xf32, #tpu.memory_space<hbm>>) target(%dma_start3A_237 : memref<625x64xf32, #tpu.memory_space<vmem_shared>>) target_semaphore(%run_scoped3A : memref<!tpu.dma_semaphore, #tpu.memory_space<semaphore_mem>>)
      %dma_wait3A_238 = arith.constant 0 : i32
      %dma_wait3A_239 = tpu.memref_slice %arg10[%mul3A_2, %dma_wait3A_238] : memref<10000x64xf32, #tpu.memory_space<vmem_shared>> -> memref<625x64xf32, #tpu.memory_space<vmem_shared>>
      tpu.wait_dma2 semaphore(%run_scoped3A : memref<!tpu.dma_semaphore, #tpu.memory_space<semaphore_mem>>) src(%arg5 : memref<625x64xf32, #tpu.memory_space<hbm>>) dst(%dma_wait3A_239 : memref<625x64xf32, #tpu.memory_space<vmem_shared>>)
      tpu.yield
    }) : () -> ()
    "tpu.region"() ({
      %run_scoped3A = tpu.sem_alloc : memref<!tpu.dma_semaphore, #tpu.memory_space<semaphore_mem>>
      %dma_start3A_236 = arith.constant 0 : i32
      %dma_start3A_237 = arith.constant 0 : i32
      %dma_start3A_238 = tpu.memref_slice %arg3[%add3A, %dma_start3A_236, %dma_start3A_237] : memref<32x125x80xi32, #tpu.memory_space<hbm>> -> memref<1x125x80xi32, #tpu.memory_space<hbm>>
      %dma_start3A_239 = tpu.memref_squeeze %dma_start3A_238 : memref<1x125x80xi32, #tpu.memory_space<hbm>> -> memref<125x80xi32, #tpu.memory_space<hbm>>
      %dma_start3A_240 = arith.constant 0 : i32
      %dma_start3A_241 = arith.constant 0 : i32
      %dma_start3A_242 = tpu.memref_slice %arg3[%add3A, %dma_start3A_240, %dma_start3A_241] : memref<32x125x80xi32, #tpu.memory_space<hbm>> -> memref<1x125x80xi32, #tpu.memory_space<hbm>>
      %dma_start3A_243 = tpu.memref_squeeze %dma_start3A_242 : memref<1x125x80xi32, #tpu.memory_space<hbm>> -> memref<125x80xi32, #tpu.memory_space<hbm>>
      tpu.enqueue_dma source(%dma_start3A_243 : memref<125x80xi32, #tpu.memory_space<hbm>>) target(%arg7 : memref<125x80xi32, #tpu.memory_space<vmem>>) target_semaphore(%run_scoped3A : memref<!tpu.dma_semaphore, #tpu.memory_space<semaphore_mem>>)
      %dma_wait3A_244 = arith.constant 0 : i32
      %dma_wait3A_245 = arith.constant 0 : i32
      %dma_wait3A_246 = tpu.memref_slice %arg3[%add3A, %dma_wait3A_244, %dma_wait3A_245] : memref<32x125x80xi32, #tpu.memory_space<hbm>> -> memref<1x125x80xi32, #tpu.memory_space<hbm>>
      %dma_wait3A_247 = tpu.memref_squeeze %dma_wait3A_246 : memref<1x125x80xi32, #tpu.memory_space<hbm>> -> memref<125x80xi32, #tpu.memory_space<hbm>>
      %dma_wait3A_248 = arith.constant 0 : i32
      %dma_wait3A_249 = arith.constant 0 : i32
      %dma_wait3A_250 = tpu.memref_slice %arg3[%add3A, %dma_wait3A_248, %dma_wait3A_249] : memref<32x125x80xi32, #tpu.memory_space<hbm>> -> memref<1x125x80xi32, #tpu.memory_space<hbm>>
      %dma_wait3A_251 = tpu.memref_squeeze %dma_wait3A_250 : memref<1x125x80xi32, #tpu.memory_space<hbm>> -> memref<125x80xi32, #tpu.memory_space<hbm>>
      tpu.wait_dma2 semaphore(%run_scoped3A : memref<!tpu.dma_semaphore, #tpu.memory_space<semaphore_mem>>) src(%dma_wait3A_251 : memref<125x80xi32, #tpu.memory_space<hbm>>) dst(%arg7 : memref<125x80xi32, #tpu.memory_space<vmem>>)
      tpu.yield
    }) : () -> ()
    "tpu.region"() ({
      %run_scoped3A = tpu.sem_alloc : memref<!tpu.dma_semaphore, #tpu.memory_space<semaphore_mem>>
      %dma_start3A_236 = arith.constant 0 : i32
      %dma_start3A_237 = arith.constant 0 : i32
      %dma_start3A_238 = tpu.memref_slice %arg4[%add3A, %dma_start3A_236, %dma_start3A_237] : memref<32x125x80xi32, #tpu.memory_space<hbm>> -> memref<1x125x80xi32, #tpu.memory_space<hbm>>
      %dma_start3A_239 = tpu.memref_squeeze %dma_start3A_238 : memref<1x125x80xi32, #tpu.memory_space<hbm>> -> memref<125x80xi32, #tpu.memory_space<hbm>>
      %dma_start3A_240 = arith.constant 0 : i32
      %dma_start3A_241 = arith.constant 0 : i32
      %dma_start3A_242 = tpu.memref_slice %arg4[%add3A, %dma_start3A_240, %dma_start3A_241] : memref<32x125x80xi32, #tpu.memory_space<hbm>> -> memref<1x125x80xi32, #tpu.memory_space<hbm>>
      %dma_start3A_243 = tpu.memref_squeeze %dma_start3A_242 : memref<1x125x80xi32, #tpu.memory_space<hbm>> -> memref<125x80xi32, #tpu.memory_space<hbm>>
      tpu.enqueue_dma source(%dma_start3A_243 : memref<125x80xi32, #tpu.memory_space<hbm>>) target(%arg8 : memref<125x80xi32, #tpu.memory_space<vmem>>) target_semaphore(%run_scoped3A : memref<!tpu.dma_semaphore, #tpu.memory_space<semaphore_mem>>)
      %dma_wait3A_244 = arith.constant 0 : i32
      %dma_wait3A_245 = arith.constant 0 : i32
      %dma_wait3A_246 = tpu.memref_slice %arg4[%add3A, %dma_wait3A_244, %dma_wait3A_245] : memref<32x125x80xi32, #tpu.memory_space<hbm>> -> memref<1x125x80xi32, #tpu.memory_space<hbm>>
      %dma_wait3A_247 = tpu.memref_squeeze %dma_wait3A_246 : memref<1x125x80xi32, #tpu.memory_space<hbm>> -> memref<125x80xi32, #tpu.memory_space<hbm>>
      %dma_wait3A_248 = arith.constant 0 : i32
      %dma_wait3A_249 = arith.constant 0 : i32
      %dma_wait3A_250 = tpu.memref_slice %arg4[%add3A, %dma_wait3A_248, %dma_wait3A_249] : memref<32x125x80xi32, #tpu.memory_space<hbm>> -> memref<1x125x80xi32, #tpu.memory_space<hbm>>
      %dma_wait3A_251 = tpu.memref_squeeze %dma_wait3A_250 : memref<1x125x80xi32, #tpu.memory_space<hbm>> -> memref<125x80xi32, #tpu.memory_space<hbm>>
      tpu.wait_dma2 semaphore(%run_scoped3A : memref<!tpu.dma_semaphore, #tpu.memory_space<semaphore_mem>>) src(%dma_wait3A_251 : memref<125x80xi32, #tpu.memory_space<hbm>>) dst(%arg8 : memref<125x80xi32, #tpu.memory_space<vmem>>)
      tpu.yield
    }) : () -> ()
    %barrier3A = arith.constant 0 : index
    tpu.barrier barrier_id(%barrier3A)
    %dma_start3A = arith.constant 0 : i32
    %dma_start3A_3 = arith.constant 0 : i32
    %dma_start3A_4 = arith.constant 0 : i32
    %dma_start3A_5 = arith.constant 0 : i32
    %dma_start3A_6 = arith.constant 0 : i32
    %dma_start3A_7 = tpu.memref_slice %arg9[%dma_start3A_3, %dma_start3A_5, %dma_start3A_6] : memref<10x80x64xf32, #tpu.memory_space<vmem>> -> memref<1x80x64xf32, #tpu.memory_space<vmem>>
    %dma_start3A_8 = tpu.memref_squeeze %dma_start3A_7 : memref<1x80x64xf32, #tpu.memory_space<vmem>> -> memref<80x64xf32, #tpu.memory_space<vmem>>
    %dma_start3A_9 = arith.constant 0 : i32
    %dma_start3A_10 = tpu.memref_slice %arg7[%dma_start3A, %dma_start3A_9] : memref<125x80xi32, #tpu.memory_space<vmem>> -> memref<1x80xi32, #tpu.memory_space<vmem>>
    %dma_start3A_11 = tpu.memref_squeeze %dma_start3A_10 : memref<1x80xi32, #tpu.memory_space<vmem>> -> memref<80xi32, #tpu.memory_space<vmem>>
    %dma_start3A_12 = arith.constant 0 : i32
    %dma_start3A_13 = arith.constant 0 : i32
    %dma_start3A_14 = tpu.memref_slice %arg2[%dma_start3A_12, %dma_start3A_13] : memref<10000x64xf32, #tpu.memory_space<hbm>> -> memref<10000x64xf32, #tpu.memory_space<hbm>>
    %dma_start3A_15 = tpu.memref_slice %arg11[%dma_start3A_4] : memref<10x!tpu.dma_semaphore, #tpu.memory_space<semaphore_mem>> -> memref<1x!tpu.dma_semaphore, #tpu.memory_space<semaphore_mem>>
    %dma_start3A_16 = tpu.memref_squeeze %dma_start3A_15 : memref<1x!tpu.dma_semaphore, #tpu.memory_space<semaphore_mem>> -> memref<!tpu.dma_semaphore, #tpu.memory_space<semaphore_mem>>
    tpu.enqueue_indirect_dma source(%dma_start3A_14 : memref<10000x64xf32, #tpu.memory_space<hbm>>) target(%dma_start3A_8 : memref<80x64xf32, #tpu.memory_space<vmem>>) offsets(%dma_start3A_11 : memref<80xi32, #tpu.memory_space<vmem>>) semaphore(%dma_start3A_16 : memref<!tpu.dma_semaphore, #tpu.memory_space<semaphore_mem>>)
    %dma_start3A_17 = arith.constant 1 : i32
    %dma_start3A_18 = arith.constant 1 : i32
    %dma_start3A_19 = arith.constant 1 : i32
    %dma_start3A_20 = arith.constant 0 : i32
    %dma_start3A_21 = arith.constant 0 : i32
    %dma_start3A_22 = tpu.memref_slice %arg9[%dma_start3A_18, %dma_start3A_20, %dma_start3A_21] : memref<10x80x64xf32, #tpu.memory_space<vmem>> -> memref<1x80x64xf32, #tpu.memory_space<vmem>>
    %dma_start3A_23 = tpu.memref_squeeze %dma_start3A_22 : memref<1x80x64xf32, #tpu.memory_space<vmem>> -> memref<80x64xf32, #tpu.memory_space<vmem>>
    %dma_start3A_24 = arith.constant 0 : i32
    %dma_start3A_25 = tpu.memref_slice %arg7[%dma_start3A_17, %dma_start3A_24] : memref<125x80xi32, #tpu.memory_space<vmem>> -> memref<1x80xi32, #tpu.memory_space<vmem>>
    %dma_start3A_26 = tpu.memref_squeeze %dma_start3A_25 : memref<1x80xi32, #tpu.memory_space<vmem>> -> memref<80xi32, #tpu.memory_space<vmem>>
    %dma_start3A_27 = arith.constant 0 : i32
    %dma_start3A_28 = arith.constant 0 : i32
    %dma_start3A_29 = tpu.memref_slice %arg2[%dma_start3A_27, %dma_start3A_28] : memref<10000x64xf32, #tpu.memory_space<hbm>> -> memref<10000x64xf32, #tpu.memory_space<hbm>>
    %dma_start3A_30 = tpu.memref_slice %arg11[%dma_start3A_19] : memref<10x!tpu.dma_semaphore, #tpu.memory_space<semaphore_mem>> -> memref<1x!tpu.dma_semaphore, #tpu.memory_space<semaphore_mem>>
    %dma_start3A_31 = tpu.memref_squeeze %dma_start3A_30 : memref<1x!tpu.dma_semaphore, #tpu.memory_space<semaphore_mem>> -> memref<!tpu.dma_semaphore, #tpu.memory_space<semaphore_mem>>
    tpu.enqueue_indirect_dma source(%dma_start3A_29 : memref<10000x64xf32, #tpu.memory_space<hbm>>) target(%dma_start3A_23 : memref<80x64xf32, #tpu.memory_space<vmem>>) offsets(%dma_start3A_26 : memref<80xi32, #tpu.memory_space<vmem>>) semaphore(%dma_start3A_31 : memref<!tpu.dma_semaphore, #tpu.memory_space<semaphore_mem>>)
    %dma_start3A_32 = arith.constant 2 : i32
    %dma_start3A_33 = arith.constant 2 : i32
    %dma_start3A_34 = arith.constant 2 : i32
    %dma_start3A_35 = arith.constant 0 : i32
    %dma_start3A_36 = arith.constant 0 : i32
    %dma_start3A_37 = tpu.memref_slice %arg9[%dma_start3A_33, %dma_start3A_35, %dma_start3A_36] : memref<10x80x64xf32, #tpu.memory_space<vmem>> -> memref<1x80x64xf32, #tpu.memory_space<vmem>>
    %dma_start3A_38 = tpu.memref_squeeze %dma_start3A_37 : memref<1x80x64xf32, #tpu.memory_space<vmem>> -> memref<80x64xf32, #tpu.memory_space<vmem>>
    %dma_start3A_39 = arith.constant 0 : i32
    %dma_start3A_40 = tpu.memref_slice %arg7[%dma_start3A_32, %dma_start3A_39] : memref<125x80xi32, #tpu.memory_space<vmem>> -> memref<1x80xi32, #tpu.memory_space<vmem>>
    %dma_start3A_41 = tpu.memref_squeeze %dma_start3A_40 : memref<1x80xi32, #tpu.memory_space<vmem>> -> memref<80xi32, #tpu.memory_space<vmem>>
    %dma_start3A_42 = arith.constant 0 : i32
    %dma_start3A_43 = arith.constant 0 : i32
    %dma_start3A_44 = tpu.memref_slice %arg2[%dma_start3A_42, %dma_start3A_43] : memref<10000x64xf32, #tpu.memory_space<hbm>> -> memref<10000x64xf32, #tpu.memory_space<hbm>>
    %dma_start3A_45 = tpu.memref_slice %arg11[%dma_start3A_34] : memref<10x!tpu.dma_semaphore, #tpu.memory_space<semaphore_mem>> -> memref<1x!tpu.dma_semaphore, #tpu.memory_space<semaphore_mem>>
    %dma_start3A_46 = tpu.memref_squeeze %dma_start3A_45 : memref<1x!tpu.dma_semaphore, #tpu.memory_space<semaphore_mem>> -> memref<!tpu.dma_semaphore, #tpu.memory_space<semaphore_mem>>
    tpu.enqueue_indirect_dma source(%dma_start3A_44 : memref<10000x64xf32, #tpu.memory_space<hbm>>) target(%dma_start3A_38 : memref<80x64xf32, #tpu.memory_space<vmem>>) offsets(%dma_start3A_41 : memref<80xi32, #tpu.memory_space<vmem>>) semaphore(%dma_start3A_46 : memref<!tpu.dma_semaphore, #tpu.memory_space<semaphore_mem>>)
    %dma_start3A_47 = arith.constant 3 : i32
    %dma_start3A_48 = arith.constant 3 : i32
    %dma_start3A_49 = arith.constant 3 : i32
    %dma_start3A_50 = arith.constant 0 : i32
    %dma_start3A_51 = arith.constant 0 : i32
    %dma_start3A_52 = tpu.memref_slice %arg9[%dma_start3A_48, %dma_start3A_50, %dma_start3A_51] : memref<10x80x64xf32, #tpu.memory_space<vmem>> -> memref<1x80x64xf32, #tpu.memory_space<vmem>>
    %dma_start3A_53 = tpu.memref_squeeze %dma_start3A_52 : memref<1x80x64xf32, #tpu.memory_space<vmem>> -> memref<80x64xf32, #tpu.memory_space<vmem>>
    %dma_start3A_54 = arith.constant 0 : i32
    %dma_start3A_55 = tpu.memref_slice %arg7[%dma_start3A_47, %dma_start3A_54] : memref<125x80xi32, #tpu.memory_space<vmem>> -> memref<1x80xi32, #tpu.memory_space<vmem>>
    %dma_start3A_56 = tpu.memref_squeeze %dma_start3A_55 : memref<1x80xi32, #tpu.memory_space<vmem>> -> memref<80xi32, #tpu.memory_space<vmem>>
    %dma_start3A_57 = arith.constant 0 : i32
    %dma_start3A_58 = arith.constant 0 : i32
    %dma_start3A_59 = tpu.memref_slice %arg2[%dma_start3A_57, %dma_start3A_58] : memref<10000x64xf32, #tpu.memory_space<hbm>> -> memref<10000x64xf32, #tpu.memory_space<hbm>>
    %dma_start3A_60 = tpu.memref_slice %arg11[%dma_start3A_49] : memref<10x!tpu.dma_semaphore, #tpu.memory_space<semaphore_mem>> -> memref<1x!tpu.dma_semaphore, #tpu.memory_space<semaphore_mem>>
    %dma_start3A_61 = tpu.memref_squeeze %dma_start3A_60 : memref<1x!tpu.dma_semaphore, #tpu.memory_space<semaphore_mem>> -> memref<!tpu.dma_semaphore, #tpu.memory_space<semaphore_mem>>
    tpu.enqueue_indirect_dma source(%dma_start3A_59 : memref<10000x64xf32, #tpu.memory_space<hbm>>) target(%dma_start3A_53 : memref<80x64xf32, #tpu.memory_space<vmem>>) offsets(%dma_start3A_56 : memref<80xi32, #tpu.memory_space<vmem>>) semaphore(%dma_start3A_61 : memref<!tpu.dma_semaphore, #tpu.memory_space<semaphore_mem>>)
    %dma_start3A_62 = arith.constant 4 : i32
    %dma_start3A_63 = arith.constant 4 : i32
    %dma_start3A_64 = arith.constant 4 : i32
    %dma_start3A_65 = arith.constant 0 : i32
    %dma_start3A_66 = arith.constant 0 : i32
    %dma_start3A_67 = tpu.memref_slice %arg9[%dma_start3A_63, %dma_start3A_65, %dma_start3A_66] : memref<10x80x64xf32, #tpu.memory_space<vmem>> -> memref<1x80x64xf32, #tpu.memory_space<vmem>>
    %dma_start3A_68 = tpu.memref_squeeze %dma_start3A_67 : memref<1x80x64xf32, #tpu.memory_space<vmem>> -> memref<80x64xf32, #tpu.memory_space<vmem>>
    %dma_start3A_69 = arith.constant 0 : i32
    %dma_start3A_70 = tpu.memref_slice %arg7[%dma_start3A_62, %dma_start3A_69] : memref<125x80xi32, #tpu.memory_space<vmem>> -> memref<1x80xi32, #tpu.memory_space<vmem>>
    %dma_start3A_71 = tpu.memref_squeeze %dma_start3A_70 : memref<1x80xi32, #tpu.memory_space<vmem>> -> memref<80xi32, #tpu.memory_space<vmem>>
    %dma_start3A_72 = arith.constant 0 : i32
    %dma_start3A_73 = arith.constant 0 : i32
    %dma_start3A_74 = tpu.memref_slice %arg2[%dma_start3A_72, %dma_start3A_73] : memref<10000x64xf32, #tpu.memory_space<hbm>> -> memref<10000x64xf32, #tpu.memory_space<hbm>>
    %dma_start3A_75 = tpu.memref_slice %arg11[%dma_start3A_64] : memref<10x!tpu.dma_semaphore, #tpu.memory_space<semaphore_mem>> -> memref<1x!tpu.dma_semaphore, #tpu.memory_space<semaphore_mem>>
    %dma_start3A_76 = tpu.memref_squeeze %dma_start3A_75 : memref<1x!tpu.dma_semaphore, #tpu.memory_space<semaphore_mem>> -> memref<!tpu.dma_semaphore, #tpu.memory_space<semaphore_mem>>
    tpu.enqueue_indirect_dma source(%dma_start3A_74 : memref<10000x64xf32, #tpu.memory_space<hbm>>) target(%dma_start3A_68 : memref<80x64xf32, #tpu.memory_space<vmem>>) offsets(%dma_start3A_71 : memref<80xi32, #tpu.memory_space<vmem>>) semaphore(%dma_start3A_76 : memref<!tpu.dma_semaphore, #tpu.memory_space<semaphore_mem>>)
    %scan3A = arith.constant 0 : i32
    %scan3A_77 = arith.constant 0 : i32
    %scan3A_78 = arith.constant 13 : i32
    %scan3A_79 = arith.addi %scan3A_77, %scan3A_78 : i32
    %scan3A_80 = arith.constant 1 : i32
    scf.for %scan3A_236 = %scan3A_77 to %scan3A_79 step %scan3A_80  : i32 {
      %mul3A_237 = arith.constant 2 : i32
      %mul3A_238 = arith.muli %mul3A_237, %scan3A_236 : i32
      %add3A_239 = arith.constant 0 : i32
      %add3A_240 = arith.addi %mul3A_238, %add3A_239 : i32
      %lt3A = arith.constant 25 : i32
      %lt3A_241 = arith.cmpi slt, %add3A_240, %lt3A : i32
      %convert_element_type3A = arith.extui %lt3A_241 : i1 to i32
      %cond3A = arith.constant 0 : i32
      %cond3A_242 = arith.cmpi ne, %convert_element_type3A, %cond3A : i32
      scf.if %cond3A_242 {
        %dma_wait3A_252 = arith.constant 0 : i32
        %dma_wait3A_253 = arith.constant 0 : i32
        %dma_wait3A_254 = arith.constant 0 : i32
        %dma_wait3A_255 = arith.constant 0 : i32
        %dma_wait3A_256 = arith.constant 0 : i32
        %dma_wait3A_257 = tpu.memref_slice %arg9[%dma_wait3A_253, %dma_wait3A_255, %dma_wait3A_256] : memref<10x80x64xf32, #tpu.memory_space<vmem>> -> memref<1x80x64xf32, #tpu.memory_space<vmem>>
        %dma_wait3A_258 = tpu.memref_squeeze %dma_wait3A_257 : memref<1x80x64xf32, #tpu.memory_space<vmem>> -> memref<80x64xf32, #tpu.memory_space<vmem>>
        %dma_wait3A_259 = arith.constant 0 : i32
        %dma_wait3A_260 = tpu.memref_slice %arg7[%dma_wait3A_252, %dma_wait3A_259] : memref<125x80xi32, #tpu.memory_space<vmem>> -> memref<1x80xi32, #tpu.memory_space<vmem>>
        %dma_wait3A_261 = tpu.memref_squeeze %dma_wait3A_260 : memref<1x80xi32, #tpu.memory_space<vmem>> -> memref<80xi32, #tpu.memory_space<vmem>>
        %dma_wait3A_262 = arith.constant 0 : i32
        %dma_wait3A_263 = arith.constant 0 : i32
        %dma_wait3A_264 = tpu.memref_slice %arg2[%dma_wait3A_262, %dma_wait3A_263] : memref<10000x64xf32, #tpu.memory_space<hbm>> -> memref<10000x64xf32, #tpu.memory_space<hbm>>
        %dma_wait3A_265 = tpu.memref_slice %arg11[%dma_wait3A_254] : memref<10x!tpu.dma_semaphore, #tpu.memory_space<semaphore_mem>> -> memref<1x!tpu.dma_semaphore, #tpu.memory_space<semaphore_mem>>
        %dma_wait3A_266 = tpu.memref_squeeze %dma_wait3A_265 : memref<1x!tpu.dma_semaphore, #tpu.memory_space<semaphore_mem>> -> memref<!tpu.dma_semaphore, #tpu.memory_space<semaphore_mem>>
        tpu.wait_indirect_dma semaphore(%dma_wait3A_266 : memref<!tpu.dma_semaphore, #tpu.memory_space<semaphore_mem>>) src(%dma_wait3A_264 : memref<10000x64xf32, #tpu.memory_space<hbm>>) dst(%dma_wait3A_258 : memref<80x64xf32, #tpu.memory_space<vmem>>)
        %mul3A_267 = arith.constant 5 : i32
        %mul3A_268 = arith.muli %add3A_240, %mul3A_267 : i32
        %add3A_269 = arith.constant 0 : i32
        %add3A_270 = arith.addi %mul3A_268, %add3A_269 : i32
        %dma_start3A_271 = arith.constant 0 : i32
        %dma_start3A_272 = arith.constant 0 : i32
        %dma_start3A_273 = arith.constant 0 : i32
        %dma_start3A_274 = arith.constant 0 : i32
        %dma_start3A_275 = tpu.memref_slice %arg9[%dma_start3A_271, %dma_start3A_273, %dma_start3A_274] : memref<10x80x64xf32, #tpu.memory_space<vmem>> -> memref<1x80x64xf32, #tpu.memory_space<vmem>>
        %dma_start3A_276 = tpu.memref_squeeze %dma_start3A_275 : memref<1x80x64xf32, #tpu.memory_space<vmem>> -> memref<80x64xf32, #tpu.memory_space<vmem>>
        %dma_start3A_277 = arith.constant 0 : i32
        %dma_start3A_278 = tpu.memref_slice %arg8[%add3A_270, %dma_start3A_277] : memref<125x80xi32, #tpu.memory_space<vmem>> -> memref<1x80xi32, #tpu.memory_space<vmem>>
        %dma_start3A_279 = tpu.memref_squeeze %dma_start3A_278 : memref<1x80xi32, #tpu.memory_space<vmem>> -> memref<80xi32, #tpu.memory_space<vmem>>
        %dma_start3A_280 = arith.constant 0 : i32
        %dma_start3A_281 = arith.constant 0 : i32
        %dma_start3A_282 = tpu.memref_slice %arg10[%dma_start3A_280, %dma_start3A_281] : memref<10000x64xf32, #tpu.memory_space<vmem_shared>> -> memref<10000x64xf32, #tpu.memory_space<vmem_shared>>
        %dma_start3A_283 = tpu.memref_slice %arg12[%dma_start3A_272] : memref<10x!tpu.dma_semaphore, #tpu.memory_space<semaphore_mem>> -> memref<1x!tpu.dma_semaphore, #tpu.memory_space<semaphore_mem>>
        %dma_start3A_284 = tpu.memref_squeeze %dma_start3A_283 : memref<1x!tpu.dma_semaphore, #tpu.memory_space<semaphore_mem>> -> memref<!tpu.dma_semaphore, #tpu.memory_space<semaphore_mem>>
        tpu.enqueue_indirect_dma source(%dma_start3A_276 : memref<80x64xf32, #tpu.memory_space<vmem>>) target(%dma_start3A_282 : memref<10000x64xf32, #tpu.memory_space<vmem_shared>>) offsets(%dma_start3A_279 : memref<80xi32, #tpu.memory_space<vmem>>) semaphore(%dma_start3A_284 : memref<!tpu.dma_semaphore, #tpu.memory_space<semaphore_mem>>) {add = true}
        %dma_wait3A_285 = arith.constant 0 : i32
        %dma_wait3A_286 = arith.constant 1 : i32
        %dma_wait3A_287 = arith.constant 1 : i32
        %dma_wait3A_288 = arith.constant 0 : i32
        %dma_wait3A_289 = arith.constant 0 : i32
        %dma_wait3A_290 = tpu.memref_slice %arg9[%dma_wait3A_286, %dma_wait3A_288, %dma_wait3A_289] : memref<10x80x64xf32, #tpu.memory_space<vmem>> -> memref<1x80x64xf32, #tpu.memory_space<vmem>>
        %dma_wait3A_291 = tpu.memref_squeeze %dma_wait3A_290 : memref<1x80x64xf32, #tpu.memory_space<vmem>> -> memref<80x64xf32, #tpu.memory_space<vmem>>
        %dma_wait3A_292 = arith.constant 0 : i32
        %dma_wait3A_293 = tpu.memref_slice %arg7[%dma_wait3A_285, %dma_wait3A_292] : memref<125x80xi32, #tpu.memory_space<vmem>> -> memref<1x80xi32, #tpu.memory_space<vmem>>
        %dma_wait3A_294 = tpu.memref_squeeze %dma_wait3A_293 : memref<1x80xi32, #tpu.memory_space<vmem>> -> memref<80xi32, #tpu.memory_space<vmem>>
        %dma_wait3A_295 = arith.constant 0 : i32
        %dma_wait3A_296 = arith.constant 0 : i32
        %dma_wait3A_297 = tpu.memref_slice %arg2[%dma_wait3A_295, %dma_wait3A_296] : memref<10000x64xf32, #tpu.memory_space<hbm>> -> memref<10000x64xf32, #tpu.memory_space<hbm>>
        %dma_wait3A_298 = tpu.memref_slice %arg11[%dma_wait3A_287] : memref<10x!tpu.dma_semaphore, #tpu.memory_space<semaphore_mem>> -> memref<1x!tpu.dma_semaphore, #tpu.memory_space<semaphore_mem>>
        %dma_wait3A_299 = tpu.memref_squeeze %dma_wait3A_298 : memref<1x!tpu.dma_semaphore, #tpu.memory_space<semaphore_mem>> -> memref<!tpu.dma_semaphore, #tpu.memory_space<semaphore_mem>>
        tpu.wait_indirect_dma semaphore(%dma_wait3A_299 : memref<!tpu.dma_semaphore, #tpu.memory_space<semaphore_mem>>) src(%dma_wait3A_297 : memref<10000x64xf32, #tpu.memory_space<hbm>>) dst(%dma_wait3A_291 : memref<80x64xf32, #tpu.memory_space<vmem>>)
        %mul3A_300 = arith.constant 5 : i32
        %mul3A_301 = arith.muli %add3A_240, %mul3A_300 : i32
        %add3A_302 = arith.constant 1 : i32
        %add3A_303 = arith.addi %mul3A_301, %add3A_302 : i32
        %dma_start3A_304 = arith.constant 1 : i32
        %dma_start3A_305 = arith.constant 1 : i32
        %dma_start3A_306 = arith.constant 0 : i32
        %dma_start3A_307 = arith.constant 0 : i32
        %dma_start3A_308 = tpu.memref_slice %arg9[%dma_start3A_304, %dma_start3A_306, %dma_start3A_307] : memref<10x80x64xf32, #tpu.memory_space<vmem>> -> memref<1x80x64xf32, #tpu.memory_space<vmem>>
        %dma_start3A_309 = tpu.memref_squeeze %dma_start3A_308 : memref<1x80x64xf32, #tpu.memory_space<vmem>> -> memref<80x64xf32, #tpu.memory_space<vmem>>
        %dma_start3A_310 = arith.constant 0 : i32
        %dma_start3A_311 = tpu.memref_slice %arg8[%add3A_303, %dma_start3A_310] : memref<125x80xi32, #tpu.memory_space<vmem>> -> memref<1x80xi32, #tpu.memory_space<vmem>>
        %dma_start3A_312 = tpu.memref_squeeze %dma_start3A_311 : memref<1x80xi32, #tpu.memory_space<vmem>> -> memref<80xi32, #tpu.memory_space<vmem>>
        %dma_start3A_313 = arith.constant 0 : i32
        %dma_start3A_314 = arith.constant 0 : i32
        %dma_start3A_315 = tpu.memref_slice %arg10[%dma_start3A_313, %dma_start3A_314] : memref<10000x64xf32, #tpu.memory_space<vmem_shared>> -> memref<10000x64xf32, #tpu.memory_space<vmem_shared>>
        %dma_start3A_316 = tpu.memref_slice %arg12[%dma_start3A_305] : memref<10x!tpu.dma_semaphore, #tpu.memory_space<semaphore_mem>> -> memref<1x!tpu.dma_semaphore, #tpu.memory_space<semaphore_mem>>
        %dma_start3A_317 = tpu.memref_squeeze %dma_start3A_316 : memref<1x!tpu.dma_semaphore, #tpu.memory_space<semaphore_mem>> -> memref<!tpu.dma_semaphore, #tpu.memory_space<semaphore_mem>>
        tpu.enqueue_indirect_dma source(%dma_start3A_309 : memref<80x64xf32, #tpu.memory_space<vmem>>) target(%dma_start3A_315 : memref<10000x64xf32, #tpu.memory_space<vmem_shared>>) offsets(%dma_start3A_312 : memref<80xi32, #tpu.memory_space<vmem>>) semaphore(%dma_start3A_317 : memref<!tpu.dma_semaphore, #tpu.memory_space<semaphore_mem>>) {add = true}
        %dma_wait3A_318 = arith.constant 0 : i32
        %dma_wait3A_319 = arith.constant 2 : i32
        %dma_wait3A_320 = arith.constant 2 : i32
        %dma_wait3A_321 = arith.constant 0 : i32
        %dma_wait3A_322 = arith.constant 0 : i32
        %dma_wait3A_323 = tpu.memref_slice %arg9[%dma_wait3A_319, %dma_wait3A_321, %dma_wait3A_322] : memref<10x80x64xf32, #tpu.memory_space<vmem>> -> memref<1x80x64xf32, #tpu.memory_space<vmem>>
        %dma_wait3A_324 = tpu.memref_squeeze %dma_wait3A_323 : memref<1x80x64xf32, #tpu.memory_space<vmem>> -> memref<80x64xf32, #tpu.memory_space<vmem>>
        %dma_wait3A_325 = arith.constant 0 : i32
        %dma_wait3A_326 = tpu.memref_slice %arg7[%dma_wait3A_318, %dma_wait3A_325] : memref<125x80xi32, #tpu.memory_space<vmem>> -> memref<1x80xi32, #tpu.memory_space<vmem>>
        %dma_wait3A_327 = tpu.memref_squeeze %dma_wait3A_326 : memref<1x80xi32, #tpu.memory_space<vmem>> -> memref<80xi32, #tpu.memory_space<vmem>>
        %dma_wait3A_328 = arith.constant 0 : i32
        %dma_wait3A_329 = arith.constant 0 : i32
        %dma_wait3A_330 = tpu.memref_slice %arg2[%dma_wait3A_328, %dma_wait3A_329] : memref<10000x64xf32, #tpu.memory_space<hbm>> -> memref<10000x64xf32, #tpu.memory_space<hbm>>
        %dma_wait3A_331 = tpu.memref_slice %arg11[%dma_wait3A_320] : memref<10x!tpu.dma_semaphore, #tpu.memory_space<semaphore_mem>> -> memref<1x!tpu.dma_semaphore, #tpu.memory_space<semaphore_mem>>
        %dma_wait3A_332 = tpu.memref_squeeze %dma_wait3A_331 : memref<1x!tpu.dma_semaphore, #tpu.memory_space<semaphore_mem>> -> memref<!tpu.dma_semaphore, #tpu.memory_space<semaphore_mem>>
        tpu.wait_indirect_dma semaphore(%dma_wait3A_332 : memref<!tpu.dma_semaphore, #tpu.memory_space<semaphore_mem>>) src(%dma_wait3A_330 : memref<10000x64xf32, #tpu.memory_space<hbm>>) dst(%dma_wait3A_324 : memref<80x64xf32, #tpu.memory_space<vmem>>)
        %mul3A_333 = arith.constant 5 : i32
        %mul3A_334 = arith.muli %add3A_240, %mul3A_333 : i32
        %add3A_335 = arith.constant 2 : i32
        %add3A_336 = arith.addi %mul3A_334, %add3A_335 : i32
        %dma_start3A_337 = arith.constant 2 : i32
        %dma_start3A_338 = arith.constant 2 : i32
        %dma_start3A_339 = arith.constant 0 : i32
        %dma_start3A_340 = arith.constant 0 : i32
        %dma_start3A_341 = tpu.memref_slice %arg9[%dma_start3A_337, %dma_start3A_339, %dma_start3A_340] : memref<10x80x64xf32, #tpu.memory_space<vmem>> -> memref<1x80x64xf32, #tpu.memory_space<vmem>>
        %dma_start3A_342 = tpu.memref_squeeze %dma_start3A_341 : memref<1x80x64xf32, #tpu.memory_space<vmem>> -> memref<80x64xf32, #tpu.memory_space<vmem>>
        %dma_start3A_343 = arith.constant 0 : i32
        %dma_start3A_344 = tpu.memref_slice %arg8[%add3A_336, %dma_start3A_343] : memref<125x80xi32, #tpu.memory_space<vmem>> -> memref<1x80xi32, #tpu.memory_space<vmem>>
        %dma_start3A_345 = tpu.memref_squeeze %dma_start3A_344 : memref<1x80xi32, #tpu.memory_space<vmem>> -> memref<80xi32, #tpu.memory_space<vmem>>
        %dma_start3A_346 = arith.constant 0 : i32
        %dma_start3A_347 = arith.constant 0 : i32
        %dma_start3A_348 = tpu.memref_slice %arg10[%dma_start3A_346, %dma_start3A_347] : memref<10000x64xf32, #tpu.memory_space<vmem_shared>> -> memref<10000x64xf32, #tpu.memory_space<vmem_shared>>
        %dma_start3A_349 = tpu.memref_slice %arg12[%dma_start3A_338] : memref<10x!tpu.dma_semaphore, #tpu.memory_space<semaphore_mem>> -> memref<1x!tpu.dma_semaphore, #tpu.memory_space<semaphore_mem>>
        %dma_start3A_350 = tpu.memref_squeeze %dma_start3A_349 : memref<1x!tpu.dma_semaphore, #tpu.memory_space<semaphore_mem>> -> memref<!tpu.dma_semaphore, #tpu.memory_space<semaphore_mem>>
        tpu.enqueue_indirect_dma source(%dma_start3A_342 : memref<80x64xf32, #tpu.memory_space<vmem>>) target(%dma_start3A_348 : memref<10000x64xf32, #tpu.memory_space<vmem_shared>>) offsets(%dma_start3A_345 : memref<80xi32, #tpu.memory_space<vmem>>) semaphore(%dma_start3A_350 : memref<!tpu.dma_semaphore, #tpu.memory_space<semaphore_mem>>) {add = true}
        %dma_wait3A_351 = arith.constant 0 : i32
        %dma_wait3A_352 = arith.constant 3 : i32
        %dma_wait3A_353 = arith.constant 3 : i32
        %dma_wait3A_354 = arith.constant 0 : i32
        %dma_wait3A_355 = arith.constant 0 : i32
        %dma_wait3A_356 = tpu.memref_slice %arg9[%dma_wait3A_352, %dma_wait3A_354, %dma_wait3A_355] : memref<10x80x64xf32, #tpu.memory_space<vmem>> -> memref<1x80x64xf32, #tpu.memory_space<vmem>>
        %dma_wait3A_357 = tpu.memref_squeeze %dma_wait3A_356 : memref<1x80x64xf32, #tpu.memory_space<vmem>> -> memref<80x64xf32, #tpu.memory_space<vmem>>
        %dma_wait3A_358 = arith.constant 0 : i32
        %dma_wait3A_359 = tpu.memref_slice %arg7[%dma_wait3A_351, %dma_wait3A_358] : memref<125x80xi32, #tpu.memory_space<vmem>> -> memref<1x80xi32, #tpu.memory_space<vmem>>
        %dma_wait3A_360 = tpu.memref_squeeze %dma_wait3A_359 : memref<1x80xi32, #tpu.memory_space<vmem>> -> memref<80xi32, #tpu.memory_space<vmem>>
        %dma_wait3A_361 = arith.constant 0 : i32
        %dma_wait3A_362 = arith.constant 0 : i32
        %dma_wait3A_363 = tpu.memref_slice %arg2[%dma_wait3A_361, %dma_wait3A_362] : memref<10000x64xf32, #tpu.memory_space<hbm>> -> memref<10000x64xf32, #tpu.memory_space<hbm>>
        %dma_wait3A_364 = tpu.memref_slice %arg11[%dma_wait3A_353] : memref<10x!tpu.dma_semaphore, #tpu.memory_space<semaphore_mem>> -> memref<1x!tpu.dma_semaphore, #tpu.memory_space<semaphore_mem>>
        %dma_wait3A_365 = tpu.memref_squeeze %dma_wait3A_364 : memref<1x!tpu.dma_semaphore, #tpu.memory_space<semaphore_mem>> -> memref<!tpu.dma_semaphore, #tpu.memory_space<semaphore_mem>>
        tpu.wait_indirect_dma semaphore(%dma_wait3A_365 : memref<!tpu.dma_semaphore, #tpu.memory_space<semaphore_mem>>) src(%dma_wait3A_363 : memref<10000x64xf32, #tpu.memory_space<hbm>>) dst(%dma_wait3A_357 : memref<80x64xf32, #tpu.memory_space<vmem>>)
        %mul3A_366 = arith.constant 5 : i32
        %mul3A_367 = arith.muli %add3A_240, %mul3A_366 : i32
        %add3A_368 = arith.constant 3 : i32
        %add3A_369 = arith.addi %mul3A_367, %add3A_368 : i32
        %dma_start3A_370 = arith.constant 3 : i32
        %dma_start3A_371 = arith.constant 3 : i32
        %dma_start3A_372 = arith.constant 0 : i32
        %dma_start3A_373 = arith.constant 0 : i32
        %dma_start3A_374 = tpu.memref_slice %arg9[%dma_start3A_370, %dma_start3A_372, %dma_start3A_373] : memref<10x80x64xf32, #tpu.memory_space<vmem>> -> memref<1x80x64xf32, #tpu.memory_space<vmem>>
        %dma_start3A_375 = tpu.memref_squeeze %dma_start3A_374 : memref<1x80x64xf32, #tpu.memory_space<vmem>> -> memref<80x64xf32, #tpu.memory_space<vmem>>
        %dma_start3A_376 = arith.constant 0 : i32
        %dma_start3A_377 = tpu.memref_slice %arg8[%add3A_369, %dma_start3A_376] : memref<125x80xi32, #tpu.memory_space<vmem>> -> memref<1x80xi32, #tpu.memory_space<vmem>>
        %dma_start3A_378 = tpu.memref_squeeze %dma_start3A_377 : memref<1x80xi32, #tpu.memory_space<vmem>> -> memref<80xi32, #tpu.memory_space<vmem>>
        %dma_start3A_379 = arith.constant 0 : i32
        %dma_start3A_380 = arith.constant 0 : i32
        %dma_start3A_381 = tpu.memref_slice %arg10[%dma_start3A_379, %dma_start3A_380] : memref<10000x64xf32, #tpu.memory_space<vmem_shared>> -> memref<10000x64xf32, #tpu.memory_space<vmem_shared>>
        %dma_start3A_382 = tpu.memref_slice %arg12[%dma_start3A_371] : memref<10x!tpu.dma_semaphore, #tpu.memory_space<semaphore_mem>> -> memref<1x!tpu.dma_semaphore, #tpu.memory_space<semaphore_mem>>
        %dma_start3A_383 = tpu.memref_squeeze %dma_start3A_382 : memref<1x!tpu.dma_semaphore, #tpu.memory_space<semaphore_mem>> -> memref<!tpu.dma_semaphore, #tpu.memory_space<semaphore_mem>>
        tpu.enqueue_indirect_dma source(%dma_start3A_375 : memref<80x64xf32, #tpu.memory_space<vmem>>) target(%dma_start3A_381 : memref<10000x64xf32, #tpu.memory_space<vmem_shared>>) offsets(%dma_start3A_378 : memref<80xi32, #tpu.memory_space<vmem>>) semaphore(%dma_start3A_383 : memref<!tpu.dma_semaphore, #tpu.memory_space<semaphore_mem>>) {add = true}
        %dma_wait3A_384 = arith.constant 0 : i32
        %dma_wait3A_385 = arith.constant 4 : i32
        %dma_wait3A_386 = arith.constant 4 : i32
        %dma_wait3A_387 = arith.constant 0 : i32
        %dma_wait3A_388 = arith.constant 0 : i32
        %dma_wait3A_389 = tpu.memref_slice %arg9[%dma_wait3A_385, %dma_wait3A_387, %dma_wait3A_388] : memref<10x80x64xf32, #tpu.memory_space<vmem>> -> memref<1x80x64xf32, #tpu.memory_space<vmem>>
        %dma_wait3A_390 = tpu.memref_squeeze %dma_wait3A_389 : memref<1x80x64xf32, #tpu.memory_space<vmem>> -> memref<80x64xf32, #tpu.memory_space<vmem>>
        %dma_wait3A_391 = arith.constant 0 : i32
        %dma_wait3A_392 = tpu.memref_slice %arg7[%dma_wait3A_384, %dma_wait3A_391] : memref<125x80xi32, #tpu.memory_space<vmem>> -> memref<1x80xi32, #tpu.memory_space<vmem>>
        %dma_wait3A_393 = tpu.memref_squeeze %dma_wait3A_392 : memref<1x80xi32, #tpu.memory_space<vmem>> -> memref<80xi32, #tpu.memory_space<vmem>>
        %dma_wait3A_394 = arith.constant 0 : i32
        %dma_wait3A_395 = arith.constant 0 : i32
        %dma_wait3A_396 = tpu.memref_slice %arg2[%dma_wait3A_394, %dma_wait3A_395] : memref<10000x64xf32, #tpu.memory_space<hbm>> -> memref<10000x64xf32, #tpu.memory_space<hbm>>
        %dma_wait3A_397 = tpu.memref_slice %arg11[%dma_wait3A_386] : memref<10x!tpu.dma_semaphore, #tpu.memory_space<semaphore_mem>> -> memref<1x!tpu.dma_semaphore, #tpu.memory_space<semaphore_mem>>
        %dma_wait3A_398 = tpu.memref_squeeze %dma_wait3A_397 : memref<1x!tpu.dma_semaphore, #tpu.memory_space<semaphore_mem>> -> memref<!tpu.dma_semaphore, #tpu.memory_space<semaphore_mem>>
        tpu.wait_indirect_dma semaphore(%dma_wait3A_398 : memref<!tpu.dma_semaphore, #tpu.memory_space<semaphore_mem>>) src(%dma_wait3A_396 : memref<10000x64xf32, #tpu.memory_space<hbm>>) dst(%dma_wait3A_390 : memref<80x64xf32, #tpu.memory_space<vmem>>)
        %mul3A_399 = arith.constant 5 : i32
        %mul3A_400 = arith.muli %add3A_240, %mul3A_399 : i32
        %add3A_401 = arith.constant 4 : i32
        %add3A_402 = arith.addi %mul3A_400, %add3A_401 : i32
        %dma_start3A_403 = arith.constant 4 : i32
        %dma_start3A_404 = arith.constant 4 : i32
        %dma_start3A_405 = arith.constant 0 : i32
        %dma_start3A_406 = arith.constant 0 : i32
        %dma_start3A_407 = tpu.memref_slice %arg9[%dma_start3A_403, %dma_start3A_405, %dma_start3A_406] : memref<10x80x64xf32, #tpu.memory_space<vmem>> -> memref<1x80x64xf32, #tpu.memory_space<vmem>>
        %dma_start3A_408 = tpu.memref_squeeze %dma_start3A_407 : memref<1x80x64xf32, #tpu.memory_space<vmem>> -> memref<80x64xf32, #tpu.memory_space<vmem>>
        %dma_start3A_409 = arith.constant 0 : i32
        %dma_start3A_410 = tpu.memref_slice %arg8[%add3A_402, %dma_start3A_409] : memref<125x80xi32, #tpu.memory_space<vmem>> -> memref<1x80xi32, #tpu.memory_space<vmem>>
        %dma_start3A_411 = tpu.memref_squeeze %dma_start3A_410 : memref<1x80xi32, #tpu.memory_space<vmem>> -> memref<80xi32, #tpu.memory_space<vmem>>
        %dma_start3A_412 = arith.constant 0 : i32
        %dma_start3A_413 = arith.constant 0 : i32
        %dma_start3A_414 = tpu.memref_slice %arg10[%dma_start3A_412, %dma_start3A_413] : memref<10000x64xf32, #tpu.memory_space<vmem_shared>> -> memref<10000x64xf32, #tpu.memory_space<vmem_shared>>
        %dma_start3A_415 = tpu.memref_slice %arg12[%dma_start3A_404] : memref<10x!tpu.dma_semaphore, #tpu.memory_space<semaphore_mem>> -> memref<1x!tpu.dma_semaphore, #tpu.memory_space<semaphore_mem>>
        %dma_start3A_416 = tpu.memref_squeeze %dma_start3A_415 : memref<1x!tpu.dma_semaphore, #tpu.memory_space<semaphore_mem>> -> memref<!tpu.dma_semaphore, #tpu.memory_space<semaphore_mem>>
        tpu.enqueue_indirect_dma source(%dma_start3A_408 : memref<80x64xf32, #tpu.memory_space<vmem>>) target(%dma_start3A_414 : memref<10000x64xf32, #tpu.memory_space<vmem_shared>>) offsets(%dma_start3A_411 : memref<80xi32, #tpu.memory_space<vmem>>) semaphore(%dma_start3A_416 : memref<!tpu.dma_semaphore, #tpu.memory_space<semaphore_mem>>) {add = true}
        %add3A_417 = arith.constant 1 : i32
        %add3A_418 = arith.addi %add3A_240, %add3A_417 : i32
        %lt3A_419 = arith.constant 25 : i32
        %lt3A_420 = arith.cmpi slt, %add3A_418, %lt3A_419 : i32
        %convert_element_type3A_421 = arith.extui %lt3A_420 : i1 to i32
        %cond3A_422 = arith.constant 0 : i32
        %cond3A_423 = arith.cmpi ne, %convert_element_type3A_421, %cond3A_422 : i32
        scf.if %cond3A_423 {
          %ge3A = arith.constant 1 : i32
          %ge3A_424 = arith.cmpi sge, %add3A_240, %ge3A : i32
          %convert_element_type3A_425 = arith.extui %ge3A_424 : i1 to i32
          %cond3A_426 = arith.constant 0 : i32
          %cond3A_427 = arith.cmpi ne, %convert_element_type3A_425, %cond3A_426 : i32
          scf.if %cond3A_427 {
            %dma_wait3A_548 = arith.constant 5 : i32
            %dma_wait3A_549 = arith.constant 0 : i32
            %dma_wait3A_550 = arith.constant 5 : i32
            %dma_wait3A_551 = arith.constant 0 : i32
            %dma_wait3A_552 = arith.constant 0 : i32
            %dma_wait3A_553 = tpu.memref_slice %arg9[%dma_wait3A_548, %dma_wait3A_551, %dma_wait3A_552] : memref<10x80x64xf32, #tpu.memory_space<vmem>> -> memref<1x80x64xf32, #tpu.memory_space<vmem>>
            %dma_wait3A_554 = tpu.memref_squeeze %dma_wait3A_553 : memref<1x80x64xf32, #tpu.memory_space<vmem>> -> memref<80x64xf32, #tpu.memory_space<vmem>>
            %dma_wait3A_555 = arith.constant 0 : i32
            %dma_wait3A_556 = tpu.memref_slice %arg8[%dma_wait3A_549, %dma_wait3A_555] : memref<125x80xi32, #tpu.memory_space<vmem>> -> memref<1x80xi32, #tpu.memory_space<vmem>>
            %dma_wait3A_557 = tpu.memref_squeeze %dma_wait3A_556 : memref<1x80xi32, #tpu.memory_space<vmem>> -> memref<80xi32, #tpu.memory_space<vmem>>
            %dma_wait3A_558 = arith.constant 0 : i32
            %dma_wait3A_559 = arith.constant 0 : i32
            %dma_wait3A_560 = tpu.memref_slice %arg10[%dma_wait3A_558, %dma_wait3A_559] : memref<10000x64xf32, #tpu.memory_space<vmem_shared>> -> memref<10000x64xf32, #tpu.memory_space<vmem_shared>>
            %dma_wait3A_561 = tpu.memref_slice %arg12[%dma_wait3A_550] : memref<10x!tpu.dma_semaphore, #tpu.memory_space<semaphore_mem>> -> memref<1x!tpu.dma_semaphore, #tpu.memory_space<semaphore_mem>>
            %dma_wait3A_562 = tpu.memref_squeeze %dma_wait3A_561 : memref<1x!tpu.dma_semaphore, #tpu.memory_space<semaphore_mem>> -> memref<!tpu.dma_semaphore, #tpu.memory_space<semaphore_mem>>
            tpu.wait_indirect_dma semaphore(%dma_wait3A_562 : memref<!tpu.dma_semaphore, #tpu.memory_space<semaphore_mem>>) src(%dma_wait3A_554 : memref<80x64xf32, #tpu.memory_space<vmem>>) dst(%dma_wait3A_560 : memref<10000x64xf32, #tpu.memory_space<vmem_shared>>)
          } else {
          }
          %add3A_428 = arith.constant 1 : i32
          %add3A_429 = arith.addi %add3A_240, %add3A_428 : i32
          %mul3A_430 = arith.constant 5 : i32
          %mul3A_431 = arith.muli %add3A_429, %mul3A_430 : i32
          %add3A_432 = arith.constant 0 : i32
          %add3A_433 = arith.addi %mul3A_431, %add3A_432 : i32
          %dma_start3A_434 = arith.constant 5 : i32
          %dma_start3A_435 = arith.constant 5 : i32
          %dma_start3A_436 = arith.constant 0 : i32
          %dma_start3A_437 = arith.constant 0 : i32
          %dma_start3A_438 = tpu.memref_slice %arg9[%dma_start3A_434, %dma_start3A_436, %dma_start3A_437] : memref<10x80x64xf32, #tpu.memory_space<vmem>> -> memref<1x80x64xf32, #tpu.memory_space<vmem>>
          %dma_start3A_439 = tpu.memref_squeeze %dma_start3A_438 : memref<1x80x64xf32, #tpu.memory_space<vmem>> -> memref<80x64xf32, #tpu.memory_space<vmem>>
          %dma_start3A_440 = arith.constant 0 : i32
          %dma_start3A_441 = tpu.memref_slice %arg7[%add3A_433, %dma_start3A_440] : memref<125x80xi32, #tpu.memory_space<vmem>> -> memref<1x80xi32, #tpu.memory_space<vmem>>
          %dma_start3A_442 = tpu.memref_squeeze %dma_start3A_441 : memref<1x80xi32, #tpu.memory_space<vmem>> -> memref<80xi32, #tpu.memory_space<vmem>>
          %dma_start3A_443 = arith.constant 0 : i32
          %dma_start3A_444 = arith.constant 0 : i32
          %dma_start3A_445 = tpu.memref_slice %arg2[%dma_start3A_443, %dma_start3A_444] : memref<10000x64xf32, #tpu.memory_space<hbm>> -> memref<10000x64xf32, #tpu.memory_space<hbm>>
          %dma_start3A_446 = tpu.memref_slice %arg11[%dma_start3A_435] : memref<10x!tpu.dma_semaphore, #tpu.memory_space<semaphore_mem>> -> memref<1x!tpu.dma_semaphore, #tpu.memory_space<semaphore_mem>>
          %dma_start3A_447 = tpu.memref_squeeze %dma_start3A_446 : memref<1x!tpu.dma_semaphore, #tpu.memory_space<semaphore_mem>> -> memref<!tpu.dma_semaphore, #tpu.memory_space<semaphore_mem>>
          tpu.enqueue_indirect_dma source(%dma_start3A_445 : memref<10000x64xf32, #tpu.memory_space<hbm>>) target(%dma_start3A_439 : memref<80x64xf32, #tpu.memory_space<vmem>>) offsets(%dma_start3A_442 : memref<80xi32, #tpu.memory_space<vmem>>) semaphore(%dma_start3A_447 : memref<!tpu.dma_semaphore, #tpu.memory_space<semaphore_mem>>)
          %ge3A_448 = arith.constant 1 : i32
          %ge3A_449 = arith.cmpi sge, %add3A_240, %ge3A_448 : i32
          %convert_element_type3A_450 = arith.extui %ge3A_449 : i1 to i32
          %cond3A_451 = arith.constant 0 : i32
          %cond3A_452 = arith.cmpi ne, %convert_element_type3A_450, %cond3A_451 : i32
          scf.if %cond3A_452 {
            %dma_wait3A_548 = arith.constant 6 : i32
            %dma_wait3A_549 = arith.constant 0 : i32
            %dma_wait3A_550 = arith.constant 6 : i32
            %dma_wait3A_551 = arith.constant 0 : i32
            %dma_wait3A_552 = arith.constant 0 : i32
            %dma_wait3A_553 = tpu.memref_slice %arg9[%dma_wait3A_548, %dma_wait3A_551, %dma_wait3A_552] : memref<10x80x64xf32, #tpu.memory_space<vmem>> -> memref<1x80x64xf32, #tpu.memory_space<vmem>>
            %dma_wait3A_554 = tpu.memref_squeeze %dma_wait3A_553 : memref<1x80x64xf32, #tpu.memory_space<vmem>> -> memref<80x64xf32, #tpu.memory_space<vmem>>
            %dma_wait3A_555 = arith.constant 0 : i32
            %dma_wait3A_556 = tpu.memref_slice %arg8[%dma_wait3A_549, %dma_wait3A_555] : memref<125x80xi32, #tpu.memory_space<vmem>> -> memref<1x80xi32, #tpu.memory_space<vmem>>
            %dma_wait3A_557 = tpu.memref_squeeze %dma_wait3A_556 : memref<1x80xi32, #tpu.memory_space<vmem>> -> memref<80xi32, #tpu.memory_space<vmem>>
            %dma_wait3A_558 = arith.constant 0 : i32
            %dma_wait3A_559 = arith.constant 0 : i32
            %dma_wait3A_560 = tpu.memref_slice %arg10[%dma_wait3A_558, %dma_wait3A_559] : memref<10000x64xf32, #tpu.memory_space<vmem_shared>> -> memref<10000x64xf32, #tpu.memory_space<vmem_shared>>
            %dma_wait3A_561 = tpu.memref_slice %arg12[%dma_wait3A_550] : memref<10x!tpu.dma_semaphore, #tpu.memory_space<semaphore_mem>> -> memref<1x!tpu.dma_semaphore, #tpu.memory_space<semaphore_mem>>
            %dma_wait3A_562 = tpu.memref_squeeze %dma_wait3A_561 : memref<1x!tpu.dma_semaphore, #tpu.memory_space<semaphore_mem>> -> memref<!tpu.dma_semaphore, #tpu.memory_space<semaphore_mem>>
            tpu.wait_indirect_dma semaphore(%dma_wait3A_562 : memref<!tpu.dma_semaphore, #tpu.memory_space<semaphore_mem>>) src(%dma_wait3A_554 : memref<80x64xf32, #tpu.memory_space<vmem>>) dst(%dma_wait3A_560 : memref<10000x64xf32, #tpu.memory_space<vmem_shared>>)
          } else {
          }
          %add3A_453 = arith.constant 1 : i32
          %add3A_454 = arith.addi %add3A_240, %add3A_453 : i32
          %mul3A_455 = arith.constant 5 : i32
          %mul3A_456 = arith.muli %add3A_454, %mul3A_455 : i32
          %add3A_457 = arith.constant 1 : i32
          %add3A_458 = arith.addi %mul3A_456, %add3A_457 : i32
          %dma_start3A_459 = arith.constant 6 : i32
          %dma_start3A_460 = arith.constant 6 : i32
          %dma_start3A_461 = arith.constant 0 : i32
          %dma_start3A_462 = arith.constant 0 : i32
          %dma_start3A_463 = tpu.memref_slice %arg9[%dma_start3A_459, %dma_start3A_461, %dma_start3A_462] : memref<10x80x64xf32, #tpu.memory_space<vmem>> -> memref<1x80x64xf32, #tpu.memory_space<vmem>>
          %dma_start3A_464 = tpu.memref_squeeze %dma_start3A_463 : memref<1x80x64xf32, #tpu.memory_space<vmem>> -> memref<80x64xf32, #tpu.memory_space<vmem>>
          %dma_start3A_465 = arith.constant 0 : i32
          %dma_start3A_466 = tpu.memref_slice %arg7[%add3A_458, %dma_start3A_465] : memref<125x80xi32, #tpu.memory_space<vmem>> -> memref<1x80xi32, #tpu.memory_space<vmem>>
          %dma_start3A_467 = tpu.memref_squeeze %dma_start3A_466 : memref<1x80xi32, #tpu.memory_space<vmem>> -> memref<80xi32, #tpu.memory_space<vmem>>
          %dma_start3A_468 = arith.constant 0 : i32
          %dma_start3A_469 = arith.constant 0 : i32
          %dma_start3A_470 = tpu.memref_slice %arg2[%dma_start3A_468, %dma_start3A_469] : memref<10000x64xf32, #tpu.memory_space<hbm>> -> memref<10000x64xf32, #tpu.memory_space<hbm>>
          %dma_start3A_471 = tpu.memref_slice %arg11[%dma_start3A_460] : memref<10x!tpu.dma_semaphore, #tpu.memory_space<semaphore_mem>> -> memref<1x!tpu.dma_semaphore, #tpu.memory_space<semaphore_mem>>
          %dma_start3A_472 = tpu.memref_squeeze %dma_start3A_471 : memref<1x!tpu.dma_semaphore, #tpu.memory_space<semaphore_mem>> -> memref<!tpu.dma_semaphore, #tpu.memory_space<semaphore_mem>>
          tpu.enqueue_indirect_dma source(%dma_start3A_470 : memref<10000x64xf32, #tpu.memory_space<hbm>>) target(%dma_start3A_464 : memref<80x64xf32, #tpu.memory_space<vmem>>) offsets(%dma_start3A_467 : memref<80xi32, #tpu.memory_space<vmem>>) semaphore(%dma_start3A_472 : memref<!tpu.dma_semaphore, #tpu.memory_space<semaphore_mem>>)
          %ge3A_473 = arith.constant 1 : i32
          %ge3A_474 = arith.cmpi sge, %add3A_240, %ge3A_473 : i32
          %convert_element_type3A_475 = arith.extui %ge3A_474 : i1 to i32
          %cond3A_476 = arith.constant 0 : i32
          %cond3A_477 = arith.cmpi ne, %convert_element_type3A_475, %cond3A_476 : i32
          scf.if %cond3A_477 {
            %dma_wait3A_548 = arith.constant 7 : i32
            %dma_wait3A_549 = arith.constant 0 : i32
            %dma_wait3A_550 = arith.constant 7 : i32
            %dma_wait3A_551 = arith.constant 0 : i32
            %dma_wait3A_552 = arith.constant 0 : i32
            %dma_wait3A_553 = tpu.memref_slice %arg9[%dma_wait3A_548, %dma_wait3A_551, %dma_wait3A_552] : memref<10x80x64xf32, #tpu.memory_space<vmem>> -> memref<1x80x64xf32, #tpu.memory_space<vmem>>
            %dma_wait3A_554 = tpu.memref_squeeze %dma_wait3A_553 : memref<1x80x64xf32, #tpu.memory_space<vmem>> -> memref<80x64xf32, #tpu.memory_space<vmem>>
            %dma_wait3A_555 = arith.constant 0 : i32
            %dma_wait3A_556 = tpu.memref_slice %arg8[%dma_wait3A_549, %dma_wait3A_555] : memref<125x80xi32, #tpu.memory_space<vmem>> -> memref<1x80xi32, #tpu.memory_space<vmem>>
            %dma_wait3A_557 = tpu.memref_squeeze %dma_wait3A_556 : memref<1x80xi32, #tpu.memory_space<vmem>> -> memref<80xi32, #tpu.memory_space<vmem>>
            %dma_wait3A_558 = arith.constant 0 : i32
            %dma_wait3A_559 = arith.constant 0 : i32
            %dma_wait3A_560 = tpu.memref_slice %arg10[%dma_wait3A_558, %dma_wait3A_559] : memref<10000x64xf32, #tpu.memory_space<vmem_shared>> -> memref<10000x64xf32, #tpu.memory_space<vmem_shared>>
            %dma_wait3A_561 = tpu.memref_slice %arg12[%dma_wait3A_550] : memref<10x!tpu.dma_semaphore, #tpu.memory_space<semaphore_mem>> -> memref<1x!tpu.dma_semaphore, #tpu.memory_space<semaphore_mem>>
            %dma_wait3A_562 = tpu.memref_squeeze %dma_wait3A_561 : memref<1x!tpu.dma_semaphore, #tpu.memory_space<semaphore_mem>> -> memref<!tpu.dma_semaphore, #tpu.memory_space<semaphore_mem>>
            tpu.wait_indirect_dma semaphore(%dma_wait3A_562 : memref<!tpu.dma_semaphore, #tpu.memory_space<semaphore_mem>>) src(%dma_wait3A_554 : memref<80x64xf32, #tpu.memory_space<vmem>>) dst(%dma_wait3A_560 : memref<10000x64xf32, #tpu.memory_space<vmem_shared>>)
          } else {
          }
          %add3A_478 = arith.constant 1 : i32
          %add3A_479 = arith.addi %add3A_240, %add3A_478 : i32
          %mul3A_480 = arith.constant 5 : i32
          %mul3A_481 = arith.muli %add3A_479, %mul3A_480 : i32
          %add3A_482 = arith.constant 2 : i32
          %add3A_483 = arith.addi %mul3A_481, %add3A_482 : i32
          %dma_start3A_484 = arith.constant 7 : i32
          %dma_start3A_485 = arith.constant 7 : i32
          %dma_start3A_486 = arith.constant 0 : i32
          %dma_start3A_487 = arith.constant 0 : i32
          %dma_start3A_488 = tpu.memref_slice %arg9[%dma_start3A_484, %dma_start3A_486, %dma_start3A_487] : memref<10x80x64xf32, #tpu.memory_space<vmem>> -> memref<1x80x64xf32, #tpu.memory_space<vmem>>
          %dma_start3A_489 = tpu.memref_squeeze %dma_start3A_488 : memref<1x80x64xf32, #tpu.memory_space<vmem>> -> memref<80x64xf32, #tpu.memory_space<vmem>>
          %dma_start3A_490 = arith.constant 0 : i32
          %dma_start3A_491 = tpu.memref_slice %arg7[%add3A_483, %dma_start3A_490] : memref<125x80xi32, #tpu.memory_space<vmem>> -> memref<1x80xi32, #tpu.memory_space<vmem>>
          %dma_start3A_492 = tpu.memref_squeeze %dma_start3A_491 : memref<1x80xi32, #tpu.memory_space<vmem>> -> memref<80xi32, #tpu.memory_space<vmem>>
          %dma_start3A_493 = arith.constant 0 : i32
          %dma_start3A_494 = arith.constant 0 : i32
          %dma_start3A_495 = tpu.memref_slice %arg2[%dma_start3A_493, %dma_start3A_494] : memref<10000x64xf32, #tpu.memory_space<hbm>> -> memref<10000x64xf32, #tpu.memory_space<hbm>>
          %dma_start3A_496 = tpu.memref_slice %arg11[%dma_start3A_485] : memref<10x!tpu.dma_semaphore, #tpu.memory_space<semaphore_mem>> -> memref<1x!tpu.dma_semaphore, #tpu.memory_space<semaphore_mem>>
          %dma_start3A_497 = tpu.memref_squeeze %dma_start3A_496 : memref<1x!tpu.dma_semaphore, #tpu.memory_space<semaphore_mem>> -> memref<!tpu.dma_semaphore, #tpu.memory_space<semaphore_mem>>
          tpu.enqueue_indirect_dma source(%dma_start3A_495 : memref<10000x64xf32, #tpu.memory_space<hbm>>) target(%dma_start3A_489 : memref<80x64xf32, #tpu.memory_space<vmem>>) offsets(%dma_start3A_492 : memref<80xi32, #tpu.memory_space<vmem>>) semaphore(%dma_start3A_497 : memref<!tpu.dma_semaphore, #tpu.memory_space<semaphore_mem>>)
          %ge3A_498 = arith.constant 1 : i32
          %ge3A_499 = arith.cmpi sge, %add3A_240, %ge3A_498 : i32
          %convert_element_type3A_500 = arith.extui %ge3A_499 : i1 to i32
          %cond3A_501 = arith.constant 0 : i32
          %cond3A_502 = arith.cmpi ne, %convert_element_type3A_500, %cond3A_501 : i32
          scf.if %cond3A_502 {
            %dma_wait3A_548 = arith.constant 8 : i32
            %dma_wait3A_549 = arith.constant 0 : i32
            %dma_wait3A_550 = arith.constant 8 : i32
            %dma_wait3A_551 = arith.constant 0 : i32
            %dma_wait3A_552 = arith.constant 0 : i32
            %dma_wait3A_553 = tpu.memref_slice %arg9[%dma_wait3A_548, %dma_wait3A_551, %dma_wait3A_552] : memref<10x80x64xf32, #tpu.memory_space<vmem>> -> memref<1x80x64xf32, #tpu.memory_space<vmem>>
            %dma_wait3A_554 = tpu.memref_squeeze %dma_wait3A_553 : memref<1x80x64xf32, #tpu.memory_space<vmem>> -> memref<80x64xf32, #tpu.memory_space<vmem>>
            %dma_wait3A_555 = arith.constant 0 : i32
            %dma_wait3A_556 = tpu.memref_slice %arg8[%dma_wait3A_549, %dma_wait3A_555] : memref<125x80xi32, #tpu.memory_space<vmem>> -> memref<1x80xi32, #tpu.memory_space<vmem>>
            %dma_wait3A_557 = tpu.memref_squeeze %dma_wait3A_556 : memref<1x80xi32, #tpu.memory_space<vmem>> -> memref<80xi32, #tpu.memory_space<vmem>>
            %dma_wait3A_558 = arith.constant 0 : i32
            %dma_wait3A_559 = arith.constant 0 : i32
            %dma_wait3A_560 = tpu.memref_slice %arg10[%dma_wait3A_558, %dma_wait3A_559] : memref<10000x64xf32, #tpu.memory_space<vmem_shared>> -> memref<10000x64xf32, #tpu.memory_space<vmem_shared>>
            %dma_wait3A_561 = tpu.memref_slice %arg12[%dma_wait3A_550] : memref<10x!tpu.dma_semaphore, #tpu.memory_space<semaphore_mem>> -> memref<1x!tpu.dma_semaphore, #tpu.memory_space<semaphore_mem>>
            %dma_wait3A_562 = tpu.memref_squeeze %dma_wait3A_561 : memref<1x!tpu.dma_semaphore, #tpu.memory_space<semaphore_mem>> -> memref<!tpu.dma_semaphore, #tpu.memory_space<semaphore_mem>>
            tpu.wait_indirect_dma semaphore(%dma_wait3A_562 : memref<!tpu.dma_semaphore, #tpu.memory_space<semaphore_mem>>) src(%dma_wait3A_554 : memref<80x64xf32, #tpu.memory_space<vmem>>) dst(%dma_wait3A_560 : memref<10000x64xf32, #tpu.memory_space<vmem_shared>>)
          } else {
          }
          %add3A_503 = arith.constant 1 : i32
          %add3A_504 = arith.addi %add3A_240, %add3A_503 : i32
          %mul3A_505 = arith.constant 5 : i32
          %mul3A_506 = arith.muli %add3A_504, %mul3A_505 : i32
          %add3A_507 = arith.constant 3 : i32
          %add3A_508 = arith.addi %mul3A_506, %add3A_507 : i32
          %dma_start3A_509 = arith.constant 8 : i32
          %dma_start3A_510 = arith.constant 8 : i32
          %dma_start3A_511 = arith.constant 0 : i32
          %dma_start3A_512 = arith.constant 0 : i32
          %dma_start3A_513 = tpu.memref_slice %arg9[%dma_start3A_509, %dma_start3A_511, %dma_start3A_512] : memref<10x80x64xf32, #tpu.memory_space<vmem>> -> memref<1x80x64xf32, #tpu.memory_space<vmem>>
          %dma_start3A_514 = tpu.memref_squeeze %dma_start3A_513 : memref<1x80x64xf32, #tpu.memory_space<vmem>> -> memref<80x64xf32, #tpu.memory_space<vmem>>
          %dma_start3A_515 = arith.constant 0 : i32
          %dma_start3A_516 = tpu.memref_slice %arg7[%add3A_508, %dma_start3A_515] : memref<125x80xi32, #tpu.memory_space<vmem>> -> memref<1x80xi32, #tpu.memory_space<vmem>>
          %dma_start3A_517 = tpu.memref_squeeze %dma_start3A_516 : memref<1x80xi32, #tpu.memory_space<vmem>> -> memref<80xi32, #tpu.memory_space<vmem>>
          %dma_start3A_518 = arith.constant 0 : i32
          %dma_start3A_519 = arith.constant 0 : i32
          %dma_start3A_520 = tpu.memref_slice %arg2[%dma_start3A_518, %dma_start3A_519] : memref<10000x64xf32, #tpu.memory_space<hbm>> -> memref<10000x64xf32, #tpu.memory_space<hbm>>
          %dma_start3A_521 = tpu.memref_slice %arg11[%dma_start3A_510] : memref<10x!tpu.dma_semaphore, #tpu.memory_space<semaphore_mem>> -> memref<1x!tpu.dma_semaphore, #tpu.memory_space<semaphore_mem>>
          %dma_start3A_522 = tpu.memref_squeeze %dma_start3A_521 : memref<1x!tpu.dma_semaphore, #tpu.memory_space<semaphore_mem>> -> memref<!tpu.dma_semaphore, #tpu.memory_space<semaphore_mem>>
          tpu.enqueue_indirect_dma source(%dma_start3A_520 : memref<10000x64xf32, #tpu.memory_space<hbm>>) target(%dma_start3A_514 : memref<80x64xf32, #tpu.memory_space<vmem>>) offsets(%dma_start3A_517 : memref<80xi32, #tpu.memory_space<vmem>>) semaphore(%dma_start3A_522 : memref<!tpu.dma_semaphore, #tpu.memory_space<semaphore_mem>>)
          %ge3A_523 = arith.constant 1 : i32
          %ge3A_524 = arith.cmpi sge, %add3A_240, %ge3A_523 : i32
          %convert_element_type3A_525 = arith.extui %ge3A_524 : i1 to i32
          %cond3A_526 = arith.constant 0 : i32
          %cond3A_527 = arith.cmpi ne, %convert_element_type3A_525, %cond3A_526 : i32
          scf.if %cond3A_527 {
            %dma_wait3A_548 = arith.constant 9 : i32
            %dma_wait3A_549 = arith.constant 0 : i32
            %dma_wait3A_550 = arith.constant 9 : i32
            %dma_wait3A_551 = arith.constant 0 : i32
            %dma_wait3A_552 = arith.constant 0 : i32
            %dma_wait3A_553 = tpu.memref_slice %arg9[%dma_wait3A_548, %dma_wait3A_551, %dma_wait3A_552] : memref<10x80x64xf32, #tpu.memory_space<vmem>> -> memref<1x80x64xf32, #tpu.memory_space<vmem>>
            %dma_wait3A_554 = tpu.memref_squeeze %dma_wait3A_553 : memref<1x80x64xf32, #tpu.memory_space<vmem>> -> memref<80x64xf32, #tpu.memory_space<vmem>>
            %dma_wait3A_555 = arith.constant 0 : i32
            %dma_wait3A_556 = tpu.memref_slice %arg8[%dma_wait3A_549, %dma_wait3A_555] : memref<125x80xi32, #tpu.memory_space<vmem>> -> memref<1x80xi32, #tpu.memory_space<vmem>>
            %dma_wait3A_557 = tpu.memref_squeeze %dma_wait3A_556 : memref<1x80xi32, #tpu.memory_space<vmem>> -> memref<80xi32, #tpu.memory_space<vmem>>
            %dma_wait3A_558 = arith.constant 0 : i32
            %dma_wait3A_559 = arith.constant 0 : i32
            %dma_wait3A_560 = tpu.memref_slice %arg10[%dma_wait3A_558, %dma_wait3A_559] : memref<10000x64xf32, #tpu.memory_space<vmem_shared>> -> memref<10000x64xf32, #tpu.memory_space<vmem_shared>>
            %dma_wait3A_561 = tpu.memref_slice %arg12[%dma_wait3A_550] : memref<10x!tpu.dma_semaphore, #tpu.memory_space<semaphore_mem>> -> memref<1x!tpu.dma_semaphore, #tpu.memory_space<semaphore_mem>>
            %dma_wait3A_562 = tpu.memref_squeeze %dma_wait3A_561 : memref<1x!tpu.dma_semaphore, #tpu.memory_space<semaphore_mem>> -> memref<!tpu.dma_semaphore, #tpu.memory_space<semaphore_mem>>
            tpu.wait_indirect_dma semaphore(%dma_wait3A_562 : memref<!tpu.dma_semaphore, #tpu.memory_space<semaphore_mem>>) src(%dma_wait3A_554 : memref<80x64xf32, #tpu.memory_space<vmem>>) dst(%dma_wait3A_560 : memref<10000x64xf32, #tpu.memory_space<vmem_shared>>)
          } else {
          }
          %add3A_528 = arith.constant 1 : i32
          %add3A_529 = arith.addi %add3A_240, %add3A_528 : i32
          %mul3A_530 = arith.constant 5 : i32
          %mul3A_531 = arith.muli %add3A_529, %mul3A_530 : i32
          %add3A_532 = arith.constant 4 : i32
          %add3A_533 = arith.addi %mul3A_531, %add3A_532 : i32
          %dma_start3A_534 = arith.constant 9 : i32
          %dma_start3A_535 = arith.constant 9 : i32
          %dma_start3A_536 = arith.constant 0 : i32
          %dma_start3A_537 = arith.constant 0 : i32
          %dma_start3A_538 = tpu.memref_slice %arg9[%dma_start3A_534, %dma_start3A_536, %dma_start3A_537] : memref<10x80x64xf32, #tpu.memory_space<vmem>> -> memref<1x80x64xf32, #tpu.memory_space<vmem>>
          %dma_start3A_539 = tpu.memref_squeeze %dma_start3A_538 : memref<1x80x64xf32, #tpu.memory_space<vmem>> -> memref<80x64xf32, #tpu.memory_space<vmem>>
          %dma_start3A_540 = arith.constant 0 : i32
          %dma_start3A_541 = tpu.memref_slice %arg7[%add3A_533, %dma_start3A_540] : memref<125x80xi32, #tpu.memory_space<vmem>> -> memref<1x80xi32, #tpu.memory_space<vmem>>
          %dma_start3A_542 = tpu.memref_squeeze %dma_start3A_541 : memref<1x80xi32, #tpu.memory_space<vmem>> -> memref<80xi32, #tpu.memory_space<vmem>>
          %dma_start3A_543 = arith.constant 0 : i32
          %dma_start3A_544 = arith.constant 0 : i32
          %dma_start3A_545 = tpu.memref_slice %arg2[%dma_start3A_543, %dma_start3A_544] : memref<10000x64xf32, #tpu.memory_space<hbm>> -> memref<10000x64xf32, #tpu.memory_space<hbm>>
          %dma_start3A_546 = tpu.memref_slice %arg11[%dma_start3A_535] : memref<10x!tpu.dma_semaphore, #tpu.memory_space<semaphore_mem>> -> memref<1x!tpu.dma_semaphore, #tpu.memory_space<semaphore_mem>>
          %dma_start3A_547 = tpu.memref_squeeze %dma_start3A_546 : memref<1x!tpu.dma_semaphore, #tpu.memory_space<semaphore_mem>> -> memref<!tpu.dma_semaphore, #tpu.memory_space<semaphore_mem>>
          tpu.enqueue_indirect_dma source(%dma_start3A_545 : memref<10000x64xf32, #tpu.memory_space<hbm>>) target(%dma_start3A_539 : memref<80x64xf32, #tpu.memory_space<vmem>>) offsets(%dma_start3A_542 : memref<80xi32, #tpu.memory_space<vmem>>) semaphore(%dma_start3A_547 : memref<!tpu.dma_semaphore, #tpu.memory_space<semaphore_mem>>)
        } else {
        }
      } else {
      }
      %mul3A_243 = arith.constant 2 : i32
      %mul3A_244 = arith.muli %mul3A_243, %scan3A_236 : i32
      %add3A_245 = arith.constant 1 : i32
      %add3A_246 = arith.addi %mul3A_244, %add3A_245 : i32
      %lt3A_247 = arith.constant 25 : i32
      %lt3A_248 = arith.cmpi slt, %add3A_246, %lt3A_247 : i32
      %convert_element_type3A_249 = arith.extui %lt3A_248 : i1 to i32
      %cond3A_250 = arith.constant 0 : i32
      %cond3A_251 = arith.cmpi ne, %convert_element_type3A_249, %cond3A_250 : i32
      scf.if %cond3A_251 {
        %dma_wait3A_252 = arith.constant 0 : i32
        %dma_wait3A_253 = arith.constant 5 : i32
        %dma_wait3A_254 = arith.constant 5 : i32
        %dma_wait3A_255 = arith.constant 0 : i32
        %dma_wait3A_256 = arith.constant 0 : i32
        %dma_wait3A_257 = tpu.memref_slice %arg9[%dma_wait3A_253, %dma_wait3A_255, %dma_wait3A_256] : memref<10x80x64xf32, #tpu.memory_space<vmem>> -> memref<1x80x64xf32, #tpu.memory_space<vmem>>
        %dma_wait3A_258 = tpu.memref_squeeze %dma_wait3A_257 : memref<1x80x64xf32, #tpu.memory_space<vmem>> -> memref<80x64xf32, #tpu.memory_space<vmem>>
        %dma_wait3A_259 = arith.constant 0 : i32
        %dma_wait3A_260 = tpu.memref_slice %arg7[%dma_wait3A_252, %dma_wait3A_259] : memref<125x80xi32, #tpu.memory_space<vmem>> -> memref<1x80xi32, #tpu.memory_space<vmem>>
        %dma_wait3A_261 = tpu.memref_squeeze %dma_wait3A_260 : memref<1x80xi32, #tpu.memory_space<vmem>> -> memref<80xi32, #tpu.memory_space<vmem>>
        %dma_wait3A_262 = arith.constant 0 : i32
        %dma_wait3A_263 = arith.constant 0 : i32
        %dma_wait3A_264 = tpu.memref_slice %arg2[%dma_wait3A_262, %dma_wait3A_263] : memref<10000x64xf32, #tpu.memory_space<hbm>> -> memref<10000x64xf32, #tpu.memory_space<hbm>>
        %dma_wait3A_265 = tpu.memref_slice %arg11[%dma_wait3A_254] : memref<10x!tpu.dma_semaphore, #tpu.memory_space<semaphore_mem>> -> memref<1x!tpu.dma_semaphore, #tpu.memory_space<semaphore_mem>>
        %dma_wait3A_266 = tpu.memref_squeeze %dma_wait3A_265 : memref<1x!tpu.dma_semaphore, #tpu.memory_space<semaphore_mem>> -> memref<!tpu.dma_semaphore, #tpu.memory_space<semaphore_mem>>
        tpu.wait_indirect_dma semaphore(%dma_wait3A_266 : memref<!tpu.dma_semaphore, #tpu.memory_space<semaphore_mem>>) src(%dma_wait3A_264 : memref<10000x64xf32, #tpu.memory_space<hbm>>) dst(%dma_wait3A_258 : memref<80x64xf32, #tpu.memory_space<vmem>>)
        %mul3A_267 = arith.constant 5 : i32
        %mul3A_268 = arith.muli %add3A_246, %mul3A_267 : i32
        %add3A_269 = arith.constant 0 : i32
        %add3A_270 = arith.addi %mul3A_268, %add3A_269 : i32
        %dma_start3A_271 = arith.constant 5 : i32
        %dma_start3A_272 = arith.constant 5 : i32
        %dma_start3A_273 = arith.constant 0 : i32
        %dma_start3A_274 = arith.constant 0 : i32
        %dma_start3A_275 = tpu.memref_slice %arg9[%dma_start3A_271, %dma_start3A_273, %dma_start3A_274] : memref<10x80x64xf32, #tpu.memory_space<vmem>> -> memref<1x80x64xf32, #tpu.memory_space<vmem>>
        %dma_start3A_276 = tpu.memref_squeeze %dma_start3A_275 : memref<1x80x64xf32, #tpu.memory_space<vmem>> -> memref<80x64xf32, #tpu.memory_space<vmem>>
        %dma_start3A_277 = arith.constant 0 : i32
        %dma_start3A_278 = tpu.memref_slice %arg8[%add3A_270, %dma_start3A_277] : memref<125x80xi32, #tpu.memory_space<vmem>> -> memref<1x80xi32, #tpu.memory_space<vmem>>
        %dma_start3A_279 = tpu.memref_squeeze %dma_start3A_278 : memref<1x80xi32, #tpu.memory_space<vmem>> -> memref<80xi32, #tpu.memory_space<vmem>>
        %dma_start3A_280 = arith.constant 0 : i32
        %dma_start3A_281 = arith.constant 0 : i32
        %dma_start3A_282 = tpu.memref_slice %arg10[%dma_start3A_280, %dma_start3A_281] : memref<10000x64xf32, #tpu.memory_space<vmem_shared>> -> memref<10000x64xf32, #tpu.memory_space<vmem_shared>>
        %dma_start3A_283 = tpu.memref_slice %arg12[%dma_start3A_272] : memref<10x!tpu.dma_semaphore, #tpu.memory_space<semaphore_mem>> -> memref<1x!tpu.dma_semaphore, #tpu.memory_space<semaphore_mem>>
        %dma_start3A_284 = tpu.memref_squeeze %dma_start3A_283 : memref<1x!tpu.dma_semaphore, #tpu.memory_space<semaphore_mem>> -> memref<!tpu.dma_semaphore, #tpu.memory_space<semaphore_mem>>
        tpu.enqueue_indirect_dma source(%dma_start3A_276 : memref<80x64xf32, #tpu.memory_space<vmem>>) target(%dma_start3A_282 : memref<10000x64xf32, #tpu.memory_space<vmem_shared>>) offsets(%dma_start3A_279 : memref<80xi32, #tpu.memory_space<vmem>>) semaphore(%dma_start3A_284 : memref<!tpu.dma_semaphore, #tpu.memory_space<semaphore_mem>>) {add = true}
        %dma_wait3A_285 = arith.constant 0 : i32
        %dma_wait3A_286 = arith.constant 6 : i32
        %dma_wait3A_287 = arith.constant 6 : i32
        %dma_wait3A_288 = arith.constant 0 : i32
        %dma_wait3A_289 = arith.constant 0 : i32
        %dma_wait3A_290 = tpu.memref_slice %arg9[%dma_wait3A_286, %dma_wait3A_288, %dma_wait3A_289] : memref<10x80x64xf32, #tpu.memory_space<vmem>> -> memref<1x80x64xf32, #tpu.memory_space<vmem>>
        %dma_wait3A_291 = tpu.memref_squeeze %dma_wait3A_290 : memref<1x80x64xf32, #tpu.memory_space<vmem>> -> memref<80x64xf32, #tpu.memory_space<vmem>>
        %dma_wait3A_292 = arith.constant 0 : i32
        %dma_wait3A_293 = tpu.memref_slice %arg7[%dma_wait3A_285, %dma_wait3A_292] : memref<125x80xi32, #tpu.memory_space<vmem>> -> memref<1x80xi32, #tpu.memory_space<vmem>>
        %dma_wait3A_294 = tpu.memref_squeeze %dma_wait3A_293 : memref<1x80xi32, #tpu.memory_space<vmem>> -> memref<80xi32, #tpu.memory_space<vmem>>
        %dma_wait3A_295 = arith.constant 0 : i32
        %dma_wait3A_296 = arith.constant 0 : i32
        %dma_wait3A_297 = tpu.memref_slice %arg2[%dma_wait3A_295, %dma_wait3A_296] : memref<10000x64xf32, #tpu.memory_space<hbm>> -> memref<10000x64xf32, #tpu.memory_space<hbm>>
        %dma_wait3A_298 = tpu.memref_slice %arg11[%dma_wait3A_287] : memref<10x!tpu.dma_semaphore, #tpu.memory_space<semaphore_mem>> -> memref<1x!tpu.dma_semaphore, #tpu.memory_space<semaphore_mem>>
        %dma_wait3A_299 = tpu.memref_squeeze %dma_wait3A_298 : memref<1x!tpu.dma_semaphore, #tpu.memory_space<semaphore_mem>> -> memref<!tpu.dma_semaphore, #tpu.memory_space<semaphore_mem>>
        tpu.wait_indirect_dma semaphore(%dma_wait3A_299 : memref<!tpu.dma_semaphore, #tpu.memory_space<semaphore_mem>>) src(%dma_wait3A_297 : memref<10000x64xf32, #tpu.memory_space<hbm>>) dst(%dma_wait3A_291 : memref<80x64xf32, #tpu.memory_space<vmem>>)
        %mul3A_300 = arith.constant 5 : i32
        %mul3A_301 = arith.muli %add3A_246, %mul3A_300 : i32
        %add3A_302 = arith.constant 1 : i32
        %add3A_303 = arith.addi %mul3A_301, %add3A_302 : i32
        %dma_start3A_304 = arith.constant 6 : i32
        %dma_start3A_305 = arith.constant 6 : i32
        %dma_start3A_306 = arith.constant 0 : i32
        %dma_start3A_307 = arith.constant 0 : i32
        %dma_start3A_308 = tpu.memref_slice %arg9[%dma_start3A_304, %dma_start3A_306, %dma_start3A_307] : memref<10x80x64xf32, #tpu.memory_space<vmem>> -> memref<1x80x64xf32, #tpu.memory_space<vmem>>
        %dma_start3A_309 = tpu.memref_squeeze %dma_start3A_308 : memref<1x80x64xf32, #tpu.memory_space<vmem>> -> memref<80x64xf32, #tpu.memory_space<vmem>>
        %dma_start3A_310 = arith.constant 0 : i32
        %dma_start3A_311 = tpu.memref_slice %arg8[%add3A_303, %dma_start3A_310] : memref<125x80xi32, #tpu.memory_space<vmem>> -> memref<1x80xi32, #tpu.memory_space<vmem>>
        %dma_start3A_312 = tpu.memref_squeeze %dma_start3A_311 : memref<1x80xi32, #tpu.memory_space<vmem>> -> memref<80xi32, #tpu.memory_space<vmem>>
        %dma_start3A_313 = arith.constant 0 : i32
        %dma_start3A_314 = arith.constant 0 : i32
        %dma_start3A_315 = tpu.memref_slice %arg10[%dma_start3A_313, %dma_start3A_314] : memref<10000x64xf32, #tpu.memory_space<vmem_shared>> -> memref<10000x64xf32, #tpu.memory_space<vmem_shared>>
        %dma_start3A_316 = tpu.memref_slice %arg12[%dma_start3A_305] : memref<10x!tpu.dma_semaphore, #tpu.memory_space<semaphore_mem>> -> memref<1x!tpu.dma_semaphore, #tpu.memory_space<semaphore_mem>>
        %dma_start3A_317 = tpu.memref_squeeze %dma_start3A_316 : memref<1x!tpu.dma_semaphore, #tpu.memory_space<semaphore_mem>> -> memref<!tpu.dma_semaphore, #tpu.memory_space<semaphore_mem>>
        tpu.enqueue_indirect_dma source(%dma_start3A_309 : memref<80x64xf32, #tpu.memory_space<vmem>>) target(%dma_start3A_315 : memref<10000x64xf32, #tpu.memory_space<vmem_shared>>) offsets(%dma_start3A_312 : memref<80xi32, #tpu.memory_space<vmem>>) semaphore(%dma_start3A_317 : memref<!tpu.dma_semaphore, #tpu.memory_space<semaphore_mem>>) {add = true}
        %dma_wait3A_318 = arith.constant 0 : i32
        %dma_wait3A_319 = arith.constant 7 : i32
        %dma_wait3A_320 = arith.constant 7 : i32
        %dma_wait3A_321 = arith.constant 0 : i32
        %dma_wait3A_322 = arith.constant 0 : i32
        %dma_wait3A_323 = tpu.memref_slice %arg9[%dma_wait3A_319, %dma_wait3A_321, %dma_wait3A_322] : memref<10x80x64xf32, #tpu.memory_space<vmem>> -> memref<1x80x64xf32, #tpu.memory_space<vmem>>
        %dma_wait3A_324 = tpu.memref_squeeze %dma_wait3A_323 : memref<1x80x64xf32, #tpu.memory_space<vmem>> -> memref<80x64xf32, #tpu.memory_space<vmem>>
        %dma_wait3A_325 = arith.constant 0 : i32
        %dma_wait3A_326 = tpu.memref_slice %arg7[%dma_wait3A_318, %dma_wait3A_325] : memref<125x80xi32, #tpu.memory_space<vmem>> -> memref<1x80xi32, #tpu.memory_space<vmem>>
        %dma_wait3A_327 = tpu.memref_squeeze %dma_wait3A_326 : memref<1x80xi32, #tpu.memory_space<vmem>> -> memref<80xi32, #tpu.memory_space<vmem>>
        %dma_wait3A_328 = arith.constant 0 : i32
        %dma_wait3A_329 = arith.constant 0 : i32
        %dma_wait3A_330 = tpu.memref_slice %arg2[%dma_wait3A_328, %dma_wait3A_329] : memref<10000x64xf32, #tpu.memory_space<hbm>> -> memref<10000x64xf32, #tpu.memory_space<hbm>>
        %dma_wait3A_331 = tpu.memref_slice %arg11[%dma_wait3A_320] : memref<10x!tpu.dma_semaphore, #tpu.memory_space<semaphore_mem>> -> memref<1x!tpu.dma_semaphore, #tpu.memory_space<semaphore_mem>>
        %dma_wait3A_332 = tpu.memref_squeeze %dma_wait3A_331 : memref<1x!tpu.dma_semaphore, #tpu.memory_space<semaphore_mem>> -> memref<!tpu.dma_semaphore, #tpu.memory_space<semaphore_mem>>
        tpu.wait_indirect_dma semaphore(%dma_wait3A_332 : memref<!tpu.dma_semaphore, #tpu.memory_space<semaphore_mem>>) src(%dma_wait3A_330 : memref<10000x64xf32, #tpu.memory_space<hbm>>) dst(%dma_wait3A_324 : memref<80x64xf32, #tpu.memory_space<vmem>>)
        %mul3A_333 = arith.constant 5 : i32
        %mul3A_334 = arith.muli %add3A_246, %mul3A_333 : i32
        %add3A_335 = arith.constant 2 : i32
        %add3A_336 = arith.addi %mul3A_334, %add3A_335 : i32
        %dma_start3A_337 = arith.constant 7 : i32
        %dma_start3A_338 = arith.constant 7 : i32
        %dma_start3A_339 = arith.constant 0 : i32
        %dma_start3A_340 = arith.constant 0 : i32
        %dma_start3A_341 = tpu.memref_slice %arg9[%dma_start3A_337, %dma_start3A_339, %dma_start3A_340] : memref<10x80x64xf32, #tpu.memory_space<vmem>> -> memref<1x80x64xf32, #tpu.memory_space<vmem>>
        %dma_start3A_342 = tpu.memref_squeeze %dma_start3A_341 : memref<1x80x64xf32, #tpu.memory_space<vmem>> -> memref<80x64xf32, #tpu.memory_space<vmem>>
        %dma_start3A_343 = arith.constant 0 : i32
        %dma_start3A_344 = tpu.memref_slice %arg8[%add3A_336, %dma_start3A_343] : memref<125x80xi32, #tpu.memory_space<vmem>> -> memref<1x80xi32, #tpu.memory_space<vmem>>
        %dma_start3A_345 = tpu.memref_squeeze %dma_start3A_344 : memref<1x80xi32, #tpu.memory_space<vmem>> -> memref<80xi32, #tpu.memory_space<vmem>>
        %dma_start3A_346 = arith.constant 0 : i32
        %dma_start3A_347 = arith.constant 0 : i32
        %dma_start3A_348 = tpu.memref_slice %arg10[%dma_start3A_346, %dma_start3A_347] : memref<10000x64xf32, #tpu.memory_space<vmem_shared>> -> memref<10000x64xf32, #tpu.memory_space<vmem_shared>>
        %dma_start3A_349 = tpu.memref_slice %arg12[%dma_start3A_338] : memref<10x!tpu.dma_semaphore, #tpu.memory_space<semaphore_mem>> -> memref<1x!tpu.dma_semaphore, #tpu.memory_space<semaphore_mem>>
        %dma_start3A_350 = tpu.memref_squeeze %dma_start3A_349 : memref<1x!tpu.dma_semaphore, #tpu.memory_space<semaphore_mem>> -> memref<!tpu.dma_semaphore, #tpu.memory_space<semaphore_mem>>
        tpu.enqueue_indirect_dma source(%dma_start3A_342 : memref<80x64xf32, #tpu.memory_space<vmem>>) target(%dma_start3A_348 : memref<10000x64xf32, #tpu.memory_space<vmem_shared>>) offsets(%dma_start3A_345 : memref<80xi32, #tpu.memory_space<vmem>>) semaphore(%dma_start3A_350 : memref<!tpu.dma_semaphore, #tpu.memory_space<semaphore_mem>>) {add = true}
        %dma_wait3A_351 = arith.constant 0 : i32
        %dma_wait3A_352 = arith.constant 8 : i32
        %dma_wait3A_353 = arith.constant 8 : i32
        %dma_wait3A_354 = arith.constant 0 : i32
        %dma_wait3A_355 = arith.constant 0 : i32
        %dma_wait3A_356 = tpu.memref_slice %arg9[%dma_wait3A_352, %dma_wait3A_354, %dma_wait3A_355] : memref<10x80x64xf32, #tpu.memory_space<vmem>> -> memref<1x80x64xf32, #tpu.memory_space<vmem>>
        %dma_wait3A_357 = tpu.memref_squeeze %dma_wait3A_356 : memref<1x80x64xf32, #tpu.memory_space<vmem>> -> memref<80x64xf32, #tpu.memory_space<vmem>>
        %dma_wait3A_358 = arith.constant 0 : i32
        %dma_wait3A_359 = tpu.memref_slice %arg7[%dma_wait3A_351, %dma_wait3A_358] : memref<125x80xi32, #tpu.memory_space<vmem>> -> memref<1x80xi32, #tpu.memory_space<vmem>>
        %dma_wait3A_360 = tpu.memref_squeeze %dma_wait3A_359 : memref<1x80xi32, #tpu.memory_space<vmem>> -> memref<80xi32, #tpu.memory_space<vmem>>
        %dma_wait3A_361 = arith.constant 0 : i32
        %dma_wait3A_362 = arith.constant 0 : i32
        %dma_wait3A_363 = tpu.memref_slice %arg2[%dma_wait3A_361, %dma_wait3A_362] : memref<10000x64xf32, #tpu.memory_space<hbm>> -> memref<10000x64xf32, #tpu.memory_space<hbm>>
        %dma_wait3A_364 = tpu.memref_slice %arg11[%dma_wait3A_353] : memref<10x!tpu.dma_semaphore, #tpu.memory_space<semaphore_mem>> -> memref<1x!tpu.dma_semaphore, #tpu.memory_space<semaphore_mem>>
        %dma_wait3A_365 = tpu.memref_squeeze %dma_wait3A_364 : memref<1x!tpu.dma_semaphore, #tpu.memory_space<semaphore_mem>> -> memref<!tpu.dma_semaphore, #tpu.memory_space<semaphore_mem>>
        tpu.wait_indirect_dma semaphore(%dma_wait3A_365 : memref<!tpu.dma_semaphore, #tpu.memory_space<semaphore_mem>>) src(%dma_wait3A_363 : memref<10000x64xf32, #tpu.memory_space<hbm>>) dst(%dma_wait3A_357 : memref<80x64xf32, #tpu.memory_space<vmem>>)
        %mul3A_366 = arith.constant 5 : i32
        %mul3A_367 = arith.muli %add3A_246, %mul3A_366 : i32
        %add3A_368 = arith.constant 3 : i32
        %add3A_369 = arith.addi %mul3A_367, %add3A_368 : i32
        %dma_start3A_370 = arith.constant 8 : i32
        %dma_start3A_371 = arith.constant 8 : i32
        %dma_start3A_372 = arith.constant 0 : i32
        %dma_start3A_373 = arith.constant 0 : i32
        %dma_start3A_374 = tpu.memref_slice %arg9[%dma_start3A_370, %dma_start3A_372, %dma_start3A_373] : memref<10x80x64xf32, #tpu.memory_space<vmem>> -> memref<1x80x64xf32, #tpu.memory_space<vmem>>
        %dma_start3A_375 = tpu.memref_squeeze %dma_start3A_374 : memref<1x80x64xf32, #tpu.memory_space<vmem>> -> memref<80x64xf32, #tpu.memory_space<vmem>>
        %dma_start3A_376 = arith.constant 0 : i32
        %dma_start3A_377 = tpu.memref_slice %arg8[%add3A_369, %dma_start3A_376] : memref<125x80xi32, #tpu.memory_space<vmem>> -> memref<1x80xi32, #tpu.memory_space<vmem>>
        %dma_start3A_378 = tpu.memref_squeeze %dma_start3A_377 : memref<1x80xi32, #tpu.memory_space<vmem>> -> memref<80xi32, #tpu.memory_space<vmem>>
        %dma_start3A_379 = arith.constant 0 : i32
        %dma_start3A_380 = arith.constant 0 : i32
        %dma_start3A_381 = tpu.memref_slice %arg10[%dma_start3A_379, %dma_start3A_380] : memref<10000x64xf32, #tpu.memory_space<vmem_shared>> -> memref<10000x64xf32, #tpu.memory_space<vmem_shared>>
        %dma_start3A_382 = tpu.memref_slice %arg12[%dma_start3A_371] : memref<10x!tpu.dma_semaphore, #tpu.memory_space<semaphore_mem>> -> memref<1x!tpu.dma_semaphore, #tpu.memory_space<semaphore_mem>>
        %dma_start3A_383 = tpu.memref_squeeze %dma_start3A_382 : memref<1x!tpu.dma_semaphore, #tpu.memory_space<semaphore_mem>> -> memref<!tpu.dma_semaphore, #tpu.memory_space<semaphore_mem>>
        tpu.enqueue_indirect_dma source(%dma_start3A_375 : memref<80x64xf32, #tpu.memory_space<vmem>>) target(%dma_start3A_381 : memref<10000x64xf32, #tpu.memory_space<vmem_shared>>) offsets(%dma_start3A_378 : memref<80xi32, #tpu.memory_space<vmem>>) semaphore(%dma_start3A_383 : memref<!tpu.dma_semaphore, #tpu.memory_space<semaphore_mem>>) {add = true}
        %dma_wait3A_384 = arith.constant 0 : i32
        %dma_wait3A_385 = arith.constant 9 : i32
        %dma_wait3A_386 = arith.constant 9 : i32
        %dma_wait3A_387 = arith.constant 0 : i32
        %dma_wait3A_388 = arith.constant 0 : i32
        %dma_wait3A_389 = tpu.memref_slice %arg9[%dma_wait3A_385, %dma_wait3A_387, %dma_wait3A_388] : memref<10x80x64xf32, #tpu.memory_space<vmem>> -> memref<1x80x64xf32, #tpu.memory_space<vmem>>
        %dma_wait3A_390 = tpu.memref_squeeze %dma_wait3A_389 : memref<1x80x64xf32, #tpu.memory_space<vmem>> -> memref<80x64xf32, #tpu.memory_space<vmem>>
        %dma_wait3A_391 = arith.constant 0 : i32
        %dma_wait3A_392 = tpu.memref_slice %arg7[%dma_wait3A_384, %dma_wait3A_391] : memref<125x80xi32, #tpu.memory_space<vmem>> -> memref<1x80xi32, #tpu.memory_space<vmem>>
        %dma_wait3A_393 = tpu.memref_squeeze %dma_wait3A_392 : memref<1x80xi32, #tpu.memory_space<vmem>> -> memref<80xi32, #tpu.memory_space<vmem>>
        %dma_wait3A_394 = arith.constant 0 : i32
        %dma_wait3A_395 = arith.constant 0 : i32
        %dma_wait3A_396 = tpu.memref_slice %arg2[%dma_wait3A_394, %dma_wait3A_395] : memref<10000x64xf32, #tpu.memory_space<hbm>> -> memref<10000x64xf32, #tpu.memory_space<hbm>>
        %dma_wait3A_397 = tpu.memref_slice %arg11[%dma_wait3A_386] : memref<10x!tpu.dma_semaphore, #tpu.memory_space<semaphore_mem>> -> memref<1x!tpu.dma_semaphore, #tpu.memory_space<semaphore_mem>>
        %dma_wait3A_398 = tpu.memref_squeeze %dma_wait3A_397 : memref<1x!tpu.dma_semaphore, #tpu.memory_space<semaphore_mem>> -> memref<!tpu.dma_semaphore, #tpu.memory_space<semaphore_mem>>
        tpu.wait_indirect_dma semaphore(%dma_wait3A_398 : memref<!tpu.dma_semaphore, #tpu.memory_space<semaphore_mem>>) src(%dma_wait3A_396 : memref<10000x64xf32, #tpu.memory_space<hbm>>) dst(%dma_wait3A_390 : memref<80x64xf32, #tpu.memory_space<vmem>>)
        %mul3A_399 = arith.constant 5 : i32
        %mul3A_400 = arith.muli %add3A_246, %mul3A_399 : i32
        %add3A_401 = arith.constant 4 : i32
        %add3A_402 = arith.addi %mul3A_400, %add3A_401 : i32
        %dma_start3A_403 = arith.constant 9 : i32
        %dma_start3A_404 = arith.constant 9 : i32
        %dma_start3A_405 = arith.constant 0 : i32
        %dma_start3A_406 = arith.constant 0 : i32
        %dma_start3A_407 = tpu.memref_slice %arg9[%dma_start3A_403, %dma_start3A_405, %dma_start3A_406] : memref<10x80x64xf32, #tpu.memory_space<vmem>> -> memref<1x80x64xf32, #tpu.memory_space<vmem>>
        %dma_start3A_408 = tpu.memref_squeeze %dma_start3A_407 : memref<1x80x64xf32, #tpu.memory_space<vmem>> -> memref<80x64xf32, #tpu.memory_space<vmem>>
        %dma_start3A_409 = arith.constant 0 : i32
        %dma_start3A_410 = tpu.memref_slice %arg8[%add3A_402, %dma_start3A_409] : memref<125x80xi32, #tpu.memory_space<vmem>> -> memref<1x80xi32, #tpu.memory_space<vmem>>
        %dma_start3A_411 = tpu.memref_squeeze %dma_start3A_410 : memref<1x80xi32, #tpu.memory_space<vmem>> -> memref<80xi32, #tpu.memory_space<vmem>>
        %dma_start3A_412 = arith.constant 0 : i32
        %dma_start3A_413 = arith.constant 0 : i32
        %dma_start3A_414 = tpu.memref_slice %arg10[%dma_start3A_412, %dma_start3A_413] : memref<10000x64xf32, #tpu.memory_space<vmem_shared>> -> memref<10000x64xf32, #tpu.memory_space<vmem_shared>>
        %dma_start3A_415 = tpu.memref_slice %arg12[%dma_start3A_404] : memref<10x!tpu.dma_semaphore, #tpu.memory_space<semaphore_mem>> -> memref<1x!tpu.dma_semaphore, #tpu.memory_space<semaphore_mem>>
        %dma_start3A_416 = tpu.memref_squeeze %dma_start3A_415 : memref<1x!tpu.dma_semaphore, #tpu.memory_space<semaphore_mem>> -> memref<!tpu.dma_semaphore, #tpu.memory_space<semaphore_mem>>
        tpu.enqueue_indirect_dma source(%dma_start3A_408 : memref<80x64xf32, #tpu.memory_space<vmem>>) target(%dma_start3A_414 : memref<10000x64xf32, #tpu.memory_space<vmem_shared>>) offsets(%dma_start3A_411 : memref<80xi32, #tpu.memory_space<vmem>>) semaphore(%dma_start3A_416 : memref<!tpu.dma_semaphore, #tpu.memory_space<semaphore_mem>>) {add = true}
        %add3A_417 = arith.constant 1 : i32
        %add3A_418 = arith.addi %add3A_246, %add3A_417 : i32
        %lt3A_419 = arith.constant 25 : i32
        %lt3A_420 = arith.cmpi slt, %add3A_418, %lt3A_419 : i32
        %convert_element_type3A_421 = arith.extui %lt3A_420 : i1 to i32
        %cond3A_422 = arith.constant 0 : i32
        %cond3A_423 = arith.cmpi ne, %convert_element_type3A_421, %cond3A_422 : i32
        scf.if %cond3A_423 {
          %ge3A = arith.constant 1 : i32
          %ge3A_424 = arith.cmpi sge, %add3A_246, %ge3A : i32
          %convert_element_type3A_425 = arith.extui %ge3A_424 : i1 to i32
          %cond3A_426 = arith.constant 0 : i32
          %cond3A_427 = arith.cmpi ne, %convert_element_type3A_425, %cond3A_426 : i32
          scf.if %cond3A_427 {
            %dma_wait3A_548 = arith.constant 0 : i32
            %dma_wait3A_549 = arith.constant 0 : i32
            %dma_wait3A_550 = arith.constant 0 : i32
            %dma_wait3A_551 = arith.constant 0 : i32
            %dma_wait3A_552 = arith.constant 0 : i32
            %dma_wait3A_553 = tpu.memref_slice %arg9[%dma_wait3A_548, %dma_wait3A_551, %dma_wait3A_552] : memref<10x80x64xf32, #tpu.memory_space<vmem>> -> memref<1x80x64xf32, #tpu.memory_space<vmem>>
            %dma_wait3A_554 = tpu.memref_squeeze %dma_wait3A_553 : memref<1x80x64xf32, #tpu.memory_space<vmem>> -> memref<80x64xf32, #tpu.memory_space<vmem>>
            %dma_wait3A_555 = arith.constant 0 : i32
            %dma_wait3A_556 = tpu.memref_slice %arg8[%dma_wait3A_549, %dma_wait3A_555] : memref<125x80xi32, #tpu.memory_space<vmem>> -> memref<1x80xi32, #tpu.memory_space<vmem>>
            %dma_wait3A_557 = tpu.memref_squeeze %dma_wait3A_556 : memref<1x80xi32, #tpu.memory_space<vmem>> -> memref<80xi32, #tpu.memory_space<vmem>>
            %dma_wait3A_558 = arith.constant 0 : i32
            %dma_wait3A_559 = arith.constant 0 : i32
            %dma_wait3A_560 = tpu.memref_slice %arg10[%dma_wait3A_558, %dma_wait3A_559] : memref<10000x64xf32, #tpu.memory_space<vmem_shared>> -> memref<10000x64xf32, #tpu.memory_space<vmem_shared>>
            %dma_wait3A_561 = tpu.memref_slice %arg12[%dma_wait3A_550] : memref<10x!tpu.dma_semaphore, #tpu.memory_space<semaphore_mem>> -> memref<1x!tpu.dma_semaphore, #tpu.memory_space<semaphore_mem>>
            %dma_wait3A_562 = tpu.memref_squeeze %dma_wait3A_561 : memref<1x!tpu.dma_semaphore, #tpu.memory_space<semaphore_mem>> -> memref<!tpu.dma_semaphore, #tpu.memory_space<semaphore_mem>>
            tpu.wait_indirect_dma semaphore(%dma_wait3A_562 : memref<!tpu.dma_semaphore, #tpu.memory_space<semaphore_mem>>) src(%dma_wait3A_554 : memref<80x64xf32, #tpu.memory_space<vmem>>) dst(%dma_wait3A_560 : memref<10000x64xf32, #tpu.memory_space<vmem_shared>>)
          } else {
          }
          %add3A_428 = arith.constant 1 : i32
          %add3A_429 = arith.addi %add3A_246, %add3A_428 : i32
          %mul3A_430 = arith.constant 5 : i32
          %mul3A_431 = arith.muli %add3A_429, %mul3A_430 : i32
          %add3A_432 = arith.constant 0 : i32
          %add3A_433 = arith.addi %mul3A_431, %add3A_432 : i32
          %dma_start3A_434 = arith.constant 0 : i32
          %dma_start3A_435 = arith.constant 0 : i32
          %dma_start3A_436 = arith.constant 0 : i32
          %dma_start3A_437 = arith.constant 0 : i32
          %dma_start3A_438 = tpu.memref_slice %arg9[%dma_start3A_434, %dma_start3A_436, %dma_start3A_437] : memref<10x80x64xf32, #tpu.memory_space<vmem>> -> memref<1x80x64xf32, #tpu.memory_space<vmem>>
          %dma_start3A_439 = tpu.memref_squeeze %dma_start3A_438 : memref<1x80x64xf32, #tpu.memory_space<vmem>> -> memref<80x64xf32, #tpu.memory_space<vmem>>
          %dma_start3A_440 = arith.constant 0 : i32
          %dma_start3A_441 = tpu.memref_slice %arg7[%add3A_433, %dma_start3A_440] : memref<125x80xi32, #tpu.memory_space<vmem>> -> memref<1x80xi32, #tpu.memory_space<vmem>>
          %dma_start3A_442 = tpu.memref_squeeze %dma_start3A_441 : memref<1x80xi32, #tpu.memory_space<vmem>> -> memref<80xi32, #tpu.memory_space<vmem>>
          %dma_start3A_443 = arith.constant 0 : i32
          %dma_start3A_444 = arith.constant 0 : i32
          %dma_start3A_445 = tpu.memref_slice %arg2[%dma_start3A_443, %dma_start3A_444] : memref<10000x64xf32, #tpu.memory_space<hbm>> -> memref<10000x64xf32, #tpu.memory_space<hbm>>
          %dma_start3A_446 = tpu.memref_slice %arg11[%dma_start3A_435] : memref<10x!tpu.dma_semaphore, #tpu.memory_space<semaphore_mem>> -> memref<1x!tpu.dma_semaphore, #tpu.memory_space<semaphore_mem>>
          %dma_start3A_447 = tpu.memref_squeeze %dma_start3A_446 : memref<1x!tpu.dma_semaphore, #tpu.memory_space<semaphore_mem>> -> memref<!tpu.dma_semaphore, #tpu.memory_space<semaphore_mem>>
          tpu.enqueue_indirect_dma source(%dma_start3A_445 : memref<10000x64xf32, #tpu.memory_space<hbm>>) target(%dma_start3A_439 : memref<80x64xf32, #tpu.memory_space<vmem>>) offsets(%dma_start3A_442 : memref<80xi32, #tpu.memory_space<vmem>>) semaphore(%dma_start3A_447 : memref<!tpu.dma_semaphore, #tpu.memory_space<semaphore_mem>>)
          %ge3A_448 = arith.constant 1 : i32
          %ge3A_449 = arith.cmpi sge, %add3A_246, %ge3A_448 : i32
          %convert_element_type3A_450 = arith.extui %ge3A_449 : i1 to i32
          %cond3A_451 = arith.constant 0 : i32
          %cond3A_452 = arith.cmpi ne, %convert_element_type3A_450, %cond3A_451 : i32
          scf.if %cond3A_452 {
            %dma_wait3A_548 = arith.constant 1 : i32
            %dma_wait3A_549 = arith.constant 0 : i32
            %dma_wait3A_550 = arith.constant 1 : i32
            %dma_wait3A_551 = arith.constant 0 : i32
            %dma_wait3A_552 = arith.constant 0 : i32
            %dma_wait3A_553 = tpu.memref_slice %arg9[%dma_wait3A_548, %dma_wait3A_551, %dma_wait3A_552] : memref<10x80x64xf32, #tpu.memory_space<vmem>> -> memref<1x80x64xf32, #tpu.memory_space<vmem>>
            %dma_wait3A_554 = tpu.memref_squeeze %dma_wait3A_553 : memref<1x80x64xf32, #tpu.memory_space<vmem>> -> memref<80x64xf32, #tpu.memory_space<vmem>>
            %dma_wait3A_555 = arith.constant 0 : i32
            %dma_wait3A_556 = tpu.memref_slice %arg8[%dma_wait3A_549, %dma_wait3A_555] : memref<125x80xi32, #tpu.memory_space<vmem>> -> memref<1x80xi32, #tpu.memory_space<vmem>>
            %dma_wait3A_557 = tpu.memref_squeeze %dma_wait3A_556 : memref<1x80xi32, #tpu.memory_space<vmem>> -> memref<80xi32, #tpu.memory_space<vmem>>
            %dma_wait3A_558 = arith.constant 0 : i32
            %dma_wait3A_559 = arith.constant 0 : i32
            %dma_wait3A_560 = tpu.memref_slice %arg10[%dma_wait3A_558, %dma_wait3A_559] : memref<10000x64xf32, #tpu.memory_space<vmem_shared>> -> memref<10000x64xf32, #tpu.memory_space<vmem_shared>>
            %dma_wait3A_561 = tpu.memref_slice %arg12[%dma_wait3A_550] : memref<10x!tpu.dma_semaphore, #tpu.memory_space<semaphore_mem>> -> memref<1x!tpu.dma_semaphore, #tpu.memory_space<semaphore_mem>>
            %dma_wait3A_562 = tpu.memref_squeeze %dma_wait3A_561 : memref<1x!tpu.dma_semaphore, #tpu.memory_space<semaphore_mem>> -> memref<!tpu.dma_semaphore, #tpu.memory_space<semaphore_mem>>
            tpu.wait_indirect_dma semaphore(%dma_wait3A_562 : memref<!tpu.dma_semaphore, #tpu.memory_space<semaphore_mem>>) src(%dma_wait3A_554 : memref<80x64xf32, #tpu.memory_space<vmem>>) dst(%dma_wait3A_560 : memref<10000x64xf32, #tpu.memory_space<vmem_shared>>)
          } else {
          }
          %add3A_453 = arith.constant 1 : i32
          %add3A_454 = arith.addi %add3A_246, %add3A_453 : i32
          %mul3A_455 = arith.constant 5 : i32
          %mul3A_456 = arith.muli %add3A_454, %mul3A_455 : i32
          %add3A_457 = arith.constant 1 : i32
          %add3A_458 = arith.addi %mul3A_456, %add3A_457 : i32
          %dma_start3A_459 = arith.constant 1 : i32
          %dma_start3A_460 = arith.constant 1 : i32
          %dma_start3A_461 = arith.constant 0 : i32
          %dma_start3A_462 = arith.constant 0 : i32
          %dma_start3A_463 = tpu.memref_slice %arg9[%dma_start3A_459, %dma_start3A_461, %dma_start3A_462] : memref<10x80x64xf32, #tpu.memory_space<vmem>> -> memref<1x80x64xf32, #tpu.memory_space<vmem>>
          %dma_start3A_464 = tpu.memref_squeeze %dma_start3A_463 : memref<1x80x64xf32, #tpu.memory_space<vmem>> -> memref<80x64xf32, #tpu.memory_space<vmem>>
          %dma_start3A_465 = arith.constant 0 : i32
          %dma_start3A_466 = tpu.memref_slice %arg7[%add3A_458, %dma_start3A_465] : memref<125x80xi32, #tpu.memory_space<vmem>> -> memref<1x80xi32, #tpu.memory_space<vmem>>
          %dma_start3A_467 = tpu.memref_squeeze %dma_start3A_466 : memref<1x80xi32, #tpu.memory_space<vmem>> -> memref<80xi32, #tpu.memory_space<vmem>>
          %dma_start3A_468 = arith.constant 0 : i32
          %dma_start3A_469 = arith.constant 0 : i32
          %dma_start3A_470 = tpu.memref_slice %arg2[%dma_start3A_468, %dma_start3A_469] : memref<10000x64xf32, #tpu.memory_space<hbm>> -> memref<10000x64xf32, #tpu.memory_space<hbm>>
          %dma_start3A_471 = tpu.memref_slice %arg11[%dma_start3A_460] : memref<10x!tpu.dma_semaphore, #tpu.memory_space<semaphore_mem>> -> memref<1x!tpu.dma_semaphore, #tpu.memory_space<semaphore_mem>>
          %dma_start3A_472 = tpu.memref_squeeze %dma_start3A_471 : memref<1x!tpu.dma_semaphore, #tpu.memory_space<semaphore_mem>> -> memref<!tpu.dma_semaphore, #tpu.memory_space<semaphore_mem>>
          tpu.enqueue_indirect_dma source(%dma_start3A_470 : memref<10000x64xf32, #tpu.memory_space<hbm>>) target(%dma_start3A_464 : memref<80x64xf32, #tpu.memory_space<vmem>>) offsets(%dma_start3A_467 : memref<80xi32, #tpu.memory_space<vmem>>) semaphore(%dma_start3A_472 : memref<!tpu.dma_semaphore, #tpu.memory_space<semaphore_mem>>)
          %ge3A_473 = arith.constant 1 : i32
          %ge3A_474 = arith.cmpi sge, %add3A_246, %ge3A_473 : i32
          %convert_element_type3A_475 = arith.extui %ge3A_474 : i1 to i32
          %cond3A_476 = arith.constant 0 : i32
          %cond3A_477 = arith.cmpi ne, %convert_element_type3A_475, %cond3A_476 : i32
          scf.if %cond3A_477 {
            %dma_wait3A_548 = arith.constant 2 : i32
            %dma_wait3A_549 = arith.constant 0 : i32
            %dma_wait3A_550 = arith.constant 2 : i32
            %dma_wait3A_551 = arith.constant 0 : i32
            %dma_wait3A_552 = arith.constant 0 : i32
            %dma_wait3A_553 = tpu.memref_slice %arg9[%dma_wait3A_548, %dma_wait3A_551, %dma_wait3A_552] : memref<10x80x64xf32, #tpu.memory_space<vmem>> -> memref<1x80x64xf32, #tpu.memory_space<vmem>>
            %dma_wait3A_554 = tpu.memref_squeeze %dma_wait3A_553 : memref<1x80x64xf32, #tpu.memory_space<vmem>> -> memref<80x64xf32, #tpu.memory_space<vmem>>
            %dma_wait3A_555 = arith.constant 0 : i32
            %dma_wait3A_556 = tpu.memref_slice %arg8[%dma_wait3A_549, %dma_wait3A_555] : memref<125x80xi32, #tpu.memory_space<vmem>> -> memref<1x80xi32, #tpu.memory_space<vmem>>
            %dma_wait3A_557 = tpu.memref_squeeze %dma_wait3A_556 : memref<1x80xi32, #tpu.memory_space<vmem>> -> memref<80xi32, #tpu.memory_space<vmem>>
            %dma_wait3A_558 = arith.constant 0 : i32
            %dma_wait3A_559 = arith.constant 0 : i32
            %dma_wait3A_560 = tpu.memref_slice %arg10[%dma_wait3A_558, %dma_wait3A_559] : memref<10000x64xf32, #tpu.memory_space<vmem_shared>> -> memref<10000x64xf32, #tpu.memory_space<vmem_shared>>
            %dma_wait3A_561 = tpu.memref_slice %arg12[%dma_wait3A_550] : memref<10x!tpu.dma_semaphore, #tpu.memory_space<semaphore_mem>> -> memref<1x!tpu.dma_semaphore, #tpu.memory_space<semaphore_mem>>
            %dma_wait3A_562 = tpu.memref_squeeze %dma_wait3A_561 : memref<1x!tpu.dma_semaphore, #tpu.memory_space<semaphore_mem>> -> memref<!tpu.dma_semaphore, #tpu.memory_space<semaphore_mem>>
            tpu.wait_indirect_dma semaphore(%dma_wait3A_562 : memref<!tpu.dma_semaphore, #tpu.memory_space<semaphore_mem>>) src(%dma_wait3A_554 : memref<80x64xf32, #tpu.memory_space<vmem>>) dst(%dma_wait3A_560 : memref<10000x64xf32, #tpu.memory_space<vmem_shared>>)
          } else {
          }
          %add3A_478 = arith.constant 1 : i32
          %add3A_479 = arith.addi %add3A_246, %add3A_478 : i32
          %mul3A_480 = arith.constant 5 : i32
          %mul3A_481 = arith.muli %add3A_479, %mul3A_480 : i32
          %add3A_482 = arith.constant 2 : i32
          %add3A_483 = arith.addi %mul3A_481, %add3A_482 : i32
          %dma_start3A_484 = arith.constant 2 : i32
          %dma_start3A_485 = arith.constant 2 : i32
          %dma_start3A_486 = arith.constant 0 : i32
          %dma_start3A_487 = arith.constant 0 : i32
          %dma_start3A_488 = tpu.memref_slice %arg9[%dma_start3A_484, %dma_start3A_486, %dma_start3A_487] : memref<10x80x64xf32, #tpu.memory_space<vmem>> -> memref<1x80x64xf32, #tpu.memory_space<vmem>>
          %dma_start3A_489 = tpu.memref_squeeze %dma_start3A_488 : memref<1x80x64xf32, #tpu.memory_space<vmem>> -> memref<80x64xf32, #tpu.memory_space<vmem>>
          %dma_start3A_490 = arith.constant 0 : i32
          %dma_start3A_491 = tpu.memref_slice %arg7[%add3A_483, %dma_start3A_490] : memref<125x80xi32, #tpu.memory_space<vmem>> -> memref<1x80xi32, #tpu.memory_space<vmem>>
          %dma_start3A_492 = tpu.memref_squeeze %dma_start3A_491 : memref<1x80xi32, #tpu.memory_space<vmem>> -> memref<80xi32, #tpu.memory_space<vmem>>
          %dma_start3A_493 = arith.constant 0 : i32
          %dma_start3A_494 = arith.constant 0 : i32
          %dma_start3A_495 = tpu.memref_slice %arg2[%dma_start3A_493, %dma_start3A_494] : memref<10000x64xf32, #tpu.memory_space<hbm>> -> memref<10000x64xf32, #tpu.memory_space<hbm>>
          %dma_start3A_496 = tpu.memref_slice %arg11[%dma_start3A_485] : memref<10x!tpu.dma_semaphore, #tpu.memory_space<semaphore_mem>> -> memref<1x!tpu.dma_semaphore, #tpu.memory_space<semaphore_mem>>
          %dma_start3A_497 = tpu.memref_squeeze %dma_start3A_496 : memref<1x!tpu.dma_semaphore, #tpu.memory_space<semaphore_mem>> -> memref<!tpu.dma_semaphore, #tpu.memory_space<semaphore_mem>>
          tpu.enqueue_indirect_dma source(%dma_start3A_495 : memref<10000x64xf32, #tpu.memory_space<hbm>>) target(%dma_start3A_489 : memref<80x64xf32, #tpu.memory_space<vmem>>) offsets(%dma_start3A_492 : memref<80xi32, #tpu.memory_space<vmem>>) semaphore(%dma_start3A_497 : memref<!tpu.dma_semaphore, #tpu.memory_space<semaphore_mem>>)
          %ge3A_498 = arith.constant 1 : i32
          %ge3A_499 = arith.cmpi sge, %add3A_246, %ge3A_498 : i32
          %convert_element_type3A_500 = arith.extui %ge3A_499 : i1 to i32
          %cond3A_501 = arith.constant 0 : i32
          %cond3A_502 = arith.cmpi ne, %convert_element_type3A_500, %cond3A_501 : i32
          scf.if %cond3A_502 {
            %dma_wait3A_548 = arith.constant 3 : i32
            %dma_wait3A_549 = arith.constant 0 : i32
            %dma_wait3A_550 = arith.constant 3 : i32
            %dma_wait3A_551 = arith.constant 0 : i32
            %dma_wait3A_552 = arith.constant 0 : i32
            %dma_wait3A_553 = tpu.memref_slice %arg9[%dma_wait3A_548, %dma_wait3A_551, %dma_wait3A_552] : memref<10x80x64xf32, #tpu.memory_space<vmem>> -> memref<1x80x64xf32, #tpu.memory_space<vmem>>
            %dma_wait3A_554 = tpu.memref_squeeze %dma_wait3A_553 : memref<1x80x64xf32, #tpu.memory_space<vmem>> -> memref<80x64xf32, #tpu.memory_space<vmem>>
            %dma_wait3A_555 = arith.constant 0 : i32
            %dma_wait3A_556 = tpu.memref_slice %arg8[%dma_wait3A_549, %dma_wait3A_555] : memref<125x80xi32, #tpu.memory_space<vmem>> -> memref<1x80xi32, #tpu.memory_space<vmem>>
            %dma_wait3A_557 = tpu.memref_squeeze %dma_wait3A_556 : memref<1x80xi32, #tpu.memory_space<vmem>> -> memref<80xi32, #tpu.memory_space<vmem>>
            %dma_wait3A_558 = arith.constant 0 : i32
            %dma_wait3A_559 = arith.constant 0 : i32
            %dma_wait3A_560 = tpu.memref_slice %arg10[%dma_wait3A_558, %dma_wait3A_559] : memref<10000x64xf32, #tpu.memory_space<vmem_shared>> -> memref<10000x64xf32, #tpu.memory_space<vmem_shared>>
            %dma_wait3A_561 = tpu.memref_slice %arg12[%dma_wait3A_550] : memref<10x!tpu.dma_semaphore, #tpu.memory_space<semaphore_mem>> -> memref<1x!tpu.dma_semaphore, #tpu.memory_space<semaphore_mem>>
            %dma_wait3A_562 = tpu.memref_squeeze %dma_wait3A_561 : memref<1x!tpu.dma_semaphore, #tpu.memory_space<semaphore_mem>> -> memref<!tpu.dma_semaphore, #tpu.memory_space<semaphore_mem>>
            tpu.wait_indirect_dma semaphore(%dma_wait3A_562 : memref<!tpu.dma_semaphore, #tpu.memory_space<semaphore_mem>>) src(%dma_wait3A_554 : memref<80x64xf32, #tpu.memory_space<vmem>>) dst(%dma_wait3A_560 : memref<10000x64xf32, #tpu.memory_space<vmem_shared>>)
          } else {
          }
          %add3A_503 = arith.constant 1 : i32
          %add3A_504 = arith.addi %add3A_246, %add3A_503 : i32
          %mul3A_505 = arith.constant 5 : i32
          %mul3A_506 = arith.muli %add3A_504, %mul3A_505 : i32
          %add3A_507 = arith.constant 3 : i32
          %add3A_508 = arith.addi %mul3A_506, %add3A_507 : i32
          %dma_start3A_509 = arith.constant 3 : i32
          %dma_start3A_510 = arith.constant 3 : i32
          %dma_start3A_511 = arith.constant 0 : i32
          %dma_start3A_512 = arith.constant 0 : i32
          %dma_start3A_513 = tpu.memref_slice %arg9[%dma_start3A_509, %dma_start3A_511, %dma_start3A_512] : memref<10x80x64xf32, #tpu.memory_space<vmem>> -> memref<1x80x64xf32, #tpu.memory_space<vmem>>
          %dma_start3A_514 = tpu.memref_squeeze %dma_start3A_513 : memref<1x80x64xf32, #tpu.memory_space<vmem>> -> memref<80x64xf32, #tpu.memory_space<vmem>>
          %dma_start3A_515 = arith.constant 0 : i32
          %dma_start3A_516 = tpu.memref_slice %arg7[%add3A_508, %dma_start3A_515] : memref<125x80xi32, #tpu.memory_space<vmem>> -> memref<1x80xi32, #tpu.memory_space<vmem>>
          %dma_start3A_517 = tpu.memref_squeeze %dma_start3A_516 : memref<1x80xi32, #tpu.memory_space<vmem>> -> memref<80xi32, #tpu.memory_space<vmem>>
          %dma_start3A_518 = arith.constant 0 : i32
          %dma_start3A_519 = arith.constant 0 : i32
          %dma_start3A_520 = tpu.memref_slice %arg2[%dma_start3A_518, %dma_start3A_519] : memref<10000x64xf32, #tpu.memory_space<hbm>> -> memref<10000x64xf32, #tpu.memory_space<hbm>>
          %dma_start3A_521 = tpu.memref_slice %arg11[%dma_start3A_510] : memref<10x!tpu.dma_semaphore, #tpu.memory_space<semaphore_mem>> -> memref<1x!tpu.dma_semaphore, #tpu.memory_space<semaphore_mem>>
          %dma_start3A_522 = tpu.memref_squeeze %dma_start3A_521 : memref<1x!tpu.dma_semaphore, #tpu.memory_space<semaphore_mem>> -> memref<!tpu.dma_semaphore, #tpu.memory_space<semaphore_mem>>
          tpu.enqueue_indirect_dma source(%dma_start3A_520 : memref<10000x64xf32, #tpu.memory_space<hbm>>) target(%dma_start3A_514 : memref<80x64xf32, #tpu.memory_space<vmem>>) offsets(%dma_start3A_517 : memref<80xi32, #tpu.memory_space<vmem>>) semaphore(%dma_start3A_522 : memref<!tpu.dma_semaphore, #tpu.memory_space<semaphore_mem>>)
          %ge3A_523 = arith.constant 1 : i32
          %ge3A_524 = arith.cmpi sge, %add3A_246, %ge3A_523 : i32
          %convert_element_type3A_525 = arith.extui %ge3A_524 : i1 to i32
          %cond3A_526 = arith.constant 0 : i32
          %cond3A_527 = arith.cmpi ne, %convert_element_type3A_525, %cond3A_526 : i32
          scf.if %cond3A_527 {
            %dma_wait3A_548 = arith.constant 4 : i32
            %dma_wait3A_549 = arith.constant 0 : i32
            %dma_wait3A_550 = arith.constant 4 : i32
            %dma_wait3A_551 = arith.constant 0 : i32
            %dma_wait3A_552 = arith.constant 0 : i32
            %dma_wait3A_553 = tpu.memref_slice %arg9[%dma_wait3A_548, %dma_wait3A_551, %dma_wait3A_552] : memref<10x80x64xf32, #tpu.memory_space<vmem>> -> memref<1x80x64xf32, #tpu.memory_space<vmem>>
            %dma_wait3A_554 = tpu.memref_squeeze %dma_wait3A_553 : memref<1x80x64xf32, #tpu.memory_space<vmem>> -> memref<80x64xf32, #tpu.memory_space<vmem>>
            %dma_wait3A_555 = arith.constant 0 : i32
            %dma_wait3A_556 = tpu.memref_slice %arg8[%dma_wait3A_549, %dma_wait3A_555] : memref<125x80xi32, #tpu.memory_space<vmem>> -> memref<1x80xi32, #tpu.memory_space<vmem>>
            %dma_wait3A_557 = tpu.memref_squeeze %dma_wait3A_556 : memref<1x80xi32, #tpu.memory_space<vmem>> -> memref<80xi32, #tpu.memory_space<vmem>>
            %dma_wait3A_558 = arith.constant 0 : i32
            %dma_wait3A_559 = arith.constant 0 : i32
            %dma_wait3A_560 = tpu.memref_slice %arg10[%dma_wait3A_558, %dma_wait3A_559] : memref<10000x64xf32, #tpu.memory_space<vmem_shared>> -> memref<10000x64xf32, #tpu.memory_space<vmem_shared>>
            %dma_wait3A_561 = tpu.memref_slice %arg12[%dma_wait3A_550] : memref<10x!tpu.dma_semaphore, #tpu.memory_space<semaphore_mem>> -> memref<1x!tpu.dma_semaphore, #tpu.memory_space<semaphore_mem>>
            %dma_wait3A_562 = tpu.memref_squeeze %dma_wait3A_561 : memref<1x!tpu.dma_semaphore, #tpu.memory_space<semaphore_mem>> -> memref<!tpu.dma_semaphore, #tpu.memory_space<semaphore_mem>>
            tpu.wait_indirect_dma semaphore(%dma_wait3A_562 : memref<!tpu.dma_semaphore, #tpu.memory_space<semaphore_mem>>) src(%dma_wait3A_554 : memref<80x64xf32, #tpu.memory_space<vmem>>) dst(%dma_wait3A_560 : memref<10000x64xf32, #tpu.memory_space<vmem_shared>>)
          } else {
          }
          %add3A_528 = arith.constant 1 : i32
          %add3A_529 = arith.addi %add3A_246, %add3A_528 : i32
          %mul3A_530 = arith.constant 5 : i32
          %mul3A_531 = arith.muli %add3A_529, %mul3A_530 : i32
          %add3A_532 = arith.constant 4 : i32
          %add3A_533 = arith.addi %mul3A_531, %add3A_532 : i32
          %dma_start3A_534 = arith.constant 4 : i32
          %dma_start3A_535 = arith.constant 4 : i32
          %dma_start3A_536 = arith.constant 0 : i32
          %dma_start3A_537 = arith.constant 0 : i32
          %dma_start3A_538 = tpu.memref_slice %arg9[%dma_start3A_534, %dma_start3A_536, %dma_start3A_537] : memref<10x80x64xf32, #tpu.memory_space<vmem>> -> memref<1x80x64xf32, #tpu.memory_space<vmem>>
          %dma_start3A_539 = tpu.memref_squeeze %dma_start3A_538 : memref<1x80x64xf32, #tpu.memory_space<vmem>> -> memref<80x64xf32, #tpu.memory_space<vmem>>
          %dma_start3A_540 = arith.constant 0 : i32
          %dma_start3A_541 = tpu.memref_slice %arg7[%add3A_533, %dma_start3A_540] : memref<125x80xi32, #tpu.memory_space<vmem>> -> memref<1x80xi32, #tpu.memory_space<vmem>>
          %dma_start3A_542 = tpu.memref_squeeze %dma_start3A_541 : memref<1x80xi32, #tpu.memory_space<vmem>> -> memref<80xi32, #tpu.memory_space<vmem>>
          %dma_start3A_543 = arith.constant 0 : i32
          %dma_start3A_544 = arith.constant 0 : i32
          %dma_start3A_545 = tpu.memref_slice %arg2[%dma_start3A_543, %dma_start3A_544] : memref<10000x64xf32, #tpu.memory_space<hbm>> -> memref<10000x64xf32, #tpu.memory_space<hbm>>
          %dma_start3A_546 = tpu.memref_slice %arg11[%dma_start3A_535] : memref<10x!tpu.dma_semaphore, #tpu.memory_space<semaphore_mem>> -> memref<1x!tpu.dma_semaphore, #tpu.memory_space<semaphore_mem>>
          %dma_start3A_547 = tpu.memref_squeeze %dma_start3A_546 : memref<1x!tpu.dma_semaphore, #tpu.memory_space<semaphore_mem>> -> memref<!tpu.dma_semaphore, #tpu.memory_space<semaphore_mem>>
          tpu.enqueue_indirect_dma source(%dma_start3A_545 : memref<10000x64xf32, #tpu.memory_space<hbm>>) target(%dma_start3A_539 : memref<80x64xf32, #tpu.memory_space<vmem>>) offsets(%dma_start3A_542 : memref<80xi32, #tpu.memory_space<vmem>>) semaphore(%dma_start3A_547 : memref<!tpu.dma_semaphore, #tpu.memory_space<semaphore_mem>>)
        } else {
        }
      } else {
      }
    }
    %scan3A_81 = arith.constant 13 : i32
    %dma_wait3A = arith.constant 0 : i32
    %dma_wait3A_82 = arith.constant 0 : i32
    %dma_wait3A_83 = arith.constant 0 : i32
    %dma_wait3A_84 = arith.constant 0 : i32
    %dma_wait3A_85 = arith.constant 0 : i32
    %dma_wait3A_86 = tpu.memref_slice %arg9[%dma_wait3A, %dma_wait3A_84, %dma_wait3A_85] : memref<10x80x64xf32, #tpu.memory_space<vmem>> -> memref<1x80x64xf32, #tpu.memory_space<vmem>>
    %dma_wait3A_87 = tpu.memref_squeeze %dma_wait3A_86 : memref<1x80x64xf32, #tpu.memory_space<vmem>> -> memref<80x64xf32, #tpu.memory_space<vmem>>
    %dma_wait3A_88 = arith.constant 0 : i32
    %dma_wait3A_89 = tpu.memref_slice %arg8[%dma_wait3A_82, %dma_wait3A_88] : memref<125x80xi32, #tpu.memory_space<vmem>> -> memref<1x80xi32, #tpu.memory_space<vmem>>
    %dma_wait3A_90 = tpu.memref_squeeze %dma_wait3A_89 : memref<1x80xi32, #tpu.memory_space<vmem>> -> memref<80xi32, #tpu.memory_space<vmem>>
    %dma_wait3A_91 = arith.constant 0 : i32
    %dma_wait3A_92 = arith.constant 0 : i32
    %dma_wait3A_93 = tpu.memref_slice %arg10[%dma_wait3A_91, %dma_wait3A_92] : memref<10000x64xf32, #tpu.memory_space<vmem_shared>> -> memref<10000x64xf32, #tpu.memory_space<vmem_shared>>
    %dma_wait3A_94 = tpu.memref_slice %arg12[%dma_wait3A_83] : memref<10x!tpu.dma_semaphore, #tpu.memory_space<semaphore_mem>> -> memref<1x!tpu.dma_semaphore, #tpu.memory_space<semaphore_mem>>
    %dma_wait3A_95 = tpu.memref_squeeze %dma_wait3A_94 : memref<1x!tpu.dma_semaphore, #tpu.memory_space<semaphore_mem>> -> memref<!tpu.dma_semaphore, #tpu.memory_space<semaphore_mem>>
    tpu.wait_indirect_dma semaphore(%dma_wait3A_95 : memref<!tpu.dma_semaphore, #tpu.memory_space<semaphore_mem>>) src(%dma_wait3A_87 : memref<80x64xf32, #tpu.memory_space<vmem>>) dst(%dma_wait3A_93 : memref<10000x64xf32, #tpu.memory_space<vmem_shared>>)
    %dma_wait3A_96 = arith.constant 1 : i32
    %dma_wait3A_97 = arith.constant 0 : i32
    %dma_wait3A_98 = arith.constant 1 : i32
    %dma_wait3A_99 = arith.constant 0 : i32
    %dma_wait3A_100 = arith.constant 0 : i32
    %dma_wait3A_101 = tpu.memref_slice %arg9[%dma_wait3A_96, %dma_wait3A_99, %dma_wait3A_100] : memref<10x80x64xf32, #tpu.memory_space<vmem>> -> memref<1x80x64xf32, #tpu.memory_space<vmem>>
    %dma_wait3A_102 = tpu.memref_squeeze %dma_wait3A_101 : memref<1x80x64xf32, #tpu.memory_space<vmem>> -> memref<80x64xf32, #tpu.memory_space<vmem>>
    %dma_wait3A_103 = arith.constant 0 : i32
    %dma_wait3A_104 = tpu.memref_slice %arg8[%dma_wait3A_97, %dma_wait3A_103] : memref<125x80xi32, #tpu.memory_space<vmem>> -> memref<1x80xi32, #tpu.memory_space<vmem>>
    %dma_wait3A_105 = tpu.memref_squeeze %dma_wait3A_104 : memref<1x80xi32, #tpu.memory_space<vmem>> -> memref<80xi32, #tpu.memory_space<vmem>>
    %dma_wait3A_106 = arith.constant 0 : i32
    %dma_wait3A_107 = arith.constant 0 : i32
    %dma_wait3A_108 = tpu.memref_slice %arg10[%dma_wait3A_106, %dma_wait3A_107] : memref<10000x64xf32, #tpu.memory_space<vmem_shared>> -> memref<10000x64xf32, #tpu.memory_space<vmem_shared>>
    %dma_wait3A_109 = tpu.memref_slice %arg12[%dma_wait3A_98] : memref<10x!tpu.dma_semaphore, #tpu.memory_space<semaphore_mem>> -> memref<1x!tpu.dma_semaphore, #tpu.memory_space<semaphore_mem>>
    %dma_wait3A_110 = tpu.memref_squeeze %dma_wait3A_109 : memref<1x!tpu.dma_semaphore, #tpu.memory_space<semaphore_mem>> -> memref<!tpu.dma_semaphore, #tpu.memory_space<semaphore_mem>>
    tpu.wait_indirect_dma semaphore(%dma_wait3A_110 : memref<!tpu.dma_semaphore, #tpu.memory_space<semaphore_mem>>) src(%dma_wait3A_102 : memref<80x64xf32, #tpu.memory_space<vmem>>) dst(%dma_wait3A_108 : memref<10000x64xf32, #tpu.memory_space<vmem_shared>>)
    %dma_wait3A_111 = arith.constant 2 : i32
    %dma_wait3A_112 = arith.constant 0 : i32
    %dma_wait3A_113 = arith.constant 2 : i32
    %dma_wait3A_114 = arith.constant 0 : i32
    %dma_wait3A_115 = arith.constant 0 : i32
    %dma_wait3A_116 = tpu.memref_slice %arg9[%dma_wait3A_111, %dma_wait3A_114, %dma_wait3A_115] : memref<10x80x64xf32, #tpu.memory_space<vmem>> -> memref<1x80x64xf32, #tpu.memory_space<vmem>>
    %dma_wait3A_117 = tpu.memref_squeeze %dma_wait3A_116 : memref<1x80x64xf32, #tpu.memory_space<vmem>> -> memref<80x64xf32, #tpu.memory_space<vmem>>
    %dma_wait3A_118 = arith.constant 0 : i32
    %dma_wait3A_119 = tpu.memref_slice %arg8[%dma_wait3A_112, %dma_wait3A_118] : memref<125x80xi32, #tpu.memory_space<vmem>> -> memref<1x80xi32, #tpu.memory_space<vmem>>
    %dma_wait3A_120 = tpu.memref_squeeze %dma_wait3A_119 : memref<1x80xi32, #tpu.memory_space<vmem>> -> memref<80xi32, #tpu.memory_space<vmem>>
    %dma_wait3A_121 = arith.constant 0 : i32
    %dma_wait3A_122 = arith.constant 0 : i32
    %dma_wait3A_123 = tpu.memref_slice %arg10[%dma_wait3A_121, %dma_wait3A_122] : memref<10000x64xf32, #tpu.memory_space<vmem_shared>> -> memref<10000x64xf32, #tpu.memory_space<vmem_shared>>
    %dma_wait3A_124 = tpu.memref_slice %arg12[%dma_wait3A_113] : memref<10x!tpu.dma_semaphore, #tpu.memory_space<semaphore_mem>> -> memref<1x!tpu.dma_semaphore, #tpu.memory_space<semaphore_mem>>
    %dma_wait3A_125 = tpu.memref_squeeze %dma_wait3A_124 : memref<1x!tpu.dma_semaphore, #tpu.memory_space<semaphore_mem>> -> memref<!tpu.dma_semaphore, #tpu.memory_space<semaphore_mem>>
    tpu.wait_indirect_dma semaphore(%dma_wait3A_125 : memref<!tpu.dma_semaphore, #tpu.memory_space<semaphore_mem>>) src(%dma_wait3A_117 : memref<80x64xf32, #tpu.memory_space<vmem>>) dst(%dma_wait3A_123 : memref<10000x64xf32, #tpu.memory_space<vmem_shared>>)
    %dma_wait3A_126 = arith.constant 3 : i32
    %dma_wait3A_127 = arith.constant 0 : i32
    %dma_wait3A_128 = arith.constant 3 : i32
    %dma_wait3A_129 = arith.constant 0 : i32
    %dma_wait3A_130 = arith.constant 0 : i32
    %dma_wait3A_131 = tpu.memref_slice %arg9[%dma_wait3A_126, %dma_wait3A_129, %dma_wait3A_130] : memref<10x80x64xf32, #tpu.memory_space<vmem>> -> memref<1x80x64xf32, #tpu.memory_space<vmem>>
    %dma_wait3A_132 = tpu.memref_squeeze %dma_wait3A_131 : memref<1x80x64xf32, #tpu.memory_space<vmem>> -> memref<80x64xf32, #tpu.memory_space<vmem>>
    %dma_wait3A_133 = arith.constant 0 : i32
    %dma_wait3A_134 = tpu.memref_slice %arg8[%dma_wait3A_127, %dma_wait3A_133] : memref<125x80xi32, #tpu.memory_space<vmem>> -> memref<1x80xi32, #tpu.memory_space<vmem>>
    %dma_wait3A_135 = tpu.memref_squeeze %dma_wait3A_134 : memref<1x80xi32, #tpu.memory_space<vmem>> -> memref<80xi32, #tpu.memory_space<vmem>>
    %dma_wait3A_136 = arith.constant 0 : i32
    %dma_wait3A_137 = arith.constant 0 : i32
    %dma_wait3A_138 = tpu.memref_slice %arg10[%dma_wait3A_136, %dma_wait3A_137] : memref<10000x64xf32, #tpu.memory_space<vmem_shared>> -> memref<10000x64xf32, #tpu.memory_space<vmem_shared>>
    %dma_wait3A_139 = tpu.memref_slice %arg12[%dma_wait3A_128] : memref<10x!tpu.dma_semaphore, #tpu.memory_space<semaphore_mem>> -> memref<1x!tpu.dma_semaphore, #tpu.memory_space<semaphore_mem>>
    %dma_wait3A_140 = tpu.memref_squeeze %dma_wait3A_139 : memref<1x!tpu.dma_semaphore, #tpu.memory_space<semaphore_mem>> -> memref<!tpu.dma_semaphore, #tpu.memory_space<semaphore_mem>>
    tpu.wait_indirect_dma semaphore(%dma_wait3A_140 : memref<!tpu.dma_semaphore, #tpu.memory_space<semaphore_mem>>) src(%dma_wait3A_132 : memref<80x64xf32, #tpu.memory_space<vmem>>) dst(%dma_wait3A_138 : memref<10000x64xf32, #tpu.memory_space<vmem_shared>>)
    %dma_wait3A_141 = arith.constant 4 : i32
    %dma_wait3A_142 = arith.constant 0 : i32
    %dma_wait3A_143 = arith.constant 4 : i32
    %dma_wait3A_144 = arith.constant 0 : i32
    %dma_wait3A_145 = arith.constant 0 : i32
    %dma_wait3A_146 = tpu.memref_slice %arg9[%dma_wait3A_141, %dma_wait3A_144, %dma_wait3A_145] : memref<10x80x64xf32, #tpu.memory_space<vmem>> -> memref<1x80x64xf32, #tpu.memory_space<vmem>>
    %dma_wait3A_147 = tpu.memref_squeeze %dma_wait3A_146 : memref<1x80x64xf32, #tpu.memory_space<vmem>> -> memref<80x64xf32, #tpu.memory_space<vmem>>
    %dma_wait3A_148 = arith.constant 0 : i32
    %dma_wait3A_149 = tpu.memref_slice %arg8[%dma_wait3A_142, %dma_wait3A_148] : memref<125x80xi32, #tpu.memory_space<vmem>> -> memref<1x80xi32, #tpu.memory_space<vmem>>
    %dma_wait3A_150 = tpu.memref_squeeze %dma_wait3A_149 : memref<1x80xi32, #tpu.memory_space<vmem>> -> memref<80xi32, #tpu.memory_space<vmem>>
    %dma_wait3A_151 = arith.constant 0 : i32
    %dma_wait3A_152 = arith.constant 0 : i32
    %dma_wait3A_153 = tpu.memref_slice %arg10[%dma_wait3A_151, %dma_wait3A_152] : memref<10000x64xf32, #tpu.memory_space<vmem_shared>> -> memref<10000x64xf32, #tpu.memory_space<vmem_shared>>
    %dma_wait3A_154 = tpu.memref_slice %arg12[%dma_wait3A_143] : memref<10x!tpu.dma_semaphore, #tpu.memory_space<semaphore_mem>> -> memref<1x!tpu.dma_semaphore, #tpu.memory_space<semaphore_mem>>
    %dma_wait3A_155 = tpu.memref_squeeze %dma_wait3A_154 : memref<1x!tpu.dma_semaphore, #tpu.memory_space<semaphore_mem>> -> memref<!tpu.dma_semaphore, #tpu.memory_space<semaphore_mem>>
    tpu.wait_indirect_dma semaphore(%dma_wait3A_155 : memref<!tpu.dma_semaphore, #tpu.memory_space<semaphore_mem>>) src(%dma_wait3A_147 : memref<80x64xf32, #tpu.memory_space<vmem>>) dst(%dma_wait3A_153 : memref<10000x64xf32, #tpu.memory_space<vmem_shared>>)
    %dma_wait3A_156 = arith.constant 5 : i32
    %dma_wait3A_157 = arith.constant 0 : i32
    %dma_wait3A_158 = arith.constant 5 : i32
    %dma_wait3A_159 = arith.constant 0 : i32
    %dma_wait3A_160 = arith.constant 0 : i32
    %dma_wait3A_161 = tpu.memref_slice %arg9[%dma_wait3A_156, %dma_wait3A_159, %dma_wait3A_160] : memref<10x80x64xf32, #tpu.memory_space<vmem>> -> memref<1x80x64xf32, #tpu.memory_space<vmem>>
    %dma_wait3A_162 = tpu.memref_squeeze %dma_wait3A_161 : memref<1x80x64xf32, #tpu.memory_space<vmem>> -> memref<80x64xf32, #tpu.memory_space<vmem>>
    %dma_wait3A_163 = arith.constant 0 : i32
    %dma_wait3A_164 = tpu.memref_slice %arg8[%dma_wait3A_157, %dma_wait3A_163] : memref<125x80xi32, #tpu.memory_space<vmem>> -> memref<1x80xi32, #tpu.memory_space<vmem>>
    %dma_wait3A_165 = tpu.memref_squeeze %dma_wait3A_164 : memref<1x80xi32, #tpu.memory_space<vmem>> -> memref<80xi32, #tpu.memory_space<vmem>>
    %dma_wait3A_166 = arith.constant 0 : i32
    %dma_wait3A_167 = arith.constant 0 : i32
    %dma_wait3A_168 = tpu.memref_slice %arg10[%dma_wait3A_166, %dma_wait3A_167] : memref<10000x64xf32, #tpu.memory_space<vmem_shared>> -> memref<10000x64xf32, #tpu.memory_space<vmem_shared>>
    %dma_wait3A_169 = tpu.memref_slice %arg12[%dma_wait3A_158] : memref<10x!tpu.dma_semaphore, #tpu.memory_space<semaphore_mem>> -> memref<1x!tpu.dma_semaphore, #tpu.memory_space<semaphore_mem>>
    %dma_wait3A_170 = tpu.memref_squeeze %dma_wait3A_169 : memref<1x!tpu.dma_semaphore, #tpu.memory_space<semaphore_mem>> -> memref<!tpu.dma_semaphore, #tpu.memory_space<semaphore_mem>>
    tpu.wait_indirect_dma semaphore(%dma_wait3A_170 : memref<!tpu.dma_semaphore, #tpu.memory_space<semaphore_mem>>) src(%dma_wait3A_162 : memref<80x64xf32, #tpu.memory_space<vmem>>) dst(%dma_wait3A_168 : memref<10000x64xf32, #tpu.memory_space<vmem_shared>>)
    %dma_wait3A_171 = arith.constant 6 : i32
    %dma_wait3A_172 = arith.constant 0 : i32
    %dma_wait3A_173 = arith.constant 6 : i32
    %dma_wait3A_174 = arith.constant 0 : i32
    %dma_wait3A_175 = arith.constant 0 : i32
    %dma_wait3A_176 = tpu.memref_slice %arg9[%dma_wait3A_171, %dma_wait3A_174, %dma_wait3A_175] : memref<10x80x64xf32, #tpu.memory_space<vmem>> -> memref<1x80x64xf32, #tpu.memory_space<vmem>>
    %dma_wait3A_177 = tpu.memref_squeeze %dma_wait3A_176 : memref<1x80x64xf32, #tpu.memory_space<vmem>> -> memref<80x64xf32, #tpu.memory_space<vmem>>
    %dma_wait3A_178 = arith.constant 0 : i32
    %dma_wait3A_179 = tpu.memref_slice %arg8[%dma_wait3A_172, %dma_wait3A_178] : memref<125x80xi32, #tpu.memory_space<vmem>> -> memref<1x80xi32, #tpu.memory_space<vmem>>
    %dma_wait3A_180 = tpu.memref_squeeze %dma_wait3A_179 : memref<1x80xi32, #tpu.memory_space<vmem>> -> memref<80xi32, #tpu.memory_space<vmem>>
    %dma_wait3A_181 = arith.constant 0 : i32
    %dma_wait3A_182 = arith.constant 0 : i32
    %dma_wait3A_183 = tpu.memref_slice %arg10[%dma_wait3A_181, %dma_wait3A_182] : memref<10000x64xf32, #tpu.memory_space<vmem_shared>> -> memref<10000x64xf32, #tpu.memory_space<vmem_shared>>
    %dma_wait3A_184 = tpu.memref_slice %arg12[%dma_wait3A_173] : memref<10x!tpu.dma_semaphore, #tpu.memory_space<semaphore_mem>> -> memref<1x!tpu.dma_semaphore, #tpu.memory_space<semaphore_mem>>
    %dma_wait3A_185 = tpu.memref_squeeze %dma_wait3A_184 : memref<1x!tpu.dma_semaphore, #tpu.memory_space<semaphore_mem>> -> memref<!tpu.dma_semaphore, #tpu.memory_space<semaphore_mem>>
    tpu.wait_indirect_dma semaphore(%dma_wait3A_185 : memref<!tpu.dma_semaphore, #tpu.memory_space<semaphore_mem>>) src(%dma_wait3A_177 : memref<80x64xf32, #tpu.memory_space<vmem>>) dst(%dma_wait3A_183 : memref<10000x64xf32, #tpu.memory_space<vmem_shared>>)
    %dma_wait3A_186 = arith.constant 7 : i32
    %dma_wait3A_187 = arith.constant 0 : i32
    %dma_wait3A_188 = arith.constant 7 : i32
    %dma_wait3A_189 = arith.constant 0 : i32
    %dma_wait3A_190 = arith.constant 0 : i32
    %dma_wait3A_191 = tpu.memref_slice %arg9[%dma_wait3A_186, %dma_wait3A_189, %dma_wait3A_190] : memref<10x80x64xf32, #tpu.memory_space<vmem>> -> memref<1x80x64xf32, #tpu.memory_space<vmem>>
    %dma_wait3A_192 = tpu.memref_squeeze %dma_wait3A_191 : memref<1x80x64xf32, #tpu.memory_space<vmem>> -> memref<80x64xf32, #tpu.memory_space<vmem>>
    %dma_wait3A_193 = arith.constant 0 : i32
    %dma_wait3A_194 = tpu.memref_slice %arg8[%dma_wait3A_187, %dma_wait3A_193] : memref<125x80xi32, #tpu.memory_space<vmem>> -> memref<1x80xi32, #tpu.memory_space<vmem>>
    %dma_wait3A_195 = tpu.memref_squeeze %dma_wait3A_194 : memref<1x80xi32, #tpu.memory_space<vmem>> -> memref<80xi32, #tpu.memory_space<vmem>>
    %dma_wait3A_196 = arith.constant 0 : i32
    %dma_wait3A_197 = arith.constant 0 : i32
    %dma_wait3A_198 = tpu.memref_slice %arg10[%dma_wait3A_196, %dma_wait3A_197] : memref<10000x64xf32, #tpu.memory_space<vmem_shared>> -> memref<10000x64xf32, #tpu.memory_space<vmem_shared>>
    %dma_wait3A_199 = tpu.memref_slice %arg12[%dma_wait3A_188] : memref<10x!tpu.dma_semaphore, #tpu.memory_space<semaphore_mem>> -> memref<1x!tpu.dma_semaphore, #tpu.memory_space<semaphore_mem>>
    %dma_wait3A_200 = tpu.memref_squeeze %dma_wait3A_199 : memref<1x!tpu.dma_semaphore, #tpu.memory_space<semaphore_mem>> -> memref<!tpu.dma_semaphore, #tpu.memory_space<semaphore_mem>>
    tpu.wait_indirect_dma semaphore(%dma_wait3A_200 : memref<!tpu.dma_semaphore, #tpu.memory_space<semaphore_mem>>) src(%dma_wait3A_192 : memref<80x64xf32, #tpu.memory_space<vmem>>) dst(%dma_wait3A_198 : memref<10000x64xf32, #tpu.memory_space<vmem_shared>>)
    %dma_wait3A_201 = arith.constant 8 : i32
    %dma_wait3A_202 = arith.constant 0 : i32
    %dma_wait3A_203 = arith.constant 8 : i32
    %dma_wait3A_204 = arith.constant 0 : i32
    %dma_wait3A_205 = arith.constant 0 : i32
    %dma_wait3A_206 = tpu.memref_slice %arg9[%dma_wait3A_201, %dma_wait3A_204, %dma_wait3A_205] : memref<10x80x64xf32, #tpu.memory_space<vmem>> -> memref<1x80x64xf32, #tpu.memory_space<vmem>>
    %dma_wait3A_207 = tpu.memref_squeeze %dma_wait3A_206 : memref<1x80x64xf32, #tpu.memory_space<vmem>> -> memref<80x64xf32, #tpu.memory_space<vmem>>
    %dma_wait3A_208 = arith.constant 0 : i32
    %dma_wait3A_209 = tpu.memref_slice %arg8[%dma_wait3A_202, %dma_wait3A_208] : memref<125x80xi32, #tpu.memory_space<vmem>> -> memref<1x80xi32, #tpu.memory_space<vmem>>
    %dma_wait3A_210 = tpu.memref_squeeze %dma_wait3A_209 : memref<1x80xi32, #tpu.memory_space<vmem>> -> memref<80xi32, #tpu.memory_space<vmem>>
    %dma_wait3A_211 = arith.constant 0 : i32
    %dma_wait3A_212 = arith.constant 0 : i32
    %dma_wait3A_213 = tpu.memref_slice %arg10[%dma_wait3A_211, %dma_wait3A_212] : memref<10000x64xf32, #tpu.memory_space<vmem_shared>> -> memref<10000x64xf32, #tpu.memory_space<vmem_shared>>
    %dma_wait3A_214 = tpu.memref_slice %arg12[%dma_wait3A_203] : memref<10x!tpu.dma_semaphore, #tpu.memory_space<semaphore_mem>> -> memref<1x!tpu.dma_semaphore, #tpu.memory_space<semaphore_mem>>
    %dma_wait3A_215 = tpu.memref_squeeze %dma_wait3A_214 : memref<1x!tpu.dma_semaphore, #tpu.memory_space<semaphore_mem>> -> memref<!tpu.dma_semaphore, #tpu.memory_space<semaphore_mem>>
    tpu.wait_indirect_dma semaphore(%dma_wait3A_215 : memref<!tpu.dma_semaphore, #tpu.memory_space<semaphore_mem>>) src(%dma_wait3A_207 : memref<80x64xf32, #tpu.memory_space<vmem>>) dst(%dma_wait3A_213 : memref<10000x64xf32, #tpu.memory_space<vmem_shared>>)
    %dma_wait3A_216 = arith.constant 9 : i32
    %dma_wait3A_217 = arith.constant 0 : i32
    %dma_wait3A_218 = arith.constant 9 : i32
    %dma_wait3A_219 = arith.constant 0 : i32
    %dma_wait3A_220 = arith.constant 0 : i32
    %dma_wait3A_221 = tpu.memref_slice %arg9[%dma_wait3A_216, %dma_wait3A_219, %dma_wait3A_220] : memref<10x80x64xf32, #tpu.memory_space<vmem>> -> memref<1x80x64xf32, #tpu.memory_space<vmem>>
    %dma_wait3A_222 = tpu.memref_squeeze %dma_wait3A_221 : memref<1x80x64xf32, #tpu.memory_space<vmem>> -> memref<80x64xf32, #tpu.memory_space<vmem>>
    %dma_wait3A_223 = arith.constant 0 : i32
    %dma_wait3A_224 = tpu.memref_slice %arg8[%dma_wait3A_217, %dma_wait3A_223] : memref<125x80xi32, #tpu.memory_space<vmem>> -> memref<1x80xi32, #tpu.memory_space<vmem>>
    %dma_wait3A_225 = tpu.memref_squeeze %dma_wait3A_224 : memref<1x80xi32, #tpu.memory_space<vmem>> -> memref<80xi32, #tpu.memory_space<vmem>>
    %dma_wait3A_226 = arith.constant 0 : i32
    %dma_wait3A_227 = arith.constant 0 : i32
    %dma_wait3A_228 = tpu.memref_slice %arg10[%dma_wait3A_226, %dma_wait3A_227] : memref<10000x64xf32, #tpu.memory_space<vmem_shared>> -> memref<10000x64xf32, #tpu.memory_space<vmem_shared>>
    %dma_wait3A_229 = tpu.memref_slice %arg12[%dma_wait3A_218] : memref<10x!tpu.dma_semaphore, #tpu.memory_space<semaphore_mem>> -> memref<1x!tpu.dma_semaphore, #tpu.memory_space<semaphore_mem>>
    %dma_wait3A_230 = tpu.memref_squeeze %dma_wait3A_229 : memref<1x!tpu.dma_semaphore, #tpu.memory_space<semaphore_mem>> -> memref<!tpu.dma_semaphore, #tpu.memory_space<semaphore_mem>>
    tpu.wait_indirect_dma semaphore(%dma_wait3A_230 : memref<!tpu.dma_semaphore, #tpu.memory_space<semaphore_mem>>) src(%dma_wait3A_222 : memref<80x64xf32, #tpu.memory_space<vmem>>) dst(%dma_wait3A_228 : memref<10000x64xf32, #tpu.memory_space<vmem_shared>>)
    %barrier3A_231 = arith.constant 0 : index
    tpu.barrier barrier_id(%barrier3A_231)
    %mul3A_232 = arith.constant 625 : i32
    %mul3A_233 = arith.muli %arg1, %mul3A_232 : i32
    %mul3A_234 = arith.constant 625 : i32
    %mul3A_235 = arith.muli %arg1, %mul3A_234 : i32
    "tpu.region"() ({
      %run_scoped3A = tpu.sem_alloc : memref<!tpu.dma_semaphore, #tpu.memory_space<semaphore_mem>>
      %dma_start3A_236 = arith.constant 0 : i32
      %dma_start3A_237 = arith.constant 0 : i32
      %dma_start3A_238 = tpu.memref_slice %arg6[%arg0, %dma_start3A_236, %dma_start3A_237] : memref<2x10000x64xf32, #tpu.memory_space<hbm>> -> memref<1x10000x64xf32, #tpu.memory_space<hbm>>
      %dma_start3A_239 = tpu.memref_squeeze %dma_start3A_238 : memref<1x10000x64xf32, #tpu.memory_space<hbm>> -> memref<10000x64xf32, #tpu.memory_space<hbm>>
      %dma_start3A_240 = arith.constant 0 : i32
      %dma_start3A_241 = tpu.memref_slice %dma_start3A_239[%mul3A_235, %dma_start3A_240] : memref<10000x64xf32, #tpu.memory_space<hbm>> -> memref<625x64xf32, #tpu.memory_space<hbm>>
      %dma_start3A_242 = arith.constant 0 : i32
      %dma_start3A_243 = tpu.memref_slice %arg10[%mul3A_233, %dma_start3A_242] : memref<10000x64xf32, #tpu.memory_space<vmem_shared>> -> memref<625x64xf32, #tpu.memory_space<vmem_shared>>
      tpu.enqueue_dma source(%dma_start3A_243 : memref<625x64xf32, #tpu.memory_space<vmem_shared>>) target(%dma_start3A_241 : memref<625x64xf32, #tpu.memory_space<hbm>>) target_semaphore(%run_scoped3A : memref<!tpu.dma_semaphore, #tpu.memory_space<semaphore_mem>>)
      %dma_wait3A_244 = arith.constant 0 : i32
      %dma_wait3A_245 = arith.constant 0 : i32
      %dma_wait3A_246 = tpu.memref_slice %arg6[%arg0, %dma_wait3A_244, %dma_wait3A_245] : memref<2x10000x64xf32, #tpu.memory_space<hbm>> -> memref<1x10000x64xf32, #tpu.memory_space<hbm>>
      %dma_wait3A_247 = tpu.memref_squeeze %dma_wait3A_246 : memref<1x10000x64xf32, #tpu.memory_space<hbm>> -> memref<10000x64xf32, #tpu.memory_space<hbm>>
      %dma_wait3A_248 = arith.constant 0 : i32
      %dma_wait3A_249 = tpu.memref_slice %dma_wait3A_247[%mul3A_235, %dma_wait3A_248] : memref<10000x64xf32, #tpu.memory_space<hbm>> -> memref<625x64xf32, #tpu.memory_space<hbm>>
      %dma_wait3A_250 = arith.constant 0 : i32
      %dma_wait3A_251 = tpu.memref_slice %arg10[%mul3A_233, %dma_wait3A_250] : memref<10000x64xf32, #tpu.memory_space<vmem_shared>> -> memref<625x64xf32, #tpu.memory_space<vmem_shared>>
      tpu.wait_dma2 semaphore(%run_scoped3A : memref<!tpu.dma_semaphore, #tpu.memory_space<semaphore_mem>>) src(%dma_wait3A_251 : memref<625x64xf32, #tpu.memory_space<vmem_shared>>) dst(%dma_wait3A_249 : memref<625x64xf32, #tpu.memory_space<hbm>>)
      tpu.yield
    }) : () -> ()
    return
  }
}

module attributes {stable_mosaic.version = 14 : i64} {
  func.func @_mid_body(%arg0: i32, %arg1: memref<1000x128xf32, #tpu.memory_space<vmem>>, %arg2: memref<2x1000x128xf32, #tpu.memory_space<vmem>>, %arg3: memref<128x64xf32, #tpu.memory_space<vmem>>, %arg4: memref<1x64xf32, #tpu.memory_space<vmem>>, %arg5: memref<64x64xf32, #tpu.memory_space<vmem>>, %arg6: memref<1x64xf32, #tpu.memory_space<vmem>>, %arg7: memref<1000x64xf32, #tpu.memory_space<vmem>>) attributes {dimension_semantics = [#tpu.dimension_semantics<arbitrary>], iteration_bounds = array<i64: 10>, scalar_prefetch = 0 : i64, scratch_operands = 0 : i64, tpu.core_type = #tpu.core_type<tc>, window_params = [{transform_indices = @transform_0, window_bounds = array<i64: 1000, 128>}, {transform_indices = @transform_1, window_bounds = array<i64: 2, 1000, 128>}, {pipeline_mode = #tpu.pipeline_mode<synchronous>, transform_indices = @transform_2, window_bounds = array<i64: 128, 64>}, {pipeline_mode = #tpu.pipeline_mode<synchronous>, transform_indices = @transform_3, window_bounds = array<i64: 1, 64>}, {pipeline_mode = #tpu.pipeline_mode<synchronous>, transform_indices = @transform_4, window_bounds = array<i64: 64, 64>}, {pipeline_mode = #tpu.pipeline_mode<synchronous>, transform_indices = @transform_5, window_bounds = array<i64: 1, 64>}, {transform_indices = @transform_6, window_bounds = array<i64: 1000, 64>}]} {
    %get3A = arith.constant 0 : index
    %get3A_0 = arith.constant 0 : index
    %get3A_1 = vector.load %arg1[%get3A, %get3A_0] : memref<1000x128xf32, #tpu.memory_space<vmem>>, vector<1000x128xf32>
    %get3A_2 = arith.constant 0 : index
    %get3A_3 = arith.constant 0 : index
    %get3A_4 = arith.constant 0 : index
    %get3A_5 = vector.load %arg2[%get3A_2, %get3A_3, %get3A_4] : memref<2x1000x128xf32, #tpu.memory_space<vmem>>, vector<1x1000x128xf32>
    %get3A_6 = vector.shape_cast %get3A_5 : vector<1x1000x128xf32> to vector<1000x128xf32>
    %get3A_7 = arith.constant 1 : index
    %get3A_8 = arith.constant 0 : index
    %get3A_9 = arith.constant 0 : index
    %get3A_10 = vector.load %arg2[%get3A_7, %get3A_8, %get3A_9] : memref<2x1000x128xf32, #tpu.memory_space<vmem>>, vector<1x1000x128xf32>
    %get3A_11 = vector.shape_cast %get3A_10 : vector<1x1000x128xf32> to vector<1000x128xf32>
    %add3A = arith.addf %get3A_6, %get3A_11 : vector<1000x128xf32>
    %add3A_12 = arith.addf %get3A_1, %add3A : vector<1000x128xf32>
    %get3A_13 = arith.constant 0 : index
    %get3A_14 = arith.constant 0 : index
    %get3A_15 = vector.load %arg3[%get3A_13, %get3A_14] : memref<128x64xf32, #tpu.memory_space<vmem>>, vector<128x64xf32>
    %dot_general3A = arith.constant dense<0.000000e+00> : vector<1000x64xf32>
    %dot_general3A_16 = tpu.matmul %add3A_12, %get3A_15, %dot_general3A {dimension_numbers = #tpu.dot_dimension_numbers<[1], [0], [0], [1], [0, 0, 1, 1], [], []>, transpose_lhs_hint = false} : vector<1000x128xf32>, vector<128x64xf32>, vector<1000x64xf32> -> vector<1000x64xf32>
    %get3A_17 = arith.constant 0 : index
    %get3A_18 = arith.constant 0 : index
    %get3A_19 = vector.load %arg4[%get3A_17, %get3A_18] : memref<1x64xf32, #tpu.memory_space<vmem>>, vector<1x64xf32>
    %add3A_20 = vector.broadcast %get3A_19 : vector<1x64xf32> to vector<1000x64xf32>
    %add3A_21 = arith.addf %dot_general3A_16, %add3A_20 : vector<1000x64xf32>
    %max3A = arith.constant 0.000000e+00 : f32
    %max3A_22 = vector.broadcast %max3A : f32 to vector<1000x64xf32>
    %max3A_23 = arith.maximumf %add3A_21, %max3A_22 : vector<1000x64xf32>
    %get3A_24 = arith.constant 0 : index
    %get3A_25 = arith.constant 0 : index
    %get3A_26 = vector.load %arg5[%get3A_24, %get3A_25] : memref<64x64xf32, #tpu.memory_space<vmem>>, vector<64x64xf32>
    %dot_general3A_27 = arith.constant dense<0.000000e+00> : vector<1000x64xf32>
    %dot_general3A_28 = tpu.matmul %max3A_23, %get3A_26, %dot_general3A_27 {dimension_numbers = #tpu.dot_dimension_numbers<[1], [0], [0], [1], [0, 0, 1, 1], [], []>, transpose_lhs_hint = false} : vector<1000x64xf32>, vector<64x64xf32>, vector<1000x64xf32> -> vector<1000x64xf32>
    %get3A_29 = arith.constant 0 : index
    %get3A_30 = arith.constant 0 : index
    %get3A_31 = vector.load %arg6[%get3A_29, %get3A_30] : memref<1x64xf32, #tpu.memory_space<vmem>>, vector<1x64xf32>
    %add3A_32 = vector.broadcast %get3A_31 : vector<1x64xf32> to vector<1000x64xf32>
    %add3A_33 = arith.addf %dot_general3A_28, %add3A_32 : vector<1000x64xf32>
    %max3A_34 = arith.constant 0.000000e+00 : f32
    %max3A_35 = vector.broadcast %max3A_34 : f32 to vector<1000x64xf32>
    %max3A_36 = arith.maximumf %add3A_33, %max3A_35 : vector<1000x64xf32>
    %swap3A = arith.constant 0 : index
    %swap3A_37 = arith.constant 0 : index
    %swap3A_38 = vector.load %arg7[%swap3A, %swap3A_37] : memref<1000x64xf32, #tpu.memory_space<vmem>>, vector<1000x64xf32>
    tpu.vector_store %arg7[%swap3A, %swap3A_37], %max3A_36 {strides = array<i32>} : memref<1000x64xf32, #tpu.memory_space<vmem>>, vector<1000x64xf32>,
    return
  }
  func.func @transform_0(%arg0: i32) -> (i32, i32) {
    %c0_i32 = arith.constant 0 : i32
    %c0_i32_0 = arith.constant 0 : i32
    return %arg0, %c0_i32 : i32, i32
  }
  func.func @transform_1(%arg0: i32) -> (i32, i32, i32) {
    %c0_i32 = arith.constant 0 : i32
    %c0_i32_0 = arith.constant 0 : i32
    %c0_i32_1 = arith.constant 0 : i32
    return %c0_i32, %arg0, %c0_i32_0 : i32, i32, i32
  }
  func.func @transform_2(%arg0: i32) -> (i32, i32) {
    %c0_i32 = arith.constant 0 : i32
    %c0_i32_0 = arith.constant 0 : i32
    %c0_i32_1 = arith.constant 0 : i32
    return %c0_i32, %c0_i32_0 : i32, i32
  }
  func.func @transform_3(%arg0: i32) -> (i32, i32) {
    %c0_i32 = arith.constant 0 : i32
    %c0_i32_0 = arith.constant 0 : i32
    %c0_i32_1 = arith.constant 0 : i32
    return %c0_i32, %c0_i32_0 : i32, i32
  }
  func.func @transform_4(%arg0: i32) -> (i32, i32) {
    %c0_i32 = arith.constant 0 : i32
    %c0_i32_0 = arith.constant 0 : i32
    %c0_i32_1 = arith.constant 0 : i32
    return %c0_i32, %c0_i32_0 : i32, i32
  }
  func.func @transform_5(%arg0: i32) -> (i32, i32) {
    %c0_i32 = arith.constant 0 : i32
    %c0_i32_0 = arith.constant 0 : i32
    %c0_i32_1 = arith.constant 0 : i32
    return %c0_i32, %c0_i32_0 : i32, i32
  }
  func.func @transform_6(%arg0: i32) -> (i32, i32) {
    %c0_i32 = arith.constant 0 : i32
    %c0_i32_0 = arith.constant 0 : i32
    return %arg0, %c0_i32 : i32, i32
  }
}

module attributes {stable_mosaic.version = 14 : i64} {
  func.func @_pool_body(%arg0: i32, %arg1: memref<1000x64xf32, #tpu.memory_space<vmem>>, %arg2: memref<2x1000x64xf32, #tpu.memory_space<vmem>>, %arg3: memref<64x64xf32, #tpu.memory_space<vmem>>, %arg4: memref<1x64xf32, #tpu.memory_space<vmem>>, %arg5: memref<64x64xf32, #tpu.memory_space<vmem>>, %arg6: memref<1x64xf32, #tpu.memory_space<vmem>>, %arg7: memref<1000x1xi32, #tpu.memory_space<vmem>>, %arg8: memref<64x1xf32, #tpu.memory_space<vmem>>, %arg9: memref<1x1xf32, #tpu.memory_space<vmem>>, %arg10: memref<64x6xf32, #tpu.memory_space<vmem>>, %arg11: memref<1x6xf32, #tpu.memory_space<vmem>>, %arg12: memref<256x64xf32, #tpu.memory_space<vmem>>, %arg13: memref<256x1xf32, #tpu.memory_space<vmem>>, %arg14: memref<256x6xf32, #tpu.memory_space<vmem>>, %arg15: memref<256x64xf32, #tpu.memory_space<vmem>>, %arg16: memref<256x1xf32, #tpu.memory_space<vmem>>) attributes {dimension_semantics = [#tpu.dimension_semantics<arbitrary>], iteration_bounds = array<i64: 10>, scalar_prefetch = 0 : i64, scratch_operands = 2 : i64, tpu.core_type = #tpu.core_type<tc>, window_params = [{transform_indices = @transform_0, window_bounds = array<i64: 1000, 64>}, {transform_indices = @transform_1, window_bounds = array<i64: 2, 1000, 64>}, {pipeline_mode = #tpu.pipeline_mode<synchronous>, transform_indices = @transform_2, window_bounds = array<i64: 64, 64>}, {pipeline_mode = #tpu.pipeline_mode<synchronous>, transform_indices = @transform_3, window_bounds = array<i64: 1, 64>}, {pipeline_mode = #tpu.pipeline_mode<synchronous>, transform_indices = @transform_4, window_bounds = array<i64: 64, 64>}, {pipeline_mode = #tpu.pipeline_mode<synchronous>, transform_indices = @transform_5, window_bounds = array<i64: 1, 64>}, {transform_indices = @transform_6, window_bounds = array<i64: 1000, 1>}, {pipeline_mode = #tpu.pipeline_mode<synchronous>, transform_indices = @transform_7, window_bounds = array<i64: 64, 1>}, {pipeline_mode = #tpu.pipeline_mode<synchronous>, transform_indices = @transform_8, window_bounds = array<i64: 1, 1>}, {pipeline_mode = #tpu.pipeline_mode<synchronous>, transform_indices = @transform_9, window_bounds = array<i64: 64, 6>}, {pipeline_mode = #tpu.pipeline_mode<synchronous>, transform_indices = @transform_10, window_bounds = array<i64: 1, 6>}, {pipeline_mode = #tpu.pipeline_mode<synchronous>, transform_indices = @transform_11, window_bounds = array<i64: 256, 64>}, {pipeline_mode = #tpu.pipeline_mode<synchronous>, transform_indices = @transform_12, window_bounds = array<i64: 256, 1>}, {pipeline_mode = #tpu.pipeline_mode<synchronous>, transform_indices = @transform_13, window_bounds = array<i64: 256, 6>}]} {
    %get3A = arith.constant 0 : index
    %get3A_0 = arith.constant 0 : index
    %get3A_1 = vector.load %arg1[%get3A, %get3A_0] : memref<1000x64xf32, #tpu.memory_space<vmem>>, vector<1000x64xf32>
    %get3A_2 = arith.constant 0 : index
    %get3A_3 = arith.constant 0 : index
    %get3A_4 = arith.constant 0 : index
    %get3A_5 = vector.load %arg2[%get3A_2, %get3A_3, %get3A_4] : memref<2x1000x64xf32, #tpu.memory_space<vmem>>, vector<1x1000x64xf32>
    %get3A_6 = vector.shape_cast %get3A_5 : vector<1x1000x64xf32> to vector<1000x64xf32>
    %get3A_7 = arith.constant 1 : index
    %get3A_8 = arith.constant 0 : index
    %get3A_9 = arith.constant 0 : index
    %get3A_10 = vector.load %arg2[%get3A_7, %get3A_8, %get3A_9] : memref<2x1000x64xf32, #tpu.memory_space<vmem>>, vector<1x1000x64xf32>
    %get3A_11 = vector.shape_cast %get3A_10 : vector<1x1000x64xf32> to vector<1000x64xf32>
    %add3A = arith.addf %get3A_6, %get3A_11 : vector<1000x64xf32>
    %add3A_12 = arith.addf %get3A_1, %add3A : vector<1000x64xf32>
    %get3A_13 = arith.constant 0 : index
    %get3A_14 = arith.constant 0 : index
    %get3A_15 = vector.load %arg3[%get3A_13, %get3A_14] : memref<64x64xf32, #tpu.memory_space<vmem>>, vector<64x64xf32>
    %dot_general3A = arith.constant dense<0.000000e+00> : vector<1000x64xf32>
    %dot_general3A_16 = tpu.matmul %add3A_12, %get3A_15, %dot_general3A {dimension_numbers = #tpu.dot_dimension_numbers<[1], [0], [0], [1], [0, 0, 1, 1], [], []>, transpose_lhs_hint = false} : vector<1000x64xf32>, vector<64x64xf32>, vector<1000x64xf32> -> vector<1000x64xf32>
    %get3A_17 = arith.constant 0 : index
    %get3A_18 = arith.constant 0 : index
    %get3A_19 = vector.load %arg4[%get3A_17, %get3A_18] : memref<1x64xf32, #tpu.memory_space<vmem>>, vector<1x64xf32>
    %add3A_20 = vector.broadcast %get3A_19 : vector<1x64xf32> to vector<1000x64xf32>
    %add3A_21 = arith.addf %dot_general3A_16, %add3A_20 : vector<1000x64xf32>
    %max3A = arith.constant 0.000000e+00 : f32
    %max3A_22 = vector.broadcast %max3A : f32 to vector<1000x64xf32>
    %max3A_23 = arith.maximumf %add3A_21, %max3A_22 : vector<1000x64xf32>
    %get3A_24 = arith.constant 0 : index
    %get3A_25 = arith.constant 0 : index
    %get3A_26 = vector.load %arg5[%get3A_24, %get3A_25] : memref<64x64xf32, #tpu.memory_space<vmem>>, vector<64x64xf32>
    %dot_general3A_27 = arith.constant dense<0.000000e+00> : vector<1000x64xf32>
    %dot_general3A_28 = tpu.matmul %max3A_23, %get3A_26, %dot_general3A_27 {dimension_numbers = #tpu.dot_dimension_numbers<[1], [0], [0], [1], [0, 0, 1, 1], [], []>, transpose_lhs_hint = false} : vector<1000x64xf32>, vector<64x64xf32>, vector<1000x64xf32> -> vector<1000x64xf32>
    %get3A_29 = arith.constant 0 : index
    %get3A_30 = arith.constant 0 : index
    %get3A_31 = vector.load %arg6[%get3A_29, %get3A_30] : memref<1x64xf32, #tpu.memory_space<vmem>>, vector<1x64xf32>
    %add3A_32 = vector.broadcast %get3A_31 : vector<1x64xf32> to vector<1000x64xf32>
    %add3A_33 = arith.addf %dot_general3A_28, %add3A_32 : vector<1000x64xf32>
    %max3A_34 = arith.constant 0.000000e+00 : f32
    %max3A_35 = vector.broadcast %max3A_34 : f32 to vector<1000x64xf32>
    %max3A_36 = arith.maximumf %add3A_33, %max3A_35 : vector<1000x64xf32>
    %iota3A = tpu.iota {dimensions = array<i32: 1>} : vector<1x256xi32>
    %get3A_37 = arith.constant 0 : index
    %get3A_38 = arith.constant 0 : index
    %get3A_39 = vector.load %arg7[%get3A_37, %get3A_38] : memref<1000x1xi32, #tpu.memory_space<vmem>>, vector<1000x1xi32>
    %eq3A = vector.broadcast %get3A_39 : vector<1000x1xi32> to vector<1000x256xi32>
    %eq3A_40 = vector.broadcast %iota3A : vector<1x256xi32> to vector<1000x256xi32>
    %eq3A_41 = arith.cmpi eq, %eq3A, %eq3A_40 : vector<1000x256xi32>
    %convert_element_type3A = arith.extui %eq3A_41 : vector<1000x256xi1> to vector<1000x256xi32>
    %convert_element_type3A_42 = arith.sitofp %convert_element_type3A : vector<1000x256xi32> to vector<1000x256xf32>
    %eq3A_43 = arith.constant 0 : i32
    %eq3A_44 = arith.cmpi eq, %arg0, %eq3A_43 : i32
    %convert_element_type3A_45 = arith.extui %eq3A_44 : i1 to i32
    %cond3A = arith.constant 0 : i32
    %cond3A_46 = arith.cmpi ne, %convert_element_type3A_45, %cond3A : i32
    scf.if %cond3A_46 {
      %broadcast_in_dim3A_70 = arith.constant 0.000000e+00 : f32
      %broadcast_in_dim3A_71 = vector.broadcast %broadcast_in_dim3A_70 : f32 to vector<256x64xf32>
      %swap3A_72 = arith.constant 0 : index
      %swap3A_73 = arith.constant 0 : index
      %swap3A_74 = vector.load %arg15[%swap3A_72, %swap3A_73] : memref<256x64xf32, #tpu.memory_space<vmem>>, vector<256x64xf32>
      tpu.vector_store %arg15[%swap3A_72, %swap3A_73], %broadcast_in_dim3A_71 {strides = array<i32>} : memref<256x64xf32, #tpu.memory_space<vmem>>, vector<256x64xf32>,
      %broadcast_in_dim3A_75 = arith.constant 0.000000e+00 : f32
      %broadcast_in_dim3A_76 = vector.broadcast %broadcast_in_dim3A_75 : f32 to vector<256x1xf32>
      %swap3A_77 = arith.constant 0 : index
      %swap3A_78 = arith.constant 0 : index
      %swap3A_79 = vector.load %arg16[%swap3A_77, %swap3A_78] : memref<256x1xf32, #tpu.memory_space<vmem>>, vector<256x1xf32>
      tpu.vector_store %arg16[%swap3A_77, %swap3A_78], %broadcast_in_dim3A_76 {strides = array<i32>} : memref<256x1xf32, #tpu.memory_space<vmem>>, vector<256x1xf32>,
    } else {
    }
    %get3A_47 = arith.constant 0 : index
    %get3A_48 = arith.constant 0 : index
    %get3A_49 = vector.load %arg15[%get3A_47, %get3A_48] : memref<256x64xf32, #tpu.memory_space<vmem>>, vector<256x64xf32>
    %dot_general3A_50 = arith.constant dense<0.000000e+00> : vector<256x64xf32>
    %dot_general3A_51 = tpu.matmul %convert_element_type3A_42, %max3A_36, %dot_general3A_50 {dimension_numbers = #tpu.dot_dimension_numbers<[0], [0], [1], [1], [0, 1, 1, 1], [], []>, precision = #tpu.contract_precision<fp32>, transpose_lhs_hint = false} : vector<1000x256xf32>, vector<1000x64xf32>, vector<256x64xf32> -> vector<256x64xf32>
    %add3A_52 = arith.addf %get3A_49, %dot_general3A_51 : vector<256x64xf32>
    %swap3A = arith.constant 0 : index
    %swap3A_53 = arith.constant 0 : index
    %swap3A_54 = vector.load %arg15[%swap3A, %swap3A_53] : memref<256x64xf32, #tpu.memory_space<vmem>>, vector<256x64xf32>
    tpu.vector_store %arg15[%swap3A, %swap3A_53], %add3A_52 {strides = array<i32>} : memref<256x64xf32, #tpu.memory_space<vmem>>, vector<256x64xf32>,
    %get3A_55 = arith.constant 0 : index
    %get3A_56 = arith.constant 0 : index
    %get3A_57 = vector.load %arg16[%get3A_55, %get3A_56] : memref<256x1xf32, #tpu.memory_space<vmem>>, vector<256x1xf32>
    %broadcast_in_dim3A = arith.constant 1.000000e+00 : f32
    %broadcast_in_dim3A_58 = vector.broadcast %broadcast_in_dim3A : f32 to vector<1000x1xf32>
    %dot_general3A_59 = arith.constant dense<0.000000e+00> : vector<256x1xf32>
    %dot_general3A_60 = tpu.matmul %convert_element_type3A_42, %broadcast_in_dim3A_58, %dot_general3A_59 {dimension_numbers = #tpu.dot_dimension_numbers<[0], [0], [1], [1], [0, 1, 1, 1], [], []>, precision = #tpu.contract_precision<fp32>, transpose_lhs_hint = false} : vector<1000x256xf32>, vector<1000x1xf32>, vector<256x1xf32> -> vector<256x1xf32>
    %add3A_61 = arith.addf %get3A_57, %dot_general3A_60 : vector<256x1xf32>
    %swap3A_62 = arith.constant 0 : index
    %swap3A_63 = arith.constant 0 : index
    %swap3A_64 = vector.load %arg16[%swap3A_62, %swap3A_63] : memref<256x1xf32, #tpu.memory_space<vmem>>, vector<256x1xf32>
    tpu.vector_store %arg16[%swap3A_62, %swap3A_63], %add3A_61 {strides = array<i32>} : memref<256x1xf32, #tpu.memory_space<vmem>>, vector<256x1xf32>,
    %eq3A_65 = arith.constant 9 : i32
    %eq3A_66 = arith.cmpi eq, %arg0, %eq3A_65 : i32
    %convert_element_type3A_67 = arith.extui %eq3A_66 : i1 to i32
    %cond3A_68 = arith.constant 0 : i32
    %cond3A_69 = arith.cmpi ne, %convert_element_type3A_67, %cond3A_68 : i32
    scf.if %cond3A_69 {
      %get3A_70 = arith.constant 0 : index
      %get3A_71 = arith.constant 0 : index
      %get3A_72 = vector.load %arg15[%get3A_70, %get3A_71] : memref<256x64xf32, #tpu.memory_space<vmem>>, vector<256x64xf32>
      %get3A_73 = arith.constant 0 : index
      %get3A_74 = arith.constant 0 : index
      %get3A_75 = vector.load %arg16[%get3A_73, %get3A_74] : memref<256x1xf32, #tpu.memory_space<vmem>>, vector<256x1xf32>
      %max3A_76 = arith.constant 1.000000e+00 : f32
      %max3A_77 = vector.broadcast %max3A_76 : f32 to vector<256x1xf32>
      %max3A_78 = arith.maximumf %get3A_75, %max3A_77 : vector<256x1xf32>
      %div3A = vector.broadcast %max3A_78 : vector<256x1xf32> to vector<256x64xf32>
      %div3A_79 = arith.divf %get3A_72, %div3A : vector<256x64xf32>
      %swap3A_80 = arith.constant 0 : index
      %swap3A_81 = arith.constant 0 : index
      %swap3A_82 = vector.load %arg12[%swap3A_80, %swap3A_81] : memref<256x64xf32, #tpu.memory_space<vmem>>, vector<256x64xf32>
      tpu.vector_store %arg12[%swap3A_80, %swap3A_81], %div3A_79 {strides = array<i32>} : memref<256x64xf32, #tpu.memory_space<vmem>>, vector<256x64xf32>,
      %get3A_83 = arith.constant 0 : index
      %get3A_84 = arith.constant 0 : index
      %get3A_85 = vector.load %arg8[%get3A_83, %get3A_84] : memref<64x1xf32, #tpu.memory_space<vmem>>, vector<64x1xf32>
      %dot_general3A_86 = arith.constant dense<0.000000e+00> : vector<256x1xf32>
      %dot_general3A_87 = tpu.matmul %div3A_79, %get3A_85, %dot_general3A_86 {dimension_numbers = #tpu.dot_dimension_numbers<[1], [0], [0], [1], [0, 0, 1, 1], [], []>, transpose_lhs_hint = false} : vector<256x64xf32>, vector<64x1xf32>, vector<256x1xf32> -> vector<256x1xf32>
      %get3A_88 = arith.constant 0 : index
      %get3A_89 = arith.constant 0 : index
      %get3A_90 = vector.load %arg9[%get3A_88, %get3A_89] : memref<1x1xf32, #tpu.memory_space<vmem>>, vector<1x1xf32>
      %add3A_91 = vector.broadcast %get3A_90 : vector<1x1xf32> to vector<256x1xf32>
      %add3A_92 = arith.addf %dot_general3A_87, %add3A_91 : vector<256x1xf32>
      %swap3A_93 = arith.constant 0 : index
      %swap3A_94 = arith.constant 0 : index
      %swap3A_95 = vector.load %arg13[%swap3A_93, %swap3A_94] : memref<256x1xf32, #tpu.memory_space<vmem>>, vector<256x1xf32>
      tpu.vector_store %arg13[%swap3A_93, %swap3A_94], %add3A_92 {strides = array<i32>} : memref<256x1xf32, #tpu.memory_space<vmem>>, vector<256x1xf32>,
      %get3A_96 = arith.constant 0 : index
      %get3A_97 = arith.constant 0 : index
      %get3A_98 = vector.load %arg10[%get3A_96, %get3A_97] : memref<64x6xf32, #tpu.memory_space<vmem>>, vector<64x6xf32>
      %dot_general3A_99 = arith.constant dense<0.000000e+00> : vector<256x6xf32>
      %dot_general3A_100 = tpu.matmul %div3A_79, %get3A_98, %dot_general3A_99 {dimension_numbers = #tpu.dot_dimension_numbers<[1], [0], [0], [1], [0, 0, 1, 1], [], []>, transpose_lhs_hint = false} : vector<256x64xf32>, vector<64x6xf32>, vector<256x6xf32> -> vector<256x6xf32>
      %get3A_101 = arith.constant 0 : index
      %get3A_102 = arith.constant 0 : index
      %get3A_103 = vector.load %arg11[%get3A_101, %get3A_102] : memref<1x6xf32, #tpu.memory_space<vmem>>, vector<1x6xf32>
      %add3A_104 = vector.broadcast %get3A_103 : vector<1x6xf32> to vector<256x6xf32>
      %add3A_105 = arith.addf %dot_general3A_100, %add3A_104 : vector<256x6xf32>
      %swap3A_106 = arith.constant 0 : index
      %swap3A_107 = arith.constant 0 : index
      %swap3A_108 = vector.load %arg14[%swap3A_106, %swap3A_107] : memref<256x6xf32, #tpu.memory_space<vmem>>, vector<256x6xf32>
      tpu.vector_store %arg14[%swap3A_106, %swap3A_107], %add3A_105 {strides = array<i32>} : memref<256x6xf32, #tpu.memory_space<vmem>>, vector<256x6xf32>,
    } else {
    }
    return
  }
  func.func @transform_0(%arg0: i32) -> (i32, i32) {
    %c0_i32 = arith.constant 0 : i32
    %c0_i32_0 = arith.constant 0 : i32
    return %arg0, %c0_i32 : i32, i32
  }
  func.func @transform_1(%arg0: i32) -> (i32, i32, i32) {
    %c0_i32 = arith.constant 0 : i32
    %c0_i32_0 = arith.constant 0 : i32
    %c0_i32_1 = arith.constant 0 : i32
    return %c0_i32, %arg0, %c0_i32_0 : i32, i32, i32
  }
  func.func @transform_2(%arg0: i32) -> (i32, i32) {
    %c0_i32 = arith.constant 0 : i32
    %c0_i32_0 = arith.constant 0 : i32
    %c0_i32_1 = arith.constant 0 : i32
    return %c0_i32, %c0_i32_0 : i32, i32
  }
  func.func @transform_3(%arg0: i32) -> (i32, i32) {
    %c0_i32 = arith.constant 0 : i32
    %c0_i32_0 = arith.constant 0 : i32
    %c0_i32_1 = arith.constant 0 : i32
    return %c0_i32, %c0_i32_0 : i32, i32
  }
  func.func @transform_4(%arg0: i32) -> (i32, i32) {
    %c0_i32 = arith.constant 0 : i32
    %c0_i32_0 = arith.constant 0 : i32
    %c0_i32_1 = arith.constant 0 : i32
    return %c0_i32, %c0_i32_0 : i32, i32
  }
  func.func @transform_5(%arg0: i32) -> (i32, i32) {
    %c0_i32 = arith.constant 0 : i32
    %c0_i32_0 = arith.constant 0 : i32
    %c0_i32_1 = arith.constant 0 : i32
    return %c0_i32, %c0_i32_0 : i32, i32
  }
  func.func @transform_6(%arg0: i32) -> (i32, i32) {
    %c0_i32 = arith.constant 0 : i32
    %c0_i32_0 = arith.constant 0 : i32
    return %arg0, %c0_i32 : i32, i32
  }
  func.func @transform_7(%arg0: i32) -> (i32, i32) {
    %c0_i32 = arith.constant 0 : i32
    %c0_i32_0 = arith.constant 0 : i32
    %c0_i32_1 = arith.constant 0 : i32
    return %c0_i32, %c0_i32_0 : i32, i32
  }
  func.func @transform_8(%arg0: i32) -> (i32, i32) {
    %c0_i32 = arith.constant 0 : i32
    %c0_i32_0 = arith.constant 0 : i32
    %c0_i32_1 = arith.constant 0 : i32
    return %c0_i32, %c0_i32_0 : i32, i32
  }
  func.func @transform_9(%arg0: i32) -> (i32, i32) {
    %c0_i32 = arith.constant 0 : i32
    %c0_i32_0 = arith.constant 0 : i32
    %c0_i32_1 = arith.constant 0 : i32
    return %c0_i32, %c0_i32_0 : i32, i32
  }
  func.func @transform_10(%arg0: i32) -> (i32, i32) {
    %c0_i32 = arith.constant 0 : i32
    %c0_i32_0 = arith.constant 0 : i32
    %c0_i32_1 = arith.constant 0 : i32
    return %c0_i32, %c0_i32_0 : i32, i32
  }
  func.func @transform_11(%arg0: i32) -> (i32, i32) {
    %c0_i32 = arith.constant 0 : i32
    %c0_i32_0 = arith.constant 0 : i32
    %c0_i32_1 = arith.constant 0 : i32
    return %c0_i32, %c0_i32_0 : i32, i32
  }
  func.func @transform_12(%arg0: i32) -> (i32, i32) {
    %c0_i32 = arith.constant 0 : i32
    %c0_i32_0 = arith.constant 0 : i32
    %c0_i32_1 = arith.constant 0 : i32
    return %c0_i32, %c0_i32_0 : i32, i32
  }
  func.func @transform_13(%arg0: i32) -> (i32, i32) {
    %c0_i32 = arith.constant 0 : i32
    %c0_i32_0 = arith.constant 0 : i32
    %c0_i32_1 = arith.constant 0 : i32
    return %c0_i32, %c0_i32_0 : i32, i32
  }
}

</mosaic_0001>

<sc_bundles>
// kernel: kernel.6.cloned.1.call-start
scs
__scs_entry_jumppad:
0x0: {  	(pc) =	sbr.rel $0x88, $3  }
0x1: {  	(tag) =	ssettag $0x0;
	lr =	simm.s32 $0x1  }
0x2: {  	[smem:$0x3F92] =	sst lr;
	_ =	strace $0xD0000000  }
0x3: {  	_ = 	snop  }
0x4: {  	_ = 	snop  }
0x5: {  	_ = 	snop  }
0x6: {  	_ = 	snop  }
0x7: {  	_ = 	snop  }
__scs_overlays_trampoline_lowered:
0x8: {  	[smem:$0x3FA1] =	sst s0  }
0x9: {  	[smem:$0x3FA2] =	sst s1  }
0xa: {  	[smem:$0x3FA3] =	sst s2  }
0xb: {  	[smem:$0x3FA4] =	sst s3  }
0xc: {  	[smem:$0x3FA5] =	sst s4  }
0xd: {  	[smem:$0x3FA6] =	sst s5  }
0xe: {  	[smem:$0x3FA7] =	sst s6  }
0xf: {  	[smem:$0x3FA8] =	sst s7  }
0x10: {  	[smem:$0x3FA9] =	sst s8  }
0x11: {  	[smem:$0x3FAA] =	sst s9;
	s0 =	simm.s32 @!p0 $0x0  }
0x12: {  	s1 =	sld [smem:$0x3F90];
	s0 =	simm.s32 @p0 $0x1  }
0x13: {  	[smem:$0x3FAB] =	sst s0;
	s0 =	simm.s32 @!p1 $0x0  }
0x14: {  	s2 =	sld [smem:$0x3F8F];
	s0 =	simm.s32 @p1 $0x1  }
0x15: {  	[smem:$0x3FAC] =	sst s0;
	s0 =	simm.s32 @!p2 $0x0  }
0x16: {  	s3 =	sld [smem:$0x3FDB];
	s0 =	simm.s32 @p2 $0x1  }
0x17: {  	s4 =	simm.s32 $0x1BF5;
	[smem:$0x3FAE] =	sst s0  }
0x18: {  	s0 =	sld [smem:$0x3F91];
	_ =	swait.ge [sflag:s4], $0x0  }
0x19: {  	s7 =	sld [smem:$0x3F92]  }
0x1a: {  	s8 =	sadd.s32 $0xFFFFE003, lr  }
0x1b: {  	s9 =	sadd.s32 $0xFFFFFEF7, lr;
	s5 =	simm.s32 $0xFFFFFFFF;
	p2 =	slt.u32 s8, $0xFFFFF086  }
0x1c: {  	p1 =	slt.u32 s9, $0xF7A;
	s5 =	simm.s32 @!p2 $0x0  }
0x1d: {  	s5 =	simm.s32 @p1 $0x1;
	p0 =	seq.s32 s7, s2  }
0x1e: {  	s7 =	smul.u32 @!p0 $0xF7A, s2;
	p2 =	seq.s32 @!p0 s5, $0x0  }
0x1f: {  	s9 =	smul.u32 $0xF7A, s1;
	s8 =	simm.s32 @!p0 $0x1BF5;
	p2 =	por !p2, p0  }
0x20: {  	[sflag:s8] =	ssyncset.s32 @!p0 $0xFFFFF086;
	s6 =	sadd.s32 @!p0 s3, s7;
	s7 =	simm.s32 @!p0 $0x108  }
0x21: {  	s3 =	sadd.s32 s3, s9;
	s6 =	sadd.s32 @!p0 $0x88, s6;
	s7 =	simm.s32 @p2 $0x1082  }
0x22: {  	[simem:s7], [sflag:s8] =	dma.local @!p0 [hbm:s6], $0xF7A  }
0x23: {  	s9 =	sor.u32 $0xD0000000, s2;
	s6 =	simm.s32 $0x108;
	_ =	swait.ge @!p0 [sflag:s8], $0x0  }
0x24: {  	s3 =	sadd.s32 $0x88, s3;
	s6 =	simm.s32 @!p1 $0x1082;
	[sflag:s4] =	ssyncset.s32 $0xFFFFF086  }
0x25: {  	[simem:s6], [sflag:s4] =	dma.local [hbm:s3], $0xF7A  }
0x26: {  	[smem:$0x3F92] =	sst s1;
	(tag) =	ssettag s2;
	_ =	strace s9  }
0x27: {  	s1 =	sld [smem:$0x3FA2]  }
0x28: {  	s2 =	sld [smem:$0x3FA3]  }
0x29: {  	s4 =	sld [smem:$0x3FA5]  }
0x2a: {  	p0 =	seq.s32 s5, $0x0;
	s5 =	sld [smem:$0x3FA6]  }
0x2b: {  	s6 =	sld [smem:$0x3FA7]  }
0x2c: {  	s7 =	sld [smem:$0x3FA8]  }
0x2d: {  	s3 =	simm.s32 $0x108;
	s8 =	sld [smem:$0x3FA9]  }
0x2e: {  	s3 =	simm.s32 @!p0 $0x1082;
	s9 =	sld [smem:$0x3FAA]  }
0x2f: {  	lr =	sadd.s32 s0, s3;
	s0 =	sld [smem:$0x3FA1]  }
0x30: {  	s3 =	sld [smem:$0x3FA4]  }
0x31: {  	[smem:$0x3FAD] =	sst s10  }
0x32: {  	s10 =	sld [smem:$0x3FAB];
	_ =	sdelay $0x3  }
0x33: {  	p0 =	seq.s32 s10, $0x1;
	s10 =	sld [smem:$0x3FAD];
	_ =	sdelay $0x3  }
0x34: {  	[smem:$0x3FAD] =	sst s10  }
0x35: {  	s10 =	sld [smem:$0x3FAC];
	_ =	sdelay $0x3  }
0x36: {  	p1 =	seq.s32 s10, $0x1;
	s10 =	sld [smem:$0x3FAD];
	_ =	sdelay $0x3  }
0x37: {  	[smem:$0x3FAD] =	sst s10  }
0x38: {  	s10 =	sld [smem:$0x3FAE]  }
0x39: {  	_ = 	snop;
	(pc) =	sbr.ind lr, $3  }
0x3a: {  	_ = 	snop  }
0x3b: {  	_ = 	snop  }
0x3c: {  	p2 =	seq.s32 s10, $0x1;
	s10 =	sld [smem:$0x3FAD]  }
0x3d: {  	_ =	shalt  }
0x3e: {  	_ =	shalt  }
0x3f: {  	_ =	shalt  }
0x40: {  	_ =	shalt  }
0x41: {  	_ =	shalt  }
0x42: {  	_ =	shalt  }
0x43: {  	_ =	shalt  }
0x44: {  	_ =	shalt  }
0x45: {  	_ =	shalt  }
0x46: {  	_ =	shalt  }
0x47: {  	_ =	shalt  }
0x48: {  	_ =	shalt  }
0x49: {  	_ =	shalt  }
0x4a: {  	_ =	shalt  }
0x4b: {  	_ =	shalt  }
0x4c: {  	_ =	shalt  }
0x4d: {  	_ =	shalt  }
0x4e: {  	_ =	shalt  }
0x4f: {  	_ =	shalt  }
0x50: {  	_ =	shalt  }
0x51: {  	_ =	shalt  }
0x52: {  	_ =	shalt  }
0x53: {  	_ =	shalt  }
0x54: {  	_ =	shalt  }
0x55: {  	_ =	shalt  }
0x56: {  	_ =	shalt  }
0x57: {  	_ =	shalt  }
0x58: {  	_ =	shalt  }
0x59: {  	_ =	shalt  }
0x5a: {  	_ =	shalt  }
0x5b: {  	_ =	shalt  }
0x5c: {  	_ =	shalt  }
0x5d: {  	_ =	shalt  }
0x5e: {  	_ =	shalt  }
0x5f: {  	_ =	shalt  }
0x60: {  	_ =	shalt  }
0x61: {  	_ =	shalt  }
0x62: {  	_ =	shalt  }
0x63: {  	_ =	shalt  }
0x64: {  	_ =	shalt  }
0x65: {  	_ =	shalt  }
0x66: {  	_ =	shalt  }
0x67: {  	_ =	shalt  }
0x68: {  	_ =	shalt  }
0x69: {  	_ =	shalt  }
0x6a: {  	_ =	shalt  }
0x6b: {  	_ =	shalt  }
0x6c: {  	_ =	shalt  }
0x6d: {  	_ =	shalt  }
0x6e: {  	_ =	shalt  }
0x6f: {  	_ =	shalt  }
0x70: {  	_ =	shalt  }
0x71: {  	_ =	shalt  }
0x72: {  	_ =	shalt  }
0x73: {  	_ =	shalt  }
0x74: {  	_ =	shalt  }
0x75: {  	_ =	shalt  }
0x76: {  	_ =	shalt  }
0x77: {  	_ =	shalt  }
0x78: {  	_ =	shalt  }
0x79: {  	_ =	shalt  }
0x7a: {  	_ =	shalt  }
0x7b: {  	_ =	shalt  }
0x7c: {  	_ =	shalt  }
0x7d: {  	_ =	shalt  }
0x7e: {  	_ =	shalt  }
0x7f: {  	_ =	shalt  }
0x80: {  	_ =	shalt  }
0x81: {  	_ =	shalt  }
0x82: {  	_ =	shalt  }
0x83: {  	_ =	shalt  }
0x84: {  	_ =	shalt  }
0x85: {  	_ =	shalt  }
0x86: {  	_ =	shalt  }
0x87: {  	_ =	shalt  }
.Lfunc_end0:
.L_simem_size_0:
called_computation_lowered:
.L_overlay_start_0:
0x88: {  	s2 =	sld [smem:$0x3FD9]  }
0x89: {  	s3 =	sld [smem:$0x3FFE];
	_ =	sdelay $0x1  }
0x8a: {  	s1 =	srdreg.scid  }
0x8b: {  	s0 =	sand.u32 $0x1, s1  }
0x8c: {  	s17 =	sshll.u32 s0, $0xA;
	s2 =	sadd.s32 s3, s2  }
0x8d: {  	s2 =	sadd.s32 s2, s17  }
0x8e: {  	[smem:$0x3FB9] =	sst s2  }
0x8f: {  	_ = 	snop  }
0x90: {  	s2 =	sld [smem:$0x3FC9];
	(tm) =	ssettm $0x1  }
0x91: {  	s18 =	sld [smem:$0x3FFB];
	_ =	sdelay $0x3  }
0x92: {  	_ =	strace s18  }
0x93: {  	s3 =	sld [smem:$0x3FFC];
	_ =	sdelay $0x3  }
0x94: {  	_ =	strace s3  }
0x95: {  	s3 =	sld [smem:$0x3FFD];
	_ =	sdelay $0x3  }
0x96: {  	_ =	strace s3  }
0x97: {  	_ =	strace $0x8FFFFFFF  }
0x98: {  	s19 =	sld [smem:$0x3FDB];
	_ =	sdelay $0x1  }
0x99: {  	s4 =	simm.s32 $_scs_section_size  }
0x9a: {  	s5 =	simm.s32 $_size__tile_overlayer_lowered;
	s6 =	simm.s32 $_tile_overlayer_lowered  }
0x9b: {  	s22 =	simm.s32 $0x1BFF;
	s21 =	sshll.u32 s6, $0x1;
	s3 =	sadd.s32 s4, s19  }
0x9c: {  	s7 =	simm.s32 $0x0;
	s20 =	sshll.u32 s5, $0x1;
	s5 =	sadd.s32 s21, s3  }
0x9d: {  	[timem:s7], [sflag:s22] =	dma.local [hbm:s5], s20  }
0x9e: {  	_ =	swait.ge [sflag:s22], s20  }
0x9f: {  	s4 =	ssub.s32 $0x0, s20;
	[sflag:s22] =	ssyncset.done $0x0  }
0xa0: {  	[sflag:s22] =	ssyncadd.s32 s4;
	_ =	sdelay $0x1  }
0xa1: {  	s23 =	simm.s32 $0x1B8B  }
0xa2: {  	_ =	swait.ge [sflag:s23], $0x1  }
0xa3: {  	[sflag:s23] =	ssyncset.done $0x0  }
0xa4: {  	s25 =	simm.s32 $0x1B8E;
	s24 =	sld [smem:$0x3FFE];
	[sflag:s23] =	ssyncadd.s32 $0xFFFFFFFF  }
0xa5: {  	s26 =	simm.s32 $execute0_lowered;
	[smem:$0x3FD2] =	sst s25  }
0xa6: {  	s5 =	sshll.u32 s26, $0x1;
	_ =	strace $0x80000046;
	[dreg:$0x1] =	wrdreg $0xFFFFFFFF  }
0xa7: {  	s28 =	simm.s32 $_size_execute0_lowered;
	s3 =	sadd.s32 s3, s5;
	[dreg:$0x0] =	wrdreg $0x0  }
0xa8: {  	s5 =	sshll.u32 s28, $0x1;
	[dreg:$0x2] =	wrdreg s3  }
0xa9: {  	[dreg:$0x3] =	wrdreg s5  }
0xaa: {  	[dreg:$0x4] =	wrdreg $0xC0  }
0xab: {  	_ =	task [dreg:s7], $0x5FFFF  }
0xac: {  	[dreg:$0x1] =	wrdreg $0xFFFFFFFF  }
0xad: {  	[dreg:$0x0] =	wrdreg $0x60  }
0xae: {  	[dreg:$0x2] =	wrdreg s2  }
0xaf: {  	[dreg:$0x3] =	wrdreg s24  }
0xb0: {  	[dreg:$0x4] =	wrdreg $0x9E200  }
0xb1: {  	[dreg:$0x5] =	wrdreg $0x9  }
0xb2: {  	_ =	task.clear_ibuf [dreg:s7], $0x6FFFF;
	_ =	strace $0x90000046  }
0xb3: {  	s29 =	simm.s32 $0x9;
	_ =	strace $0x80000048  }
0xb4: {  	_ =	swait.ge [sflag:s29], $0x1  }
0xb5: {  	[sflag:s29] =	ssyncadd.s32 $0xFFFFFFFF  }
0xb6: {  	_ =	strace $0x90000048  }
0xb7: {  	_ =	sfence  }
0xb8: {  	s30 =	sld [smem:$0x0];
	_ =	sdelay $0x2  }
0xb9: {  	s31 =	sshll.u32 s1, $0xD;
	s1 =	sshrl.u32 s1, $0x2  }
0xba: {  	s3 =	sand.u32 $0x4000, s31;
	s1 =	sadd.s32 s1, s30  }
0xbb: {  	s0 =	sor.u32 s3, s0;
	s1 =	sshll.u32 s1, $0x11  }
0xbc: {  	s0 =	sor.u32 s1, s0  }
0xbd: {  	s0 =	sadd.s32 $0x8F2B, s0  }
0xbe: {  	[sflag:s0] =	ssyncadd.remote.s32 $0x1  }
0xbf: {  	_ =	sfence.sel $0xFFFF  }
0xc0: {  	[dreg:$0x0] =	wrdreg $0xFFFFFFFF;
	(pc) =	sbr.abs _section_cstart, $3  }
0xc1: {  	[dreg:$0x1] =	wrdreg $0xFFFFFFFF  }
0xc2: {  	_ =	task.clear_ibuf [dreg:s7], $0x2FFFF;
	_ =	strace $0x9FFFFFFF  }
0xc3: {  	(tm) =	ssettm $0x7FFFFFFF  }
tec
execute0_lowered:
.L_overlay_start_1:
0x0: {  	(tag) =	ssettag $0x1  }
0x1: {  	s1 =	rddreg [dreg:$0x0]  }
0x2: {  	s0 =	srdreg.scid;
	s2 =	rddreg [dreg:$0x1]  }
0x3: {  	s7 =	stileid.u32;
	s3 =	rddreg [dreg:$0x2];
	s11 =	simm.s32 $0x9  }
0x4: {  	s12 =	simm.s32 $0x2710;
	s13 =	simm.s32 $0x28;
	s14 =	simm.s32 $0x4E20  }
0x5: {  	s15 =	simm.s32 $0x6220;
	s16 =	simm.s32 $0x1;
	s17 =	simm.s32 $0x2  }
0x6: {  	s20 =	simm.s32 $0x7620;
	s22 =	simm.s32 $0x8A20;
	s23 =	simm.s32 $0x3  }
0x7: {  	s26 =	simm.s32 $0x4;
	s29 =	simm.s32 $0x5;
	s30 =	simm.s32 $0xA0  }
0x8: {  	s31 =	simm.s32 $0x6;
	s0 =	sand.u32 $0x1, s0;
	s9 =	smul.u32 $0x13880, s7  }
0x9: {  	s19 =	simm.s32 $0x0;
	s4 =	sshll.u32 s0, $0x4;
	s6 =	smul.u32 $0x27100, s0  }
0xa: {  	s0 =	ssub.s32 $0x2, s0;
	s5 =	sor.u32 s7, s4;
	s4 =	simm.s32 $0x0  }
0xb: {  	s28 =	sshrl.u32 s0, $0x1;
	s7 =	sshll.u32 s7, $0x6;
	s10 =	sadd.s32 s9, s3  }
0xc: {  	s18 =	sshrl.u32 s9, $0x3;
	s5 =	smul.u32 $0x4E2, s5;
	[smem:$0x7FF] =	sst s4  }
0xd: {  	s0 =	ssub.s32 s0, s28;
	s10 =	sshrl.u32 s10, $0x3;
	_ =	strace $0x80000047  }
0xe: {  	s9 =	smax.u32 s0, $0x1;
	s0 =	simm.s32 $0x7;
	s8 =	sadd.s32 s5, s2  }
0xf: {  	s5 =	sadd.s32 $0x16000, s2;
	s2 =	sadd.s32 s6, s2;
	s6 =	sor.u32 $0x1C09, s7  }
0x10: {  	s7 =	sadd.s32 $0xC200, s8;
	s8 =	sadd.s32 $0x2400, s8;
	s2 =	sadd.s32 $0x18800, s2  }
0x11: {  	s24 =	sadd.s32 s18, s2;
	s2 =	simm.s32 $0xC8;
	s18 =	simm.s32 $0x8  }
.LBB2_1:
0x12: {  	[spmem:s10], [sflag:s6] =	dma.local [hbm:s5], $0x2710  }
0x13: {  	_ =	swait.ge [sflag:s11], $0x2710  }
0x14: {  	[sflag:s11] =	ssyncset.done $0x0  }
0x15: {  	[sflag:s11] =	ssyncadd.s32 $0xFFFFD8F0  }
0x16: {  	[tilespmem:s4], [sflag:$0x9] =	stream.linear.gather [hbm4b:s7+s4], $0x2710, $0x38;
	[tilespmem:$0x1D6A0] =	vst v63  }
0x17: {  	_ =	swait.ge [sflag:s11], $0x2710  }
0x18: {  	[sflag:s11] =	ssyncset.done $0x0  }
0x19: {  	[sflag:s11] =	ssyncadd.s32 $0xFFFFD8F0  }
0x1a: {  	[tilespmem:s12], [sflag:$0x9] =	stream.linear.gather [hbm4b:s8+s4], $0x2710, $0x38;
	[tilespmem:$0x1D6A0] =	vst v63  }
0x1b: {  	_ =	swait.ge [sflag:s11], $0x2710  }
0x1c: {  	[sflag:s11] =	ssyncset.done $0x0  }
0x1d: {  	[sflag:s11] =	ssyncadd.s32 $0xFFFFD8F0  }
0x1e: {  	[bflag:$0x0] =	sbarrier.arrive $0xFFFF  }
0x1f: {  	[tilespmem:s14], [sflag:$0x1] =	stream.indirect.gather [hbm4b:s1+s13], $0x80, s4, s13, $0xb8;
	[tilespmem:$0x1D6A0] =	vst v63  }
0x20: {  	_ = 	snop  }
0x21: {  	[tilespmem:s15], [sflag:$0x2] =	stream.indirect.gather [hbm4b:s1+s13], $0x80, s13, s13, $0xb8;
	[tilespmem:$0x1D6A0] =	vst v63  }
0x22: {  	_ =	swait.ge [sflag:s16], $0x1400  }
0x23: {  	[sflag:s16] =	ssyncset.done $0x0  }
0x24: {  	[sflag:s16] =	ssyncadd.s32 $0xFFFFEC00  }
0x25: {  	[spmem:s3] =	stream.indirect.scatter.add.f32 [tilespmem:s14], [sflag:$0x5], $0x80, s12, s13, $0xb8;
	[tilespmem:$0x1D6A0] =	vst v63  }
0x26: {  	_ =	swait.ge [sflag:s17], $0x1400  }
0x27: {  	[sflag:s17] =	ssyncset.done $0x0  }
0x28: {  	s21 =	simm.s32 $0x2738;
	[sflag:s17] =	ssyncadd.s32 $0xFFFFEC00  }
0x29: {  	[spmem:s3] =	stream.indirect.scatter.add.f32 [tilespmem:s15], [sflag:$0x6], $0x80, s21, s13, $0xb8;
	[tilespmem:$0x1D6A0] =	vst v63  }
0x2a: {  	s28 =	simm.s32 $0x50  }
0x2b: {  	[tilespmem:s20], [sflag:$0x3] =	stream.indirect.gather [hbm4b:s1+s13], $0x80, s28, s13, $0xb8;
	[tilespmem:$0x1D6A0] =	vst v63  }
0x2c: {  	s25 =	simm.s32 $0x78  }
0x2d: {  	[tilespmem:s22], [sflag:$0x4] =	stream.indirect.gather [hbm4b:s1+s13], $0x80, s25, s13, $0xb8;
	[tilespmem:$0x1D6A0] =	vst v63  }
0x2e: {  	_ =	swait.ge [sflag:s23], $0x1400  }
0x2f: {  	[sflag:s23] =	ssyncset.done $0x0  }
0x30: {  	s28 =	simm.s32 $0x2760;
	[sflag:s23] =	ssyncadd.s32 $0xFFFFEC00  }
0x31: {  	[spmem:s3] =	stream.indirect.scatter.add.f32 [tilespmem:s20], [sflag:$0x7], $0x80, s28, s13, $0xb8;
	[tilespmem:$0x1D6A0] =	vst v63  }
0x32: {  	_ =	swait.ge [sflag:s26], $0x1400  }
0x33: {  	[sflag:s26] =	ssyncset.done $0x0  }
0x34: {  	s25 =	simm.s32 $0x2788;
	[sflag:s26] =	ssyncadd.s32 $0xFFFFEC00  }
0x35: {  	[spmem:s3] =	stream.indirect.scatter.add.f32 [tilespmem:s22], [sflag:$0x8], $0x80, s25, s13, $0xb8;
	[tilespmem:$0x1D6A0] =	vst v63  }
0x36: {  	_ =	swait.ge [sflag:s29], $0x1400  }
0x37: {  	[sflag:s29] =	ssyncset.done $0x0  }
0x38: {  	[sflag:s29] =	ssyncadd.s32 $0xFFFFEC00  }
0x39: {  	[tilespmem:s14], [sflag:$0x1] =	stream.indirect.gather [hbm4b:s1+s13], $0x80, s30, s13, $0xb8;
	[tilespmem:$0x1D6A0] =	vst v63  }
0x3a: {  	_ =	swait.ge [sflag:s31], $0x1400  }
0x3b: {  	[sflag:s31] =	ssyncset.done $0x0  }
0x3c: {  	[sflag:s31] =	ssyncadd.s32 $0xFFFFEC00  }
0x3d: {  	[tilespmem:s15], [sflag:$0x2] =	stream.indirect.gather [hbm4b:s1+s13], $0x80, s2, s13, $0xb8;
	[tilespmem:$0x1D6A0] =	vst v63  }
0x3e: {  	_ =	swait.ge [sflag:s16], $0x1400  }
0x3f: {  	[sflag:s16] =	ssyncset.done $0x0  }
0x40: {  	s28 =	simm.s32 $0x27B0;
	[sflag:s16] =	ssyncadd.s32 $0xFFFFEC00  }
0x41: {  	[spmem:s3] =	stream.indirect.scatter.add.f32 [tilespmem:s14], [sflag:$0x5], $0x80, s28, s13, $0xb8;
	[tilespmem:$0x1D6A0] =	vst v63  }
0x42: {  	_ =	swait.ge [sflag:s17], $0x1400  }
0x43: {  	[sflag:s17] =	ssyncset.done $0x0  }
0x44: {  	s25 =	simm.s32 $0x27D8;
	[sflag:s17] =	ssyncadd.s32 $0xFFFFEC00  }
0x45: {  	[spmem:s3] =	stream.indirect.scatter.add.f32 [tilespmem:s15], [sflag:$0x6], $0x80, s25, s13, $0xb8;
	[tilespmem:$0x1D6A0] =	vst v63  }
0x46: {  	_ =	swait.ge [sflag:s0], $0x1400  }
0x47: {  	[sflag:s0] =	ssyncset.done $0x0  }
0x48: {  	s28 =	simm.s32 $0xF0;
	[sflag:s0] =	ssyncadd.s32 $0xFFFFEC00  }
0x49: {  	[tilespmem:s20], [sflag:$0x3] =	stream.indirect.gather [hbm4b:s1+s13], $0x80, s28, s13, $0xb8;
	[tilespmem:$0x1D6A0] =	vst v63  }
0x4a: {  	_ =	swait.ge [sflag:s18], $0x1400  }
0x4b: {  	[sflag:s18] =	ssyncset.done $0x0  }
0x4c: {  	s25 =	simm.s32 $0x118;
	[sflag:s18] =	ssyncadd.s32 $0xFFFFEC00  }
0x4d: {  	[tilespmem:s22], [sflag:$0x4] =	stream.indirect.gather [hbm4b:s1+s13], $0x80, s25, s13, $0xb8;
	[tilespmem:$0x1D6A0] =	vst v63  }
0x4e: {  	_ =	swait.ge [sflag:s23], $0x1400  }
0x4f: {  	[sflag:s23] =	ssyncset.done $0x0  }
0x50: {  	s28 =	simm.s32 $0x2800;
	[sflag:s23] =	ssyncadd.s32 $0xFFFFEC00  }
0x51: {  	[spmem:s3] =	stream.indirect.scatter.add.f32 [tilespmem:s20], [sflag:$0x7], $0x80, s28, s13, $0xb8;
	[tilespmem:$0x1D6A0] =	vst v63  }
0x52: {  	_ =	swait.ge [sflag:s26], $0x1400  }
0x53: {  	[sflag:s26] =	ssyncset.done $0x0  }
0x54: {  	s25 =	simm.s32 $0x2828;
	[sflag:s26] =	ssyncadd.s32 $0xFFFFEC00  }
0x55: {  	[spmem:s3] =	stream.indirect.scatter.add.f32 [tilespmem:s22], [sflag:$0x8], $0x80, s25, s13, $0xb8;
	[tilespmem:$0x1D6A0] =	vst v63  }
0x56: {  	_ =	swait.ge [sflag:s29], $0x1400  }
0x57: {  	[sflag:s29] =	ssyncset.done $0x0  }
0x58: {  	s28 =	simm.s32 $0x140;
	[sflag:s29] =	ssyncadd.s32 $0xFFFFEC00  }
0x59: {  	[tilespmem:s14], [sflag:$0x1] =	stream.indirect.gather [hbm4b:s1+s13], $0x80, s28, s13, $0xb8;
	[tilespmem:$0x1D6A0] =	vst v63  }
0x5a: {  	_ =	swait.ge [sflag:s31], $0x1400  }
0x5b: {  	[sflag:s31] =	ssyncset.done $0x0  }
0x5c: {  	s21 =	simm.s32 $0x280;
	s25 =	simm.s32 $0x168;
	[sflag:s31] =	ssyncadd.s32 $0xFFFFEC00  }
.LBB2_2:
0x5d: {  	[tilespmem:s15], [sflag:$0x2] =	stream.indirect.gather [hbm4b:s1+s13], $0x80, s25, s13, $0xb8;
	[tilespmem:$0x1D6A0] =	vst v63  }
0x5e: {  	s25 =	smov.u32 s21;
	s21 =	sadd.s32 $0x280, s21;
	_ =	swait.ge [sflag:s16], $0x1400  }
0x5f: {  	s25 =	sshra.s32 s25, $0x2;
	p0 =	sne.s32 s21, $0x9880;
	[sflag:s16] =	ssyncset.done $0x0  }
0x60: {  	s28 =	sadd.s32 $0x27B0, s25;
	[sflag:s16] =	ssyncadd.s32 $0xFFFFEC00  }
0x61: {  	[spmem:s3] =	stream.indirect.scatter.add.f32 [tilespmem:s14], [sflag:$0x5], $0x80, s28, s13, $0xb8;
	[tilespmem:$0x1D6A0] =	vst v63  }
0x62: {  	_ =	swait.ge [sflag:s17], $0x1400  }
0x63: {  	[sflag:s17] =	ssyncset.done $0x0  }
0x64: {  	s28 =	sadd.s32 $0x27D8, s25;
	[sflag:s17] =	ssyncadd.s32 $0xFFFFEC00  }
0x65: {  	[spmem:s3] =	stream.indirect.scatter.add.f32 [tilespmem:s15], [sflag:$0x6], $0x80, s28, s13, $0xb8;
	[tilespmem:$0x1D6A0] =	vst v63  }
0x66: {  	_ =	swait.ge [sflag:s0], $0x1400  }
0x67: {  	[sflag:s0] =	ssyncset.done $0x0  }
0x68: {  	s28 =	sadd.s32 $0xF0, s25;
	[sflag:s0] =	ssyncadd.s32 $0xFFFFEC00  }
0x69: {  	[tilespmem:s20], [sflag:$0x3] =	stream.indirect.gather [hbm4b:s1+s13], $0x80, s28, s13, $0xb8;
	[tilespmem:$0x1D6A0] =	vst v63  }
0x6a: {  	_ =	swait.ge [sflag:s18], $0x1400  }
0x6b: {  	[sflag:s18] =	ssyncset.done $0x0  }
0x6c: {  	s28 =	sadd.s32 $0x118, s25;
	[sflag:s18] =	ssyncadd.s32 $0xFFFFEC00  }
0x6d: {  	[tilespmem:s22], [sflag:$0x4] =	stream.indirect.gather [hbm4b:s1+s13], $0x80, s28, s13, $0xb8;
	[tilespmem:$0x1D6A0] =	vst v63  }
0x6e: {  	_ =	swait.ge [sflag:s23], $0x1400  }
0x6f: {  	[sflag:s23] =	ssyncset.done $0x0  }
0x70: {  	s28 =	sadd.s32 $0x2800, s25;
	[sflag:s23] =	ssyncadd.s32 $0xFFFFEC00  }
0x71: {  	[spmem:s3] =	stream.indirect.scatter.add.f32 [tilespmem:s20], [sflag:$0x7], $0x80, s28, s13, $0xb8;
	[tilespmem:$0x1D6A0] =	vst v63  }
0x72: {  	_ =	swait.ge [sflag:s26], $0x1400  }
0x73: {  	[sflag:s26] =	ssyncset.done $0x0  }
0x74: {  	s28 =	sadd.s32 $0x2828, s25;
	[sflag:s26] =	ssyncadd.s32 $0xFFFFEC00  }
0x75: {  	[spmem:s3] =	stream.indirect.scatter.add.f32 [tilespmem:s22], [sflag:$0x8], $0x80, s28, s13, $0xb8;
	[tilespmem:$0x1D6A0] =	vst v63  }
0x76: {  	_ =	swait.ge [sflag:s29], $0x1400  }
0x77: {  	[sflag:s29] =	ssyncset.done $0x0  }
.Ltmp0:
0x78: {  	s28 =	sadd.s32 $0x140, s25;
	[sflag:s29] =	ssyncadd.s32 $0xFFFFEC00;
	(pc) =	sbr.rel @p0 .LBB2_2-.Ltmp0, $4  }
0x79: {  	[tilespmem:s14], [sflag:$0x1] =	stream.indirect.gather [hbm4b:s1+s13], $0x80, s28, s13, $0xb8;
	[tilespmem:$0x1D6A0] =	vst v63  }
0x7a: {  	_ =	swait.ge [sflag:s31], $0x1400  }
0x7b: {  	[sflag:s31] =	ssyncset.done $0x0  }
0x7c: {  	s25 =	sadd.s32 $0x168, s25;
	[sflag:s31] =	ssyncadd.s32 $0xFFFFEC00  }
0x7d: {  	[tilespmem:s15], [sflag:$0x2] =	stream.indirect.gather [hbm4b:s1+s13], $0x80, s25, s13, $0xb8;
	[tilespmem:$0x1D6A0] =	vst v63  }
0x7e: {  	_ =	swait.ge [sflag:s16], $0x1400  }
0x7f: {  	s21 =	sshra.s32 s21, $0x2;
	[sflag:s16] =	ssyncset.done $0x0  }
0x80: {  	s28 =	sadd.s32 $0x27B0, s21;
	[sflag:s16] =	ssyncadd.s32 $0xFFFFEC00  }
0x81: {  	[spmem:s3] =	stream.indirect.scatter.add.f32 [tilespmem:s14], [sflag:$0x5], $0x80, s28, s13, $0xb8;
	[tilespmem:$0x1D6A0] =	vst v63  }
0x82: {  	_ =	swait.ge [sflag:s17], $0x1400  }
0x83: {  	[sflag:s17] =	ssyncset.done $0x0  }
0x84: {  	s21 =	sadd.s32 $0x27D8, s21;
	[sflag:s17] =	ssyncadd.s32 $0xFFFFEC00  }
0x85: {  	[spmem:s3] =	stream.indirect.scatter.add.f32 [tilespmem:s15], [sflag:$0x6], $0x80, s21, s13, $0xb8;
	[tilespmem:$0x1D6A0] =	vst v63  }
0x86: {  	_ =	swait.ge [sflag:s29], $0x1400  }
0x87: {  	[sflag:s29] =	ssyncset.done $0x0  }
0x88: {  	[sflag:s29] =	ssyncadd.s32 $0xFFFFEC00  }
0x89: {  	_ =	swait.ge [sflag:s31], $0x1400  }
0x8a: {  	[sflag:s31] =	ssyncset.done $0x0  }
0x8b: {  	[sflag:s31] =	ssyncadd.s32 $0xFFFFEC00  }
0x8c: {  	_ =	swait.ge [sflag:s0], $0x1400  }
0x8d: {  	[sflag:s0] =	ssyncset.done $0x0  }
0x8e: {  	[sflag:s0] =	ssyncadd.s32 $0xFFFFEC00  }
0x8f: {  	_ =	swait.ge [sflag:s18], $0x1400  }
0x90: {  	s19 =	sadd.s32 $0x1, s19;
	[sflag:s18] =	ssyncset.done $0x0  }
0x91: {  	p0 =	sne.s32 s19, s9;
	[sflag:s18] =	ssyncadd.s32 $0xFFFFEC00  }
.Ltmp1:
0x92: {  	[bflag:$0x0] =	sbarrier.arrive $0xFFFF;
	(pc) =	sbr.rel @p0 .LBB2_1-.Ltmp1, $4  }
0x93: {  	[hbm:s24], [sflag:s6] =	dma.local [spmem:s10], $0x2710  }
0x94: {  	_ =	swait.ge [sflag:s11], $0x2710  }
0x95: {  	[sflag:s11] =	ssyncset.done $0x0  }
0x96: {  	[sflag:s11] =	ssyncadd.s32 $0xFFFFD8F0  }
0x97: {  	_ =	sfence.sel $0x180000  }
0x98: {  	[bflag:$0x0] =	sbarrier.arrive $0xFFFF  }
0x99: {  	_ =	strace $0x90000047  }
0x9a: {  	s0 =	stileid.u32;
	[bflag:$0x2] =	sbarrier.arrive $0xFFFF  }
0x9b: {  	p0 =	sne.s32 s0, $0x0;
	s0 =	rddreg [dreg:$0x3]  }
0x9c: {  	s0 =	sadd.s32 @!p0 $0x100000, s0  }
0x9d: {  	[sflag:s0] =	ssyncadd.tile.s32 @!p0 $0x1;
	_ =	shalt  }
.Lfunc_end2:
_tile_overlayer_lowered:
.L_overlay_start_2:
0x9e: {  	(tag) =	ssettag $0x2  }
0x9f: {  	s0 =	rddreg [dreg:$0x0];
	s2 =	stileid.u32  }
0xa0: {  	s1 =	rddreg [dreg:$0x1];
	p0 =	sne.s32 s2, $0x0  }
0xa1: {  	s3 =	rddreg [dreg:$0x2];
	[bflag:$0x3] =	sbarrier.arrive $0xFFFF;
	s2 =	simm.s32 @!p0 $0x1C09  }
0xa2: {  	[timem:s3], [sflag:s2] =	dma.local @!p0 [hbm:s0], s1  }
0xa3: {  	s0 =	simm.s32 @!p0 $0x9  }
0xa4: {  	_ =	swait.ge @!p0 [sflag:s0], s1  }
0xa5: {  	s1 =	ssub.s32 @!p0 $0x0, s1;
	[sflag:s0] =	ssyncset.done @!p0 $0x0  }
0xa6: {  	[sflag:s0] =	ssyncadd.s32 @!p0 s1  }
0xa7: {  	[bflag:$0x3] =	sbarrier.arrive $0xFFFF  }
0xa8: {  	_ =	shalt  }

// kernel: kernel.9.cloned.1.call-start
scs
__scs_entry_jumppad:
0x0: {  	(pc) =	sbr.rel $0x88, $3  }
0x1: {  	(tag) =	ssettag $0x0;
	lr =	simm.s32 $0x1  }
0x2: {  	[smem:$0x3F92] =	sst lr;
	_ =	strace $0xD0000000  }
0x3: {  	_ = 	snop  }
0x4: {  	_ = 	snop  }
0x5: {  	_ = 	snop  }
0x6: {  	_ = 	snop  }
0x7: {  	_ = 	snop  }
__scs_overlays_trampoline_lowered:
0x8: {  	[smem:$0x3FA1] =	sst s0  }
0x9: {  	[smem:$0x3FA2] =	sst s1  }
0xa: {  	[smem:$0x3FA3] =	sst s2  }
0xb: {  	[smem:$0x3FA4] =	sst s3  }
0xc: {  	[smem:$0x3FA5] =	sst s4  }
0xd: {  	[smem:$0x3FA6] =	sst s5  }
0xe: {  	[smem:$0x3FA7] =	sst s6  }
0xf: {  	[smem:$0x3FA8] =	sst s7  }
0x10: {  	[smem:$0x3FA9] =	sst s8  }
0x11: {  	[smem:$0x3FAA] =	sst s9;
	s0 =	simm.s32 @!p0 $0x0  }
0x12: {  	s1 =	sld [smem:$0x3F90];
	s0 =	simm.s32 @p0 $0x1  }
0x13: {  	[smem:$0x3FAB] =	sst s0;
	s0 =	simm.s32 @!p1 $0x0  }
0x14: {  	s2 =	sld [smem:$0x3F8F];
	s0 =	simm.s32 @p1 $0x1  }
0x15: {  	[smem:$0x3FAC] =	sst s0;
	s0 =	simm.s32 @!p2 $0x0  }
0x16: {  	s3 =	sld [smem:$0x3FDB];
	s0 =	simm.s32 @p2 $0x1  }
0x17: {  	s4 =	simm.s32 $0x1BF5;
	[smem:$0x3FAE] =	sst s0  }
0x18: {  	s0 =	sld [smem:$0x3F91];
	_ =	swait.ge [sflag:s4], $0x0  }
0x19: {  	s7 =	sld [smem:$0x3F92]  }
0x1a: {  	s8 =	sadd.s32 $0xFFFFE003, lr  }
0x1b: {  	s9 =	sadd.s32 $0xFFFFFEF7, lr;
	s5 =	simm.s32 $0xFFFFFFFF;
	p2 =	slt.u32 s8, $0xFFFFF086  }
0x1c: {  	p1 =	slt.u32 s9, $0xF7A;
	s5 =	simm.s32 @!p2 $0x0  }
0x1d: {  	s5 =	simm.s32 @p1 $0x1;
	p0 =	seq.s32 s7, s2  }
0x1e: {  	s7 =	smul.u32 @!p0 $0xF7A, s2;
	p2 =	seq.s32 @!p0 s5, $0x0  }
0x1f: {  	s9 =	smul.u32 $0xF7A, s1;
	s8 =	simm.s32 @!p0 $0x1BF5;
	p2 =	por !p2, p0  }
0x20: {  	[sflag:s8] =	ssyncset.s32 @!p0 $0xFFFFF086;
	s6 =	sadd.s32 @!p0 s3, s7;
	s7 =	simm.s32 @!p0 $0x108  }
0x21: {  	s3 =	sadd.s32 s3, s9;
	s6 =	sadd.s32 @!p0 $0x88, s6;
	s7 =	simm.s32 @p2 $0x1082  }
0x22: {  	[simem:s7], [sflag:s8] =	dma.local @!p0 [hbm:s6], $0xF7A  }
0x23: {  	s9 =	sor.u32 $0xD0000000, s2;
	s6 =	simm.s32 $0x108;
	_ =	swait.ge @!p0 [sflag:s8], $0x0  }
0x24: {  	s3 =	sadd.s32 $0x88, s3;
	s6 =	simm.s32 @!p1 $0x1082;
	[sflag:s4] =	ssyncset.s32 $0xFFFFF086  }
0x25: {  	[simem:s6], [sflag:s4] =	dma.local [hbm:s3], $0xF7A  }
0x26: {  	[smem:$0x3F92] =	sst s1;
	(tag) =	ssettag s2;
	_ =	strace s9  }
0x27: {  	s1 =	sld [smem:$0x3FA2]  }
0x28: {  	s2 =	sld [smem:$0x3FA3]  }
0x29: {  	s4 =	sld [smem:$0x3FA5]  }
0x2a: {  	p0 =	seq.s32 s5, $0x0;
	s5 =	sld [smem:$0x3FA6]  }
0x2b: {  	s6 =	sld [smem:$0x3FA7]  }
0x2c: {  	s7 =	sld [smem:$0x3FA8]  }
0x2d: {  	s3 =	simm.s32 $0x108;
	s8 =	sld [smem:$0x3FA9]  }
0x2e: {  	s3 =	simm.s32 @!p0 $0x1082;
	s9 =	sld [smem:$0x3FAA]  }
0x2f: {  	lr =	sadd.s32 s0, s3;
	s0 =	sld [smem:$0x3FA1]  }
0x30: {  	s3 =	sld [smem:$0x3FA4]  }
0x31: {  	[smem:$0x3FAD] =	sst s10  }
0x32: {  	s10 =	sld [smem:$0x3FAB];
	_ =	sdelay $0x3  }
0x33: {  	p0 =	seq.s32 s10, $0x1;
	s10 =	sld [smem:$0x3FAD];
	_ =	sdelay $0x3  }
0x34: {  	[smem:$0x3FAD] =	sst s10  }
0x35: {  	s10 =	sld [smem:$0x3FAC];
	_ =	sdelay $0x3  }
0x36: {  	p1 =	seq.s32 s10, $0x1;
	s10 =	sld [smem:$0x3FAD];
	_ =	sdelay $0x3  }
0x37: {  	[smem:$0x3FAD] =	sst s10  }
0x38: {  	s10 =	sld [smem:$0x3FAE]  }
0x39: {  	_ = 	snop;
	(pc) =	sbr.ind lr, $3  }
0x3a: {  	_ = 	snop  }
0x3b: {  	_ = 	snop  }
0x3c: {  	p2 =	seq.s32 s10, $0x1;
	s10 =	sld [smem:$0x3FAD]  }
0x3d: {  	_ =	shalt  }
0x3e: {  	_ =	shalt  }
0x3f: {  	_ =	shalt  }
0x40: {  	_ =	shalt  }
0x41: {  	_ =	shalt  }
0x42: {  	_ =	shalt  }
0x43: {  	_ =	shalt  }
0x44: {  	_ =	shalt  }
0x45: {  	_ =	shalt  }
0x46: {  	_ =	shalt  }
0x47: {  	_ =	shalt  }
0x48: {  	_ =	shalt  }
0x49: {  	_ =	shalt  }
0x4a: {  	_ =	shalt  }
0x4b: {  	_ =	shalt  }
0x4c: {  	_ =	shalt  }
0x4d: {  	_ =	shalt  }
0x4e: {  	_ =	shalt  }
0x4f: {  	_ =	shalt  }
0x50: {  	_ =	shalt  }
0x51: {  	_ =	shalt  }
0x52: {  	_ =	shalt  }
0x53: {  	_ =	shalt  }
0x54: {  	_ =	shalt  }
0x55: {  	_ =	shalt  }
0x56: {  	_ =	shalt  }
0x57: {  	_ =	shalt  }
0x58: {  	_ =	shalt  }
0x59: {  	_ =	shalt  }
0x5a: {  	_ =	shalt  }
0x5b: {  	_ =	shalt  }
0x5c: {  	_ =	shalt  }
0x5d: {  	_ =	shalt  }
0x5e: {  	_ =	shalt  }
0x5f: {  	_ =	shalt  }
0x60: {  	_ =	shalt  }
0x61: {  	_ =	shalt  }
0x62: {  	_ =	shalt  }
0x63: {  	_ =	shalt  }
0x64: {  	_ =	shalt  }
0x65: {  	_ =	shalt  }
0x66: {  	_ =	shalt  }
0x67: {  	_ =	shalt  }
0x68: {  	_ =	shalt  }
0x69: {  	_ =	shalt  }
0x6a: {  	_ =	shalt  }
0x6b: {  	_ =	shalt  }
0x6c: {  	_ =	shalt  }
0x6d: {  	_ =	shalt  }
0x6e: {  	_ =	shalt  }
0x6f: {  	_ =	shalt  }
0x70: {  	_ =	shalt  }
0x71: {  	_ =	shalt  }
0x72: {  	_ =	shalt  }
0x73: {  	_ =	shalt  }
0x74: {  	_ =	shalt  }
0x75: {  	_ =	shalt  }
0x76: {  	_ =	shalt  }
0x77: {  	_ =	shalt  }
0x78: {  	_ =	shalt  }
0x79: {  	_ =	shalt  }
0x7a: {  	_ =	shalt  }
0x7b: {  	_ =	shalt  }
0x7c: {  	_ =	shalt  }
0x7d: {  	_ =	shalt  }
0x7e: {  	_ =	shalt  }
0x7f: {  	_ =	shalt  }
0x80: {  	_ =	shalt  }
0x81: {  	_ =	shalt  }
0x82: {  	_ =	shalt  }
0x83: {  	_ =	shalt  }
0x84: {  	_ =	shalt  }
0x85: {  	_ =	shalt  }
0x86: {  	_ =	shalt  }
0x87: {  	_ =	shalt  }
.Lfunc_end0:
.L_simem_size_0:
called_computation.1_lowered:
.L_overlay_start_0:
0x88: {  	s2 =	sld [smem:$0x3FD9]  }
0x89: {  	s3 =	sld [smem:$0x3FFE];
	_ =	sdelay $0x1  }
0x8a: {  	s1 =	srdreg.scid  }
0x8b: {  	s0 =	sand.u32 $0x1, s1  }
0x8c: {  	s16 =	sshll.u32 s0, $0xA;
	s2 =	sadd.s32 s3, s2  }
0x8d: {  	s2 =	sadd.s32 s2, s16  }
0x8e: {  	[smem:$0x3FB9] =	sst s2  }
0x8f: {  	_ = 	snop  }
0x90: {  	(tm) =	ssettm $0x1  }
0x91: {  	s17 =	sld [smem:$0x3FFB];
	_ =	sdelay $0x3  }
0x92: {  	_ =	strace s17  }
0x93: {  	s2 =	sld [smem:$0x3FFC];
	_ =	sdelay $0x3  }
0x94: {  	_ =	strace s2  }
0x95: {  	s2 =	sld [smem:$0x3FFD];
	_ =	sdelay $0x3  }
0x96: {  	_ =	strace s2  }
0x97: {  	_ =	strace $0x8FFFFFFF  }
0x98: {  	s18 =	sld [smem:$0x3FDB];
	_ =	sdelay $0x1  }
0x99: {  	s19 =	simm.s32 $_scs_section_size  }
0x9a: {  	s4 =	simm.s32 $_size__tile_overlayer_lowered;
	s5 =	simm.s32 $_tile_overlayer_lowered  }
0x9b: {  	s22 =	simm.s32 $0x1BFF;
	s21 =	sshll.u32 s5, $0x1;
	s2 =	sadd.s32 s19, s18  }
0x9c: {  	s6 =	simm.s32 $0x0;
	s20 =	sshll.u32 s4, $0x1;
	s4 =	sadd.s32 s21, s2  }
0x9d: {  	[timem:s6], [sflag:s22] =	dma.local [hbm:s4], s20  }
0x9e: {  	_ =	swait.ge [sflag:s22], s20  }
0x9f: {  	s3 =	ssub.s32 $0x0, s20;
	[sflag:s22] =	ssyncset.done $0x0  }
0xa0: {  	[sflag:s22] =	ssyncadd.s32 s3;
	_ =	sdelay $0x1  }
0xa1: {  	s23 =	simm.s32 $0x1B8B  }
0xa2: {  	_ =	swait.ge [sflag:s23], $0x1  }
0xa3: {  	[sflag:s23] =	ssyncset.done $0x0  }
0xa4: {  	s25 =	simm.s32 $0x1B8E;
	s24 =	sld [smem:$0x3FFE];
	[sflag:s23] =	ssyncadd.s32 $0xFFFFFFFF  }
0xa5: {  	s26 =	simm.s32 $execute0_lowered;
	[smem:$0x3FD2] =	sst s25  }
0xa6: {  	s4 =	sshll.u32 s26, $0x1;
	_ =	strace $0x80000049;
	[dreg:$0x1] =	wrdreg $0xFFFFFFFF  }
0xa7: {  	s28 =	simm.s32 $_size_execute0_lowered;
	s2 =	sadd.s32 s2, s4;
	[dreg:$0x0] =	wrdreg $0x0  }
0xa8: {  	s4 =	sshll.u32 s28, $0x1;
	[dreg:$0x2] =	wrdreg s2  }
0xa9: {  	[dreg:$0x3] =	wrdreg s4  }
0xaa: {  	[dreg:$0x4] =	wrdreg $0xC0  }
0xab: {  	_ =	task [dreg:s6], $0x5FFFF  }
0xac: {  	[dreg:$0x1] =	wrdreg $0xFFFFFFFF  }
0xad: {  	[dreg:$0x0] =	wrdreg $0x60  }
0xae: {  	[dreg:$0x2] =	wrdreg s24  }
0xaf: {  	[dreg:$0x3] =	wrdreg $0x116200  }
0xb0: {  	[dreg:$0x4] =	wrdreg $0x9  }
0xb1: {  	_ =	task.clear_ibuf [dreg:s6], $0x5FFFF;
	_ =	strace $0x90000049  }
0xb2: {  	s29 =	simm.s32 $0x9;
	_ =	strace $0x8000004B  }
0xb3: {  	_ =	swait.ge [sflag:s29], $0x1  }
0xb4: {  	[sflag:s29] =	ssyncadd.s32 $0xFFFFFFFF  }
0xb5: {  	_ =	strace $0x9000004B  }
0xb6: {  	_ =	sfence  }
0xb7: {  	s30 =	sld [smem:$0x0];
	_ =	sdelay $0x2  }
0xb8: {  	s31 =	sshll.u32 s1, $0xD;
	s1 =	sshrl.u32 s1, $0x2  }
0xb9: {  	s3 =	sand.u32 $0x4000, s31;
	s1 =	sadd.s32 s1, s30  }
0xba: {  	s0 =	sor.u32 s3, s0;
	s1 =	sshll.u32 s1, $0x11  }
0xbb: {  	s0 =	sor.u32 s1, s0  }
0xbc: {  	s0 =	sadd.s32 $0x8F2B, s0  }
0xbd: {  	[sflag:s0] =	ssyncadd.remote.s32 $0x1  }
0xbe: {  	_ =	sfence.sel $0xFFFF  }
0xbf: {  	[dreg:$0x0] =	wrdreg $0xFFFFFFFF;
	(pc) =	sbr.abs _section_cstart, $3  }
0xc0: {  	[dreg:$0x1] =	wrdreg $0xFFFFFFFF  }
0xc1: {  	_ =	task.clear_ibuf [dreg:s6], $0x2FFFF;
	_ =	strace $0x9FFFFFFF  }
0xc2: {  	(tm) =	ssettm $0x7FFFFFFF  }
0xc3: {  	_ =	shalt  }
tec
execute0_lowered:
.L_overlay_start_1:
0x0: {  	(tag) =	ssettag $0x1  }
0x1: {  	s0 =	srdreg.scid;
	s1 =	rddreg [dreg:$0x0]  }
0x2: {  	s2 =	rddreg [dreg:$0x1];
	s7 =	stileid.u32;
	s4 =	simm.s32 $0x0  }
0x3: {  	s11 =	simm.s32 $0x15;
	s13 =	simm.s32 $0x50;
	s14 =	simm.s32 $0x4E20  }
0x4: {  	s15 =	simm.s32 $0x6220;
	s17 =	simm.s32 $0x7620;
	s19 =	simm.s32 $0x8A20  }
0x5: {  	s21 =	simm.s32 $0x9E20;
	s22 =	simm.s32 $0x1;
	s28 =	simm.s32 $0x5  }
0x6: {  	s29 =	simm.s32 $0x10220;
	s30 =	simm.s32 $0x6;
	s12 =	simm.s32 $0x8  }
0x7: {  	s18 =	simm.s32 $0x9;
	s9 =	simm.s32 $0xD;
	s16 =	simm.s32 $0x0  }
0x8: {  	s0 =	sand.u32 $0x1, s0;
	[smem:$0x7FF] =	sst s4;
	s4 =	sadd.s32 $0x16000, s1  }
0x9: {  	s6 =	smul.u32 $0x9C40, s7;
	s8 =	sadd.s32 $0x29A00, s1;
	s3 =	sshll.u32 s0, $0x4  }
0xa: {  	_ =	strace $0x8000004A;
	s5 =	smul.u32 $0x13880, s0;
	s0 =	ssub.s32 $0x2, s0  }
0xb: {  	[dreg:$0x3] =	wrdreg s8;
	s8 =	simm.s32 $0xC;
	s3 =	sor.u32 s7, s3  }
0xc: {  	s23 =	sshrl.u32 s0, $0x1;
	s24 =	sadd.s32 s6, s2;
	s7 =	sshll.u32 s7, $0x6  }
0xd: {  	s26 =	sshrl.u32 s6, $0x3;
	s3 =	smul.u32 $0x4E2, s3;
	s0 =	ssub.s32 s0, s23  }
0xe: {  	s10 =	sor.u32 $0x1C15, s7;
	s6 =	sshrl.u32 s24, $0x3;
	s23 =	simm.s32 $0x2  }
0xf: {  	s7 =	simm.s32 $0xB;
	s24 =	simm.s32 $0xE;
	[dreg:$0x4] =	wrdreg s10  }
0x10: {  	s0 =	smax.u32 s0, $0x1;
	[dreg:$0x8] =	wrdreg s6;
	s3 =	sadd.s32 s3, s1  }
.Ltmp0:
0x11: {  	s1 =	sadd.s32 s5, s1;
	[dreg:$0x7] =	wrdreg s0;
	(pc) =	sbr.rel .LBB2_1-.Ltmp0, $4  }
0x12: {  	s0 =	simm.s32 $0x7;
	s5 =	simm.s32 $0xA;
	s25 =	sadd.s32 $0xC200, s3  }
0x13: {  	s3 =	sadd.s32 $0x2400, s3;
	s1 =	sadd.s32 $0x2AE00, s1;
	[dreg:$0x5] =	wrdreg s25  }
0x14: {  	[dreg:$0x6] =	wrdreg s3;
	s31 =	sadd.s32 s26, s1;
	s25 =	simm.s32 $0x3  }
0x15: {  	s26 =	simm.s32 $0x4;
	s3 =	simm.s32 $0xF;
	[dreg:$0x9] =	wrdreg s31  }
.LBB2_5:
0x16: {  	_ =	swait.ge [sflag:s7], $0x1400  }
0x17: {  	[sflag:s7] =	ssyncset.done $0x0  }
0x18: {  	[sflag:s7] =	ssyncadd.s32 $0xFFFFEC00  }
0x19: {  	_ =	swait.ge [sflag:s8], $0x1400  }
0x1a: {  	[sflag:s8] =	ssyncset.done $0x0  }
0x1b: {  	[sflag:s8] =	ssyncadd.s32 $0xFFFFEC00  }
0x1c: {  	_ =	swait.ge [sflag:s9], $0x1400  }
0x1d: {  	[sflag:s9] =	ssyncset.done $0x0  }
0x1e: {  	[sflag:s9] =	ssyncadd.s32 $0xFFFFEC00  }
0x1f: {  	_ =	swait.ge [sflag:s24], $0x1400  }
0x20: {  	[sflag:s24] =	ssyncset.done $0x0  }
0x21: {  	[sflag:s24] =	ssyncadd.s32 $0xFFFFEC00  }
0x22: {  	_ =	swait.ge [sflag:s3], $0x1400  }
0x23: {  	[sflag:s3] =	ssyncset.done $0x0  }
0x24: {  	s1 =	simm.s32 $0x10;
	[sflag:s3] =	ssyncadd.s32 $0xFFFFEC00  }
0x25: {  	_ =	swait.ge [sflag:s1], $0x1400  }
0x26: {  	[sflag:s1] =	ssyncset.done $0x0  }
0x27: {  	s6 =	simm.s32 $0x11;
	[sflag:s1] =	ssyncadd.s32 $0xFFFFEC00  }
0x28: {  	_ =	swait.ge [sflag:s6], $0x1400  }
0x29: {  	[sflag:s6] =	ssyncset.done $0x0  }
0x2a: {  	s10 =	simm.s32 $0x12;
	[sflag:s6] =	ssyncadd.s32 $0xFFFFEC00  }
0x2b: {  	_ =	swait.ge [sflag:s10], $0x1400  }
0x2c: {  	[sflag:s10] =	ssyncset.done $0x0  }
0x2d: {  	s11 =	simm.s32 $0x13;
	[sflag:s10] =	ssyncadd.s32 $0xFFFFEC00  }
0x2e: {  	_ =	swait.ge [sflag:s11], $0x1400  }
0x2f: {  	[sflag:s11] =	ssyncset.done $0x0  }
0x30: {  	s16 =	simm.s32 $0x14;
	[sflag:s11] =	ssyncadd.s32 $0xFFFFEC00  }
0x31: {  	_ =	swait.ge [sflag:s16], $0x1400  }
0x32: {  	[sflag:s16] =	ssyncset.done $0x0  }
0x33: {  	[sflag:s16] =	ssyncadd.s32 $0xFFFFEC00  }
0x34: {  	[bflag:$0x0] =	sbarrier.arrive $0xFFFF  }
0x35: {  	s10 =	rddreg [dreg:$0x4]  }
0x36: {  	s6 =	rddreg [dreg:$0x8]  }
0x37: {  	s11 =	simm.s32 $0x15;
	s20 =	rddreg [dreg:$0x9]  }
0x38: {  	[hbm:s20], [sflag:s10] =	dma.local [spmem:s6], $0x1388  }
0x39: {  	_ =	swait.ge [sflag:s11], $0x1388  }
0x3a: {  	s16 =	rddreg [dreg:$0xa]  }
0x3b: {  	s31 =	rddreg [dreg:$0x7];
	s16 =	sadd.s32 $0x1, s16  }
0x3c: {  	p0 =	sne.s32 s16, s31  }
.Ltmp1:
0x3d: {  	_ = 	snop;
	(pc) =	sbr.rel @!p0 .LBB2_6-.Ltmp1, $3  }
0x3e: {  	_ =	sdelay $0x1  }
0x3f: {  	[sflag:s11] =	ssyncset.done $0x0  }
0x40: {  	[sflag:s11] =	ssyncadd.s32 $0xFFFFEC78  }
.LBB2_1:
0x41: {  	[dreg:$0xa] =	wrdreg s16  }
0x42: {  	s1 =	rddreg [dreg:$0x3]  }
0x43: {  	[spmem:s6], [sflag:s10] =	dma.local [hbm:s1], $0x1388  }
0x44: {  	_ =	swait.ge [sflag:s11], $0x1388  }
0x45: {  	[sflag:s11] =	ssyncset.done $0x0  }
0x46: {  	s1 =	simm.s32 $0x0;
	s16 =	rddreg [dreg:$0x5];
	[sflag:s11] =	ssyncadd.s32 $0xFFFFEC78  }
0x47: {  	[tilespmem:s1], [sflag:$0x15] =	stream.linear.gather [hbm4b:s16+s1], $0x2710, $0x38;
	[tilespmem:$0x1B260] =	vst v63  }
0x48: {  	_ =	swait.ge [sflag:s11], $0x2710  }
0x49: {  	[sflag:s11] =	ssyncset.done $0x0  }
0x4a: {  	s31 =	simm.s32 $0x2710;
	s20 =	rddreg [dreg:$0x6];
	[sflag:s11] =	ssyncadd.s32 $0xFFFFD8F0  }
0x4b: {  	[tilespmem:s31], [sflag:$0x15] =	stream.linear.gather [hbm4b:s20+s1], $0x2710, $0x38;
	[tilespmem:$0x1B260] =	vst v63  }
0x4c: {  	_ =	swait.ge [sflag:s11], $0x2710  }
0x4d: {  	[sflag:s11] =	ssyncset.done $0x0  }
0x4e: {  	[sflag:s11] =	ssyncadd.s32 $0xFFFFD8F0  }
0x4f: {  	[bflag:$0x0] =	sbarrier.arrive $0xFFFF  }
0x50: {  	[tilespmem:s14], [sflag:$0x1] =	stream.indirect.gather [hbm4b:s4+s13], $0x40, s1, s13, $0xb8;
	[tilespmem:$0x1B260] =	vst v63  }
0x51: {  	_ = 	snop  }
0x52: {  	[tilespmem:s15], [sflag:$0x2] =	stream.indirect.gather [hbm4b:s4+s13], $0x40, s13, s13, $0xb8;
	[tilespmem:$0x1B260] =	vst v63  }
0x53: {  	s16 =	simm.s32 $0xA0  }
0x54: {  	[tilespmem:s17], [sflag:$0x3] =	stream.indirect.gather [hbm4b:s4+s13], $0x40, s16, s13, $0xb8;
	[tilespmem:$0x1B260] =	vst v63  }
.Ltmp2:
0x55: {  	_ = 	snop;
	(pc) =	sbr.rel .LBB2_2-.Ltmp2, $4  }
0x56: {  	s20 =	simm.s32 $0xF0  }
0x57: {  	[tilespmem:s19], [sflag:$0x4] =	stream.indirect.gather [hbm4b:s4+s13], $0x40, s20, s13, $0xb8;
	[tilespmem:$0x1B260] =	vst v63  }
0x58: {  	s10 =	simm.s32 $0x1;
	s31 =	simm.s32 $0x140;
	s11 =	simm.s32 $0x0  }
0x59: {  	[tilespmem:s21], [sflag:$0x5] =	stream.indirect.gather [hbm4b:s4+s13], $0x40, s31, s13, $0xb8;
	[tilespmem:$0x1B260] =	vst v63  }
.LBB2_4:
0x5a: {  	s11 =	sadd.s32 $0xC80, s11  }
0x5b: {  	p0 =	sne.s32 s11, $0xA280  }
.Ltmp3:
0x5c: {  	_ = 	snop;
	(pc) =	sbr.rel @!p0 .LBB2_5-.Ltmp3, $2  }
0x5d: {  	_ =	sdelay $0x2  }
0x5e: {  	s10 =	sadd.s32 $0x2, s10  }
.LBB2_2:
0x5f: {  	_ =	swait.ge [sflag:s22], $0x1400  }
0x60: {  	s6 =	sshra.s32 s11, $0x2;
	[sflag:s22] =	ssyncset.done $0x0  }
0x61: {  	s31 =	sadd.s32 $0x2710, s6;
	[sflag:s22] =	ssyncadd.s32 $0xFFFFEC00  }
0x62: {  	[spmem:s2] =	stream.indirect.scatter.add.f32 [tilespmem:s14], [sflag:$0xB], $0x40, s31, s13, $0xb8;
	[tilespmem:$0x1B260] =	vst v63  }
0x63: {  	_ =	swait.ge [sflag:s23], $0x1400  }
0x64: {  	[sflag:s23] =	ssyncset.done $0x0  }
0x65: {  	s20 =	sadd.s32 $0x2760, s6;
	[sflag:s23] =	ssyncadd.s32 $0xFFFFEC00  }
0x66: {  	[spmem:s2] =	stream.indirect.scatter.add.f32 [tilespmem:s15], [sflag:$0xC], $0x40, s20, s13, $0xb8;
	[tilespmem:$0x1B260] =	vst v63  }
0x67: {  	_ =	swait.ge [sflag:s25], $0x1400  }
0x68: {  	[sflag:s25] =	ssyncset.done $0x0  }
0x69: {  	s1 =	sadd.s32 $0x27B0, s6;
	[sflag:s25] =	ssyncadd.s32 $0xFFFFEC00  }
0x6a: {  	[spmem:s2] =	stream.indirect.scatter.add.f32 [tilespmem:s17], [sflag:$0xD], $0x40, s1, s13, $0xb8;
	[tilespmem:$0x1B260] =	vst v63  }
0x6b: {  	_ =	swait.ge [sflag:s26], $0x1400  }
0x6c: {  	[sflag:s26] =	ssyncset.done $0x0  }
0x6d: {  	p0 =	sgt.u32 s10, $0x18;
	s16 =	sadd.s32 $0x2800, s6;
	[sflag:s26] =	ssyncadd.s32 $0xFFFFEC00  }
0x6e: {  	[spmem:s2] =	stream.indirect.scatter.add.f32 [tilespmem:s19], [sflag:$0xE], $0x40, s16, s13, $0xb8;
	[tilespmem:$0x1B260] =	vst v63  }
.Ltmp4:
0x6f: {  	_ = 	snop;
	(pc) =	sbr.rel @p0 .LBB2_4-.Ltmp4, $4  }
0x70: {  	_ =	swait.ge [sflag:s28], $0x1400  }
0x71: {  	[sflag:s28] =	ssyncset.done $0x0  }
0x72: {  	s20 =	sadd.s32 $0x2850, s6;
	[sflag:s28] =	ssyncadd.s32 $0xFFFFEC00  }
0x73: {  	[spmem:s2] =	stream.indirect.scatter.add.f32 [tilespmem:s21], [sflag:$0xF], $0x40, s20, s13, $0xb8;
	[tilespmem:$0x1B260] =	vst v63  }
0x74: {  	p0 =	sne.s32 s11, $0x0  }
0x75: {  	s31 =	simm.s32 @p0 $0x10  }
0x76: {  	_ =	swait.ge @p0 [sflag:s31], $0x1400  }
0x77: {  	[sflag:s31] =	ssyncset.done @p0 $0x0  }
0x78: {  	[sflag:s31] =	ssyncadd.s32 @p0 $0xFFFFEC00;
	s31 =	sshra.s32 @p0 s11, $0x2  }
0x79: {  	s16 =	simm.s32 @p0 $0x50;
	s20 =	simm.s32 @p0 $0xB220;
	s1 =	sadd.s32 @p0 $0x190, s31  }
0x7a: {  	[tilespmem:s20], [sflag:$0x6] =	stream.indirect.gather @p0 [hbm4b:s4+s16], $0x40, s1, s16, $0xb8;
	[tilespmem:$0x1B260] =	vst v63  }
0x7b: {  	s1 =	simm.s32 @p0 $0x11  }
0x7c: {  	_ =	swait.ge @p0 [sflag:s1], $0x1400  }
0x7d: {  	[sflag:s1] =	ssyncset.done @p0 $0x0  }
0x7e: {  	s20 =	simm.s32 @p0 $0xC620;
	[sflag:s1] =	ssyncadd.s32 @p0 $0xFFFFEC00;
	s1 =	sadd.s32 @p0 $0x1E0, s31  }
0x7f: {  	[tilespmem:s20], [sflag:$0x7] =	stream.indirect.gather @p0 [hbm4b:s4+s16], $0x40, s1, s16, $0xb8;
	[tilespmem:$0x1B260] =	vst v63  }
0x80: {  	s1 =	simm.s32 @p0 $0x12  }
0x81: {  	_ =	swait.ge @p0 [sflag:s1], $0x1400  }
0x82: {  	[sflag:s1] =	ssyncset.done @p0 $0x0  }
0x83: {  	s20 =	simm.s32 @p0 $0xDA20;
	[sflag:s1] =	ssyncadd.s32 @p0 $0xFFFFEC00;
	s1 =	sadd.s32 @p0 $0x230, s31  }
0x84: {  	[tilespmem:s20], [sflag:$0x8] =	stream.indirect.gather @p0 [hbm4b:s4+s16], $0x40, s1, s16, $0xb8;
	[tilespmem:$0x1B260] =	vst v63  }
0x85: {  	s1 =	simm.s32 @p0 $0x13  }
0x86: {  	_ =	swait.ge @p0 [sflag:s1], $0x1400  }
0x87: {  	[sflag:s1] =	ssyncset.done @p0 $0x0  }
0x88: {  	s20 =	simm.s32 @p0 $0xEE20;
	[sflag:s1] =	ssyncadd.s32 @p0 $0xFFFFEC00;
	s1 =	sadd.s32 @p0 $0x280, s31  }
0x89: {  	[tilespmem:s20], [sflag:$0x9] =	stream.indirect.gather @p0 [hbm4b:s4+s16], $0x40, s1, s16, $0xb8;
	[tilespmem:$0x1B260] =	vst v63  }
0x8a: {  	s1 =	simm.s32 @p0 $0x14  }
0x8b: {  	_ =	swait.ge @p0 [sflag:s1], $0x1400  }
0x8c: {  	[sflag:s1] =	ssyncset.done @p0 $0x0  }
0x8d: {  	[sflag:s1] =	ssyncadd.s32 @p0 $0xFFFFEC00;
	s1 =	sshra.s32 @!p0 s11, $0x2  }
0x8e: {  	s31 =	simm.s32 @!p0 $0xB220;
	s20 =	simm.s32 @!p0 $0x50;
	s16 =	sadd.s32 @!p0 $0x190, s1  }
0x8f: {  	[tilespmem:s31], [sflag:$0x6] =	stream.indirect.gather @!p0 [hbm4b:s4+s20], $0x40, s16, s20, $0xb8;
	[tilespmem:$0x1B260] =	vst v63  }
0x90: {  	s16 =	sadd.s32 @!p0 $0x1E0, s1;
	s31 =	simm.s32 @!p0 $0xC620  }
0x91: {  	[tilespmem:s31], [sflag:$0x7] =	stream.indirect.gather @!p0 [hbm4b:s4+s20], $0x40, s16, s20, $0xb8;
	[tilespmem:$0x1B260] =	vst v63  }
0x92: {  	s16 =	sadd.s32 @!p0 $0x230, s1;
	s31 =	simm.s32 @!p0 $0xDA20  }
0x93: {  	[tilespmem:s31], [sflag:$0x8] =	stream.indirect.gather @!p0 [hbm4b:s4+s20], $0x40, s16, s20, $0xb8;
	[tilespmem:$0x1B260] =	vst v63  }
0x94: {  	s1 =	sadd.s32 @!p0 $0x280, s1;
	s16 =	simm.s32 @!p0 $0xEE20  }
0x95: {  	[tilespmem:s16], [sflag:$0x9] =	stream.indirect.gather @!p0 [hbm4b:s4+s20], $0x40, s1, s20, $0xb8;
	[tilespmem:$0x1B260] =	vst v63  }
0x96: {  	s16 =	sadd.s32 $0x2D0, s6  }
0x97: {  	[tilespmem:s29], [sflag:$0xA] =	stream.indirect.gather [hbm4b:s4+s13], $0x40, s16, s13, $0xb8;
	[tilespmem:$0x1B260] =	vst v63  }
0x98: {  	_ =	swait.ge [sflag:s30], $0x1400  }
0x99: {  	[sflag:s30] =	ssyncset.done $0x0  }
0x9a: {  	s31 =	simm.s32 $0xB220;
	s20 =	sadd.s32 $0x28A0, s6;
	[sflag:s30] =	ssyncadd.s32 $0xFFFFEC00  }
0x9b: {  	[spmem:s2] =	stream.indirect.scatter.add.f32 [tilespmem:s31], [sflag:$0x10], $0x40, s20, s13, $0xb8;
	[tilespmem:$0x1B260] =	vst v63  }
0x9c: {  	_ =	swait.ge [sflag:s0], $0x1400  }
0x9d: {  	[sflag:s0] =	ssyncset.done $0x0  }
0x9e: {  	s20 =	sadd.s32 $0x28F0, s6;
	s31 =	simm.s32 $0xC620;
	[sflag:s0] =	ssyncadd.s32 $0xFFFFEC00  }
0x9f: {  	[spmem:s2] =	stream.indirect.scatter.add.f32 [tilespmem:s31], [sflag:$0x11], $0x40, s20, s13, $0xb8;
	[tilespmem:$0x1B260] =	vst v63  }
0xa0: {  	_ =	swait.ge [sflag:s12], $0x1400  }
0xa1: {  	[sflag:s12] =	ssyncset.done $0x0  }
0xa2: {  	s20 =	sadd.s32 $0x2940, s6;
	s31 =	simm.s32 $0xDA20;
	[sflag:s12] =	ssyncadd.s32 $0xFFFFEC00  }
0xa3: {  	[spmem:s2] =	stream.indirect.scatter.add.f32 [tilespmem:s31], [sflag:$0x12], $0x40, s20, s13, $0xb8;
	[tilespmem:$0x1B260] =	vst v63  }
0xa4: {  	_ =	swait.ge [sflag:s18], $0x1400  }
0xa5: {  	[sflag:s18] =	ssyncset.done $0x0  }
0xa6: {  	s20 =	sadd.s32 $0x2990, s6;
	s31 =	simm.s32 $0xEE20;
	[sflag:s18] =	ssyncadd.s32 $0xFFFFEC00  }
0xa7: {  	[spmem:s2] =	stream.indirect.scatter.add.f32 [tilespmem:s31], [sflag:$0x13], $0x40, s20, s13, $0xb8;
	[tilespmem:$0x1B260] =	vst v63  }
0xa8: {  	_ =	swait.ge [sflag:s5], $0x1400  }
0xa9: {  	[sflag:s5] =	ssyncset.done $0x0  }
0xaa: {  	s16 =	sadd.s32 $0x29E0, s6;
	[sflag:s5] =	ssyncadd.s32 $0xFFFFEC00  }
0xab: {  	[spmem:s2] =	stream.indirect.scatter.add.f32 [tilespmem:s29], [sflag:$0x14], $0x40, s16, s13, $0xb8;
	[tilespmem:$0x1B260] =	vst v63  }
0xac: {  	_ =	swait.ge [sflag:s7], $0x1400  }
0xad: {  	[sflag:s7] =	ssyncset.done $0x0  }
0xae: {  	s20 =	sadd.s32 $0x320, s6;
	[sflag:s7] =	ssyncadd.s32 $0xFFFFEC00  }
0xaf: {  	[tilespmem:s14], [sflag:$0x1] =	stream.indirect.gather [hbm4b:s4+s13], $0x40, s20, s13, $0xb8;
	[tilespmem:$0x1B260] =	vst v63  }
0xb0: {  	_ =	swait.ge [sflag:s8], $0x1400  }
0xb1: {  	[sflag:s8] =	ssyncset.done $0x0  }
0xb2: {  	s31 =	sadd.s32 $0x370, s6;
	[sflag:s8] =	ssyncadd.s32 $0xFFFFEC00  }
0xb3: {  	[tilespmem:s15], [sflag:$0x2] =	stream.indirect.gather [hbm4b:s4+s13], $0x40, s31, s13, $0xb8;
	[tilespmem:$0x1B260] =	vst v63  }
0xb4: {  	_ =	swait.ge [sflag:s9], $0x1400  }
0xb5: {  	[sflag:s9] =	ssyncset.done $0x0  }
0xb6: {  	s16 =	sadd.s32 $0x3C0, s6;
	[sflag:s9] =	ssyncadd.s32 $0xFFFFEC00  }
0xb7: {  	[tilespmem:s17], [sflag:$0x3] =	stream.indirect.gather [hbm4b:s4+s13], $0x40, s16, s13, $0xb8;
	[tilespmem:$0x1B260] =	vst v63  }
0xb8: {  	_ =	swait.ge [sflag:s24], $0x1400  }
0xb9: {  	[sflag:s24] =	ssyncset.done $0x0  }
0xba: {  	s20 =	sadd.s32 $0x410, s6;
	[sflag:s24] =	ssyncadd.s32 $0xFFFFEC00  }
0xbb: {  	[tilespmem:s19], [sflag:$0x4] =	stream.indirect.gather [hbm4b:s4+s13], $0x40, s20, s13, $0xb8;
	[tilespmem:$0x1B260] =	vst v63  }
.Ltmp5:
0xbc: {  	_ = 	snop;
	(pc) =	sbr.rel .LBB2_4-.Ltmp5, $4  }
0xbd: {  	_ =	swait.ge [sflag:s3], $0x1400  }
0xbe: {  	[sflag:s3] =	ssyncset.done $0x0  }
0xbf: {  	s31 =	sadd.s32 $0x460, s6;
	[sflag:s3] =	ssyncadd.s32 $0xFFFFEC00  }
0xc0: {  	[tilespmem:s21], [sflag:$0x5] =	stream.indirect.gather [hbm4b:s4+s13], $0x40, s31, s13, $0xb8;
	[tilespmem:$0x1B260] =	vst v63  }
.LBB2_6:
0xc1: {  	_ =	sfence.sel $0x180000  }
0xc2: {  	[bflag:$0x0] =	sbarrier.arrive $0xFFFF  }
0xc3: {  	_ =	strace $0x9000004A  }
0xc4: {  	s0 =	stileid.u32;
	[bflag:$0x2] =	sbarrier.arrive $0xFFFF  }
0xc5: {  	p0 =	sne.s32 s0, $0x0;
	s0 =	rddreg [dreg:$0x2]  }
0xc6: {  	s0 =	sadd.s32 @!p0 $0x100000, s0  }
0xc7: {  	[sflag:s0] =	ssyncadd.tile.s32 @!p0 $0x1;
	_ =	shalt  }
.Lfunc_end2:
_tile_overlayer_lowered:
.L_overlay_start_2:
0xc8: {  	(tag) =	ssettag $0x2  }
0xc9: {  	s0 =	rddreg [dreg:$0x0];
	s2 =	stileid.u32  }
0xca: {  	s1 =	rddreg [dreg:$0x1];
	p0 =	sne.s32 s2, $0x0  }
0xcb: {  	s3 =	rddreg [dreg:$0x2];
	[bflag:$0x3] =	sbarrier.arrive $0xFFFF;
	s2 =	simm.s32 @!p0 $0x1C15  }
0xcc: {  	[timem:s3], [sflag:s2] =	dma.local @!p0 [hbm:s0], s1  }
0xcd: {  	s0 =	simm.s32 @!p0 $0x15  }
0xce: {  	_ =	swait.ge @!p0 [sflag:s0], s1  }
0xcf: {  	s1 =	ssub.s32 @!p0 $0x0, s1;
	[sflag:s0] =	ssyncset.done @!p0 $0x0  }
0xd0: {  	[sflag:s0] =	ssyncadd.s32 @!p0 s1  }
0xd1: {  	[bflag:$0x3] =	sbarrier.arrive $0xFFFF  }
0xd2: {  	_ =	shalt  }

</sc_bundles>
